<compile_context>
chip_gen: v7x
topology: tpu7x:2x2x1
jax: 0.10.2.dev20260603
libtpu: 0.0.44.dev20260713+nightly
codegen_flags: <defaults>
</compile_context>

<pallas_src>
import jax
import jax.numpy as jnp
from jax import lax
from jax.experimental import pallas as pl
from jax.experimental.pallas import tpu as pltpu
from jax.experimental.pallas import tpu_sc as plsc

N = 10000
NP = 10240
D = 128
E = 320000
NC, NS = 2, 16
NW = NC * NS
CB = 128
NCH = 80
TCH = NW * NCH
EP = TCH * CB
RPT = NP // NS
DW = 128

_MESH = plsc.VectorSubcoreMesh(
    core_axis_name="c", subcore_axis_name="s", num_cores=NC, num_subcores=NS
)




def _prop_body(g_hbm, src_hbm, dst_hbm, zeros_hbm, out_hbm,
               srcb, dst_v, rows_v, acc_sh, gsem0, gsem1, isem0, isem1):
    gsem = (gsem0, gsem1)
    isem = (isem0, isem1)
    c = lax.axis_index("c")
    s = lax.axis_index("s")
    off = (c * NS + s) * NCH

    def start_src(j, b):
        pltpu.async_copy(src_hbm.at[off + j], srcb.at[b], isem[b])

    def wait_src(j, b):
        pltpu.make_async_copy(src_hbm.at[off + j], srcb.at[b],
                              isem[b]).wait()

    def start_gather(b):
        pltpu.async_copy(g_hbm.at[srcb.at[b]], rows_v.at[b], gsem[b])

    def wait_gather(b):
        pltpu.make_async_copy(g_hbm.at[srcb.at[b]], rows_v.at[b],
                              gsem[b]).wait()

    start_src(0, 0)
    pltpu.sync_copy(zeros_hbm, acc_sh.at[pl.ds(s * RPT, RPT)])
    pltpu.sync_copy(dst_hbm.at[pl.ds(off, NCH)], dst_v)
    plsc.subcore_barrier()
    wait_src(0, 0)
    start_gather(0)
    start_src(1, 1)

    def step(j, b, more_gather, more_src):
        wait_gather(b)
        if more_gather:
            wait_src(j + 1, 1 - b)
            start_gather(1 - b)
        pltpu.sync_copy(rows_v.at[b], acc_sh.at[dst_v.at[j]], add=True)
        if more_src:
            start_src(j + 2, b)

    def middle(k, carry):
        j0 = k * 2
        step(j0, 0, more_gather=True, more_src=True)
        step(j0 + 1, 1, more_gather=True, more_src=True)
        return carry

    lax.fori_loop(0, NCH // 2 - 1, middle, 0)
    step(NCH - 2, 0, more_gather=True, more_src=False)
    step(NCH - 1, 1, more_gather=False, more_src=False)

    plsc.subcore_barrier()
    pltpu.sync_copy(
        acc_sh.at[pl.ds(s * RPT, RPT)], out_hbm.at[c, pl.ds(s * RPT, RPT)]
    )


_prop = pl.kernel(
    _prop_body,
    out_type=jax.ShapeDtypeStruct((NC, NP, D), jnp.float32),
    mesh=_MESH,
    scratch_types=[
        pltpu.VMEM((2, CB), jnp.int32),
        pltpu.VMEM((NCH, CB), jnp.int32),
        pltpu.VMEM((2, CB, D), jnp.float32),
        pltpu.VMEM_SHARED((NP, D), jnp.float32),
        pltpu.SemaphoreType.DMA,
        pltpu.SemaphoreType.DMA,
        pltpu.SemaphoreType.DMA,
        pltpu.SemaphoreType.DMA,
    ],
)



def _deg_body(dst_hbm, ones_hbm, zeros_hbm, out_hbm, dst_v, ones_v, acc_sh):
    c = lax.axis_index("c")
    s = lax.axis_index("s")
    wid = c * NS + s
    pltpu.sync_copy(zeros_hbm, acc_sh.at[pl.ds(s * RPT, RPT)])
    pltpu.sync_copy(ones_hbm, ones_v)
    pltpu.sync_copy(dst_hbm.at[pl.ds(wid * NCH, NCH)], dst_v)
    plsc.subcore_barrier()

    def body(j, carry):
        pltpu.sync_copy(ones_v, acc_sh.at[dst_v.at[j]], add=True)
        return carry

    lax.fori_loop(0, NCH, body, 0)
    plsc.subcore_barrier()
    pltpu.sync_copy(
        acc_sh.at[pl.ds(s * RPT, RPT)], out_hbm.at[c, pl.ds(s * RPT, RPT)]
    )


_deg = pl.kernel(
    _deg_body,
    out_type=jax.ShapeDtypeStruct((NC, NP, D), jnp.float32),
    mesh=_MESH,
    scratch_types=[
        pltpu.VMEM((NCH, CB), jnp.int32),
        pltpu.VMEM((CB, D), jnp.float32),
        pltpu.VMEM_SHARED((NP, D), jnp.float32),
    ],
)



BM = 1024


def _dinv_deginv(dp):
    deg = 1.0 + dp[0, :, 0] + dp[1, :, 0]
    return lax.rsqrt(deg), 1.0 / deg


def _dense0_body(x_ref, w_ref, dp_ref, t_ref, g_ref):
    dinv, _ = _dinv_deginv(dp_ref[...])
    t = jnp.dot(x_ref[...], w_ref[...], preferred_element_type=jnp.float32)
    t_ref[...] = t
    g_ref[...] = t * dinv[:, None]


def _mid_body(acc_ref, t_ref, b_ref, dp_ref, w_ref, tn_ref, gn_ref):
    dinv, deginv = _dinv_deginv(dp_ref[...])
    agg = ((acc_ref[0] + acc_ref[1]) * dinv[:, None]
           + t_ref[...] * deginv[:, None] + b_ref[...])
    h = jax.nn.sigmoid(agg)
    t = jnp.dot(h, w_ref[...], preferred_element_type=jnp.float32)
    tn_ref[...] = t
    gn_ref[...] = t * dinv[:, None]


def _fin_body(acc_ref, t_ref, b_ref, dp_ref, o_ref):
    dinv, deginv = _dinv_deginv(dp_ref[...])
    o_ref[...] = ((acc_ref[0] + acc_ref[1]) * dinv[:, None]
                  + t_ref[...] * deginv[:, None] + b_ref[...])


_spec_rows = pl.BlockSpec((BM, D), lambda i: (i, 0))
_spec_w = pl.BlockSpec((D, D), lambda i: (0, 0))
_spec_b = pl.BlockSpec((1, D), lambda i: (0, 0))
_spec_dp = pl.BlockSpec((NC, BM, DW), lambda i: (0, i, 0))
_spec_acc = pl.BlockSpec((NC, BM, D), lambda i: (0, i, 0))
_GRID = (NP // BM,)
_row_ty = jax.ShapeDtypeStruct((NP, D), jnp.float32)

_dense0 = pl.pallas_call(
    _dense0_body,
    grid=_GRID,
    in_specs=[_spec_rows, _spec_w, _spec_dp],
    out_specs=[_spec_rows, _spec_rows],
    out_shape=[_row_ty, _row_ty],
)

_mid = pl.pallas_call(
    _mid_body,
    grid=_GRID,
    in_specs=[_spec_acc, _spec_rows, _spec_b, _spec_dp, _spec_w],
    out_specs=[_spec_rows, _spec_rows],
    out_shape=[_row_ty, _row_ty],
)

_fin = pl.pallas_call(
    _fin_body,
    grid=_GRID,
    in_specs=[_spec_acc, _spec_rows, _spec_b, _spec_dp],
    out_specs=_spec_rows,
    out_shape=_row_ty,
)



@jax.jit
def kernel(x, edge_attr, edge_index, W0, b0, W1, b1, W2, b2):
    del edge_attr
    src = edge_index[0]
    dst = edge_index[1]
    pad = EP - E
    pad_dst = N + jnp.arange(pad, dtype=jnp.int32) % (NP - N)
    pad_src = (jnp.arange(pad, dtype=jnp.int32) * 131) % N
    src_p = jnp.concatenate([src, pad_src]).reshape(TCH, CB)
    dst_p = jnp.concatenate([dst, pad_dst]).reshape(TCH, CB)
    x_p = jnp.pad(x, ((0, NP - N), (0, 0)))
    zeros_rows = jnp.zeros((RPT, D), jnp.float32)
    ones_rows = jnp.ones((CB, D), jnp.float32)

    dp = _deg(dst_p, ones_rows, zeros_rows)
    t0, g0 = _dense0(x_p, W0, dp)
    a0 = _prop(g0, src_p, dst_p, zeros_rows)
    t1, g1 = _mid(a0, t0, b0.reshape(1, D), dp, W1)
    a1 = _prop(g1, src_p, dst_p, zeros_rows)
    t2, g2 = _mid(a1, t1, b1.reshape(1, D), dp, W2)
    a2 = _prop(g2, src_p, dst_p, zeros_rows)
    out = _fin(a2, t2, b2.reshape(1, D), dp)
    return out[:N]

# --- scband reference (transcript-rebuilt; emitter-appended) ---
"""Pipeline reference for scband-gcn-node-44272522887302 (READ-ONLY COPY).

The authoritative reference and input builder live on the scoring server;
editing this copy changes nothing except your own understanding.
"""

import jax, jax.numpy as jnp
import numpy as np

N = 10000
E = 320000
D_IN = 128
D_H = 128
D_OUT = 128


def setup_inputs(seed: int = 0) -> dict:
    key = jax.random.key(seed)
    ks = jax.random.split(key, 10)
    x = jax.random.normal(ks[0], (N, D_IN), dtype=jnp.float32)
    edge_attr = jax.random.normal(ks[1], (E, 4), dtype=jnp.float32)
    edge_index = jax.random.randint(ks[2], (2, E), 0, N, dtype=jnp.int32)
    W0 = jax.random.normal(ks[3], (D_IN, D_H), dtype=jnp.float32) * 0.05
    b0 = jnp.zeros((D_H,), dtype=jnp.float32)
    W1 = jax.random.normal(ks[4], (D_H, D_H), dtype=jnp.float32) * 0.05
    b1 = jnp.zeros((D_H,), dtype=jnp.float32)
    W2 = jax.random.normal(ks[5], (D_H, D_OUT), dtype=jnp.float32) * 0.05
    b2 = jnp.zeros((D_OUT,), dtype=jnp.float32)
    return {"x": x, "edge_attr": edge_attr, "edge_index": edge_index,
            "W0": W0, "b0": b0, "W1": W1, "b1": b1, "W2": W2, "b2": b2}


def _gcn_conv(x, W, b, src, dst):
    # PyG GCNConv: add self-loops, symmetric normalization D^{-1/2}(A+I)D^{-1/2} X W + b
    h = x @ W
    loop = jnp.arange(N, dtype=src.dtype)
    src2 = jnp.concatenate([src, loop])
    dst2 = jnp.concatenate([dst, loop])
    deg = jax.ops.segment_sum(jnp.ones((src2.shape[0],), dtype=x.dtype), dst2, num_segments=N)
    deg_inv_sqrt = jnp.where(deg > 0, 1.0 / jnp.sqrt(deg), 0.0)
    norm = deg_inv_sqrt[src2] * deg_inv_sqrt[dst2]
    msg = h[src2] * norm[:, None]
    out = jax.ops.segment_sum(msg, dst2, num_segments=N)
    return out + b


def reference(x, edge_attr, edge_index, W0, b0, W1, b1, W2, b2):
    src, dst = edge_index[0], edge_index[1]
    h = jax.nn.sigmoid(_gcn_conv(x, W0, b0, src, dst))
    h = jax.nn.sigmoid(_gcn_conv(h, W1, b1, src, dst))
    # dropout(p=0.1) is identity in eval mode
    return _gcn_conv(h, W2, b2, src, dst)

if __name__ == "__main__":
    import jax
    _d = setup_inputs()
    print(jax.jit(kernel)(*tuple(_d.values())))

</pallas_src>

<mosaic_0001>
#map = affine_map<(d0, d1) -> (0, 0)>
#map1 = affine_map<(d0, d1) -> (0, 0, 0)>
module attributes {stable_mosaic.version = 14 : i64} {
  func.func @_prop_body(%arg0: i32, %arg1: i32, %arg2: memref<10240x128xf32, #tpu.memory_space<hbm>>, %arg3: memref<2560x128xi32, #tpu.memory_space<hbm>>, %arg4: memref<2560x128xi32, #tpu.memory_space<hbm>>, %arg5: memref<640x128xf32, #tpu.memory_space<hbm>>, %arg6: memref<2x10240x128xf32, #tpu.memory_space<hbm>>, %arg7: memref<2x128xi32, #tpu.memory_space<vmem>>, %arg8: memref<80x128xi32, #tpu.memory_space<vmem>>, %arg9: memref<2x128x128xf32, #tpu.memory_space<vmem>>, %arg10: memref<10240x128xf32, #tpu.memory_space<vmem_shared>>, %arg11: memref<!tpu.dma_semaphore, #tpu.memory_space<semaphore_mem>>, %arg12: memref<!tpu.dma_semaphore, #tpu.memory_space<semaphore_mem>>, %arg13: memref<!tpu.dma_semaphore, #tpu.memory_space<semaphore_mem>>, %arg14: memref<!tpu.dma_semaphore, #tpu.memory_space<semaphore_mem>>) attributes {dimension_semantics = [#tpu.dimension_semantics<core_parallel>, #tpu.dimension_semantics<subcore_parallel>], iteration_bounds = array<i64: 2, 16>, scalar_prefetch = 0 : i64, scratch_operands = 8 : i64, tpu.core_type = #tpu.core_type<sc_vector_subcore>, window_params = [{transform_indices = #map}, {transform_indices = #map}, {transform_indices = #map}, {transform_indices = #map}, {transform_indices = #map1}]} {
    %mul3A = arith.constant 16 : i32
    %mul3A_0 = arith.muli %arg0, %mul3A : i32
    %add3A = arith.addi %mul3A_0, %arg1 : i32
    %mul3A_1 = arith.constant 80 : i32
    %mul3A_2 = arith.muli %add3A, %mul3A_1 : i32
    %add3A_3 = arith.constant 0 : i32
    %add3A_4 = arith.addi %mul3A_2, %add3A_3 : i32
    %dma_start3A = arith.constant 0 : i32
    %dma_start3A_5 = arith.constant 0 : i32
    %dma_start3A_6 = tpu.memref_slice %arg7[%dma_start3A, %dma_start3A_5] : memref<2x128xi32, #tpu.memory_space<vmem>> -> memref<1x128xi32, #tpu.memory_space<vmem>>
    %dma_start3A_7 = tpu.memref_squeeze %dma_start3A_6 : memref<1x128xi32, #tpu.memory_space<vmem>> -> memref<128xi32, #tpu.memory_space<vmem>>
    %dma_start3A_8 = arith.constant 0 : i32
    %dma_start3A_9 = tpu.memref_slice %arg3[%add3A_4, %dma_start3A_8] : memref<2560x128xi32, #tpu.memory_space<hbm>> -> memref<1x128xi32, #tpu.memory_space<hbm>>
    %dma_start3A_10 = tpu.memref_squeeze %dma_start3A_9 : memref<1x128xi32, #tpu.memory_space<hbm>> -> memref<128xi32, #tpu.memory_space<hbm>>
    %dma_start3A_11 = arith.constant 0 : i32
    %dma_start3A_12 = tpu.memref_slice %arg7[%dma_start3A, %dma_start3A_11] : memref<2x128xi32, #tpu.memory_space<vmem>> -> memref<1x128xi32, #tpu.memory_space<vmem>>
    %dma_start3A_13 = tpu.memref_squeeze %dma_start3A_12 : memref<1x128xi32, #tpu.memory_space<vmem>> -> memref<128xi32, #tpu.memory_space<vmem>>
    %dma_start3A_14 = arith.constant 0 : i32
    %dma_start3A_15 = tpu.memref_slice %arg3[%add3A_4, %dma_start3A_14] : memref<2560x128xi32, #tpu.memory_space<hbm>> -> memref<1x128xi32, #tpu.memory_space<hbm>>
    %dma_start3A_16 = tpu.memref_squeeze %dma_start3A_15 : memref<1x128xi32, #tpu.memory_space<hbm>> -> memref<128xi32, #tpu.memory_space<hbm>>
    tpu.enqueue_dma source(%dma_start3A_16 : memref<128xi32, #tpu.memory_space<hbm>>) target(%dma_start3A_13 : memref<128xi32, #tpu.memory_space<vmem>>) target_semaphore(%arg13 : memref<!tpu.dma_semaphore, #tpu.memory_space<semaphore_mem>>)
    %mul3A_17 = arith.constant 640 : i32
    %mul3A_18 = arith.muli %arg1, %mul3A_17 : i32
    "tpu.region"() ({
      %run_scoped3A_124 = tpu.sem_alloc : memref<!tpu.dma_semaphore, #tpu.memory_space<semaphore_mem>>
      %dma_start3A_125 = arith.constant 0 : i32
      %dma_start3A_126 = tpu.memref_slice %arg10[%mul3A_18, %dma_start3A_125] : memref<10240x128xf32, #tpu.memory_space<vmem_shared>> -> memref<640x128xf32, #tpu.memory_space<vmem_shared>>
      tpu.enqueue_dma source(%arg5 : memref<640x128xf32, #tpu.memory_space<hbm>>) target(%dma_start3A_126 : memref<640x128xf32, #tpu.memory_space<vmem_shared>>) target_semaphore(%run_scoped3A_124 : memref<!tpu.dma_semaphore, #tpu.memory_space<semaphore_mem>>)
      %dma_wait3A_127 = arith.constant 0 : i32
      %dma_wait3A_128 = tpu.memref_slice %arg10[%mul3A_18, %dma_wait3A_127] : memref<10240x128xf32, #tpu.memory_space<vmem_shared>> -> memref<640x128xf32, #tpu.memory_space<vmem_shared>>
      tpu.wait_dma2 semaphore(%run_scoped3A_124 : memref<!tpu.dma_semaphore, #tpu.memory_space<semaphore_mem>>) src(%arg5 : memref<640x128xf32, #tpu.memory_space<hbm>>) dst(%dma_wait3A_128 : memref<640x128xf32, #tpu.memory_space<vmem_shared>>)
      tpu.yield
    }) : () -> ()
    "tpu.region"() ({
      %run_scoped3A_124 = tpu.sem_alloc : memref<!tpu.dma_semaphore, #tpu.memory_space<semaphore_mem>>
      %dma_start3A_125 = arith.constant 0 : i32
      %dma_start3A_126 = tpu.memref_slice %arg4[%mul3A_2, %dma_start3A_125] : memref<2560x128xi32, #tpu.memory_space<hbm>> -> memref<80x128xi32, #tpu.memory_space<hbm>>
      %dma_start3A_127 = arith.constant 0 : i32
      %dma_start3A_128 = tpu.memref_slice %arg4[%mul3A_2, %dma_start3A_127] : memref<2560x128xi32, #tpu.memory_space<hbm>> -> memref<80x128xi32, #tpu.memory_space<hbm>>
      tpu.enqueue_dma source(%dma_start3A_128 : memref<80x128xi32, #tpu.memory_space<hbm>>) target(%arg8 : memref<80x128xi32, #tpu.memory_space<vmem>>) target_semaphore(%run_scoped3A_124 : memref<!tpu.dma_semaphore, #tpu.memory_space<semaphore_mem>>)
      %dma_wait3A_129 = arith.constant 0 : i32
      %dma_wait3A_130 = tpu.memref_slice %arg4[%mul3A_2, %dma_wait3A_129] : memref<2560x128xi32, #tpu.memory_space<hbm>> -> memref<80x128xi32, #tpu.memory_space<hbm>>
      %dma_wait3A_131 = arith.constant 0 : i32
      %dma_wait3A_132 = tpu.memref_slice %arg4[%mul3A_2, %dma_wait3A_131] : memref<2560x128xi32, #tpu.memory_space<hbm>> -> memref<80x128xi32, #tpu.memory_space<hbm>>
      tpu.wait_dma2 semaphore(%run_scoped3A_124 : memref<!tpu.dma_semaphore, #tpu.memory_space<semaphore_mem>>) src(%dma_wait3A_132 : memref<80x128xi32, #tpu.memory_space<hbm>>) dst(%arg8 : memref<80x128xi32, #tpu.memory_space<vmem>>)
      tpu.yield
    }) : () -> ()
    %barrier3A = arith.constant 0 : index
    tpu.barrier barrier_id(%barrier3A)
    %add3A_19 = arith.constant 0 : i32
    %add3A_20 = arith.addi %mul3A_2, %add3A_19 : i32
    %dma_wait3A = arith.constant 0 : i32
    %dma_wait3A_21 = arith.constant 0 : i32
    %dma_wait3A_22 = tpu.memref_slice %arg7[%dma_wait3A, %dma_wait3A_21] : memref<2x128xi32, #tpu.memory_space<vmem>> -> memref<1x128xi32, #tpu.memory_space<vmem>>
    %dma_wait3A_23 = tpu.memref_squeeze %dma_wait3A_22 : memref<1x128xi32, #tpu.memory_space<vmem>> -> memref<128xi32, #tpu.memory_space<vmem>>
    %dma_wait3A_24 = arith.constant 0 : i32
    %dma_wait3A_25 = tpu.memref_slice %arg3[%add3A_20, %dma_wait3A_24] : memref<2560x128xi32, #tpu.memory_space<hbm>> -> memref<1x128xi32, #tpu.memory_space<hbm>>
    %dma_wait3A_26 = tpu.memref_squeeze %dma_wait3A_25 : memref<1x128xi32, #tpu.memory_space<hbm>> -> memref<128xi32, #tpu.memory_space<hbm>>
    %dma_wait3A_27 = arith.constant 0 : i32
    %dma_wait3A_28 = tpu.memref_slice %arg7[%dma_wait3A, %dma_wait3A_27] : memref<2x128xi32, #tpu.memory_space<vmem>> -> memref<1x128xi32, #tpu.memory_space<vmem>>
    %dma_wait3A_29 = tpu.memref_squeeze %dma_wait3A_28 : memref<1x128xi32, #tpu.memory_space<vmem>> -> memref<128xi32, #tpu.memory_space<vmem>>
    %dma_wait3A_30 = arith.constant 0 : i32
    %dma_wait3A_31 = tpu.memref_slice %arg3[%add3A_20, %dma_wait3A_30] : memref<2560x128xi32, #tpu.memory_space<hbm>> -> memref<1x128xi32, #tpu.memory_space<hbm>>
    %dma_wait3A_32 = tpu.memref_squeeze %dma_wait3A_31 : memref<1x128xi32, #tpu.memory_space<hbm>> -> memref<128xi32, #tpu.memory_space<hbm>>
    tpu.wait_dma2 semaphore(%arg13 : memref<!tpu.dma_semaphore, #tpu.memory_space<semaphore_mem>>) src(%dma_wait3A_32 : memref<128xi32, #tpu.memory_space<hbm>>) dst(%dma_wait3A_29 : memref<128xi32, #tpu.memory_space<vmem>>)
    %dma_start3A_33 = arith.constant 0 : i32
    %dma_start3A_34 = arith.constant 0 : i32
    %dma_start3A_35 = arith.constant 0 : i32
    %dma_start3A_36 = arith.constant 0 : i32
    %dma_start3A_37 = tpu.memref_slice %arg9[%dma_start3A_34, %dma_start3A_35, %dma_start3A_36] : memref<2x128x128xf32, #tpu.memory_space<vmem>> -> memref<1x128x128xf32, #tpu.memory_space<vmem>>
    %dma_start3A_38 = tpu.memref_squeeze %dma_start3A_37 : memref<1x128x128xf32, #tpu.memory_space<vmem>> -> memref<128x128xf32, #tpu.memory_space<vmem>>
    %dma_start3A_39 = arith.constant 0 : i32
    %dma_start3A_40 = tpu.memref_slice %arg7[%dma_start3A_33, %dma_start3A_39] : memref<2x128xi32, #tpu.memory_space<vmem>> -> memref<1x128xi32, #tpu.memory_space<vmem>>
    %dma_start3A_41 = tpu.memref_squeeze %dma_start3A_40 : memref<1x128xi32, #tpu.memory_space<vmem>> -> memref<128xi32, #tpu.memory_space<vmem>>
    %dma_start3A_42 = arith.constant 0 : i32
    %dma_start3A_43 = arith.constant 0 : i32
    %dma_start3A_44 = tpu.memref_slice %arg2[%dma_start3A_42, %dma_start3A_43] : memref<10240x128xf32, #tpu.memory_space<hbm>> -> memref<10240x128xf32, #tpu.memory_space<hbm>>
    tpu.enqueue_indirect_dma source(%dma_start3A_44 : memref<10240x128xf32, #tpu.memory_space<hbm>>) target(%dma_start3A_38 : memref<128x128xf32, #tpu.memory_space<vmem>>) offsets(%dma_start3A_41 : memref<128xi32, #tpu.memory_space<vmem>>) semaphore(%arg11 : memref<!tpu.dma_semaphore, #tpu.memory_space<semaphore_mem>>)
    %add3A_45 = arith.constant 1 : i32
    %add3A_46 = arith.addi %mul3A_2, %add3A_45 : i32
    %dma_start3A_47 = arith.constant 1 : i32
    %dma_start3A_48 = arith.constant 0 : i32
    %dma_start3A_49 = tpu.memref_slice %arg7[%dma_start3A_47, %dma_start3A_48] : memref<2x128xi32, #tpu.memory_space<vmem>> -> memref<1x128xi32, #tpu.memory_space<vmem>>
    %dma_start3A_50 = tpu.memref_squeeze %dma_start3A_49 : memref<1x128xi32, #tpu.memory_space<vmem>> -> memref<128xi32, #tpu.memory_space<vmem>>
    %dma_start3A_51 = arith.constant 0 : i32
    %dma_start3A_52 = tpu.memref_slice %arg3[%add3A_46, %dma_start3A_51] : memref<2560x128xi32, #tpu.memory_space<hbm>> -> memref<1x128xi32, #tpu.memory_space<hbm>>
    %dma_start3A_53 = tpu.memref_squeeze %dma_start3A_52 : memref<1x128xi32, #tpu.memory_space<hbm>> -> memref<128xi32, #tpu.memory_space<hbm>>
    %dma_start3A_54 = arith.constant 0 : i32
    %dma_start3A_55 = tpu.memref_slice %arg7[%dma_start3A_47, %dma_start3A_54] : memref<2x128xi32, #tpu.memory_space<vmem>> -> memref<1x128xi32, #tpu.memory_space<vmem>>
    %dma_start3A_56 = tpu.memref_squeeze %dma_start3A_55 : memref<1x128xi32, #tpu.memory_space<vmem>> -> memref<128xi32, #tpu.memory_space<vmem>>
    %dma_start3A_57 = arith.constant 0 : i32
    %dma_start3A_58 = tpu.memref_slice %arg3[%add3A_46, %dma_start3A_57] : memref<2560x128xi32, #tpu.memory_space<hbm>> -> memref<1x128xi32, #tpu.memory_space<hbm>>
    %dma_start3A_59 = tpu.memref_squeeze %dma_start3A_58 : memref<1x128xi32, #tpu.memory_space<hbm>> -> memref<128xi32, #tpu.memory_space<hbm>>
    tpu.enqueue_dma source(%dma_start3A_59 : memref<128xi32, #tpu.memory_space<hbm>>) target(%dma_start3A_56 : memref<128xi32, #tpu.memory_space<vmem>>) target_semaphore(%arg14 : memref<!tpu.dma_semaphore, #tpu.memory_space<semaphore_mem>>)
    %scan3A = arith.constant 0 : i32
    %scan3A_60 = arith.constant 0 : i32
    %scan3A_61 = arith.constant 39 : i32
    %scan3A_62 = arith.addi %scan3A_60, %scan3A_61 : i32
    %scan3A_63 = arith.constant 1 : i32
    scf.for %scan3A_124 = %scan3A_60 to %scan3A_62 step %scan3A_63  : i32 {
      %mul3A_125 = arith.constant 2 : i32
      %mul3A_126 = arith.muli %scan3A_124, %mul3A_125 : i32
      %dma_wait3A_127 = arith.constant 0 : i32
      %dma_wait3A_128 = arith.constant 0 : i32
      %dma_wait3A_129 = arith.constant 0 : i32
      %dma_wait3A_130 = arith.constant 0 : i32
      %dma_wait3A_131 = tpu.memref_slice %arg9[%dma_wait3A_128, %dma_wait3A_129, %dma_wait3A_130] : memref<2x128x128xf32, #tpu.memory_space<vmem>> -> memref<1x128x128xf32, #tpu.memory_space<vmem>>
      %dma_wait3A_132 = tpu.memref_squeeze %dma_wait3A_131 : memref<1x128x128xf32, #tpu.memory_space<vmem>> -> memref<128x128xf32, #tpu.memory_space<vmem>>
      %dma_wait3A_133 = arith.constant 0 : i32
      %dma_wait3A_134 = tpu.memref_slice %arg7[%dma_wait3A_127, %dma_wait3A_133] : memref<2x128xi32, #tpu.memory_space<vmem>> -> memref<1x128xi32, #tpu.memory_space<vmem>>
      %dma_wait3A_135 = tpu.memref_squeeze %dma_wait3A_134 : memref<1x128xi32, #tpu.memory_space<vmem>> -> memref<128xi32, #tpu.memory_space<vmem>>
      %dma_wait3A_136 = arith.constant 0 : i32
      %dma_wait3A_137 = arith.constant 0 : i32
      %dma_wait3A_138 = tpu.memref_slice %arg2[%dma_wait3A_136, %dma_wait3A_137] : memref<10240x128xf32, #tpu.memory_space<hbm>> -> memref<10240x128xf32, #tpu.memory_space<hbm>>
      tpu.wait_indirect_dma semaphore(%arg11 : memref<!tpu.dma_semaphore, #tpu.memory_space<semaphore_mem>>) src(%dma_wait3A_138 : memref<10240x128xf32, #tpu.memory_space<hbm>>) dst(%dma_wait3A_132 : memref<128x128xf32, #tpu.memory_space<vmem>>)
      %add3A_139 = arith.constant 1 : i32
      %add3A_140 = arith.addi %mul3A_126, %add3A_139 : i32
      %add3A_141 = arith.addi %mul3A_2, %add3A_140 : i32
      %dma_wait3A_142 = arith.constant 1 : i32
      %dma_wait3A_143 = arith.constant 0 : i32
      %dma_wait3A_144 = tpu.memref_slice %arg7[%dma_wait3A_142, %dma_wait3A_143] : memref<2x128xi32, #tpu.memory_space<vmem>> -> memref<1x128xi32, #tpu.memory_space<vmem>>
      %dma_wait3A_145 = tpu.memref_squeeze %dma_wait3A_144 : memref<1x128xi32, #tpu.memory_space<vmem>> -> memref<128xi32, #tpu.memory_space<vmem>>
      %dma_wait3A_146 = arith.constant 0 : i32
      %dma_wait3A_147 = tpu.memref_slice %arg3[%add3A_141, %dma_wait3A_146] : memref<2560x128xi32, #tpu.memory_space<hbm>> -> memref<1x128xi32, #tpu.memory_space<hbm>>
      %dma_wait3A_148 = tpu.memref_squeeze %dma_wait3A_147 : memref<1x128xi32, #tpu.memory_space<hbm>> -> memref<128xi32, #tpu.memory_space<hbm>>
      %dma_wait3A_149 = arith.constant 0 : i32
      %dma_wait3A_150 = tpu.memref_slice %arg7[%dma_wait3A_142, %dma_wait3A_149] : memref<2x128xi32, #tpu.memory_space<vmem>> -> memref<1x128xi32, #tpu.memory_space<vmem>>
      %dma_wait3A_151 = tpu.memref_squeeze %dma_wait3A_150 : memref<1x128xi32, #tpu.memory_space<vmem>> -> memref<128xi32, #tpu.memory_space<vmem>>
      %dma_wait3A_152 = arith.constant 0 : i32
      %dma_wait3A_153 = tpu.memref_slice %arg3[%add3A_141, %dma_wait3A_152] : memref<2560x128xi32, #tpu.memory_space<hbm>> -> memref<1x128xi32, #tpu.memory_space<hbm>>
      %dma_wait3A_154 = tpu.memref_squeeze %dma_wait3A_153 : memref<1x128xi32, #tpu.memory_space<hbm>> -> memref<128xi32, #tpu.memory_space<hbm>>
      tpu.wait_dma2 semaphore(%arg14 : memref<!tpu.dma_semaphore, #tpu.memory_space<semaphore_mem>>) src(%dma_wait3A_154 : memref<128xi32, #tpu.memory_space<hbm>>) dst(%dma_wait3A_151 : memref<128xi32, #tpu.memory_space<vmem>>)
      %dma_start3A_155 = arith.constant 1 : i32
      %dma_start3A_156 = arith.constant 1 : i32
      %dma_start3A_157 = arith.constant 0 : i32
      %dma_start3A_158 = arith.constant 0 : i32
      %dma_start3A_159 = tpu.memref_slice %arg9[%dma_start3A_156, %dma_start3A_157, %dma_start3A_158] : memref<2x128x128xf32, #tpu.memory_space<vmem>> -> memref<1x128x128xf32, #tpu.memory_space<vmem>>
      %dma_start3A_160 = tpu.memref_squeeze %dma_start3A_159 : memref<1x128x128xf32, #tpu.memory_space<vmem>> -> memref<128x128xf32, #tpu.memory_space<vmem>>
      %dma_start3A_161 = arith.constant 0 : i32
      %dma_start3A_162 = tpu.memref_slice %arg7[%dma_start3A_155, %dma_start3A_161] : memref<2x128xi32, #tpu.memory_space<vmem>> -> memref<1x128xi32, #tpu.memory_space<vmem>>
      %dma_start3A_163 = tpu.memref_squeeze %dma_start3A_162 : memref<1x128xi32, #tpu.memory_space<vmem>> -> memref<128xi32, #tpu.memory_space<vmem>>
      %dma_start3A_164 = arith.constant 0 : i32
      %dma_start3A_165 = arith.constant 0 : i32
      %dma_start3A_166 = tpu.memref_slice %arg2[%dma_start3A_164, %dma_start3A_165] : memref<10240x128xf32, #tpu.memory_space<hbm>> -> memref<10240x128xf32, #tpu.memory_space<hbm>>
      tpu.enqueue_indirect_dma source(%dma_start3A_166 : memref<10240x128xf32, #tpu.memory_space<hbm>>) target(%dma_start3A_160 : memref<128x128xf32, #tpu.memory_space<vmem>>) offsets(%dma_start3A_163 : memref<128xi32, #tpu.memory_space<vmem>>) semaphore(%arg12 : memref<!tpu.dma_semaphore, #tpu.memory_space<semaphore_mem>>)
      %run_scoped3A_167 = arith.constant 0 : i32
      "tpu.region"() ({
        %run_scoped3A_243 = tpu.sem_alloc : memref<!tpu.dma_semaphore, #tpu.memory_space<semaphore_mem>>
        %dma_start3A_244 = arith.constant 0 : i32
        %dma_start3A_245 = arith.constant 0 : i32
        %dma_start3A_246 = tpu.memref_slice %arg9[%run_scoped3A_167, %dma_start3A_244, %dma_start3A_245] : memref<2x128x128xf32, #tpu.memory_space<vmem>> -> memref<1x128x128xf32, #tpu.memory_space<vmem>>
        %dma_start3A_247 = tpu.memref_squeeze %dma_start3A_246 : memref<1x128x128xf32, #tpu.memory_space<vmem>> -> memref<128x128xf32, #tpu.memory_space<vmem>>
        %dma_start3A_248 = arith.constant 0 : i32
        %dma_start3A_249 = tpu.memref_slice %arg8[%mul3A_126, %dma_start3A_248] : memref<80x128xi32, #tpu.memory_space<vmem>> -> memref<1x128xi32, #tpu.memory_space<vmem>>
        %dma_start3A_250 = tpu.memref_squeeze %dma_start3A_249 : memref<1x128xi32, #tpu.memory_space<vmem>> -> memref<128xi32, #tpu.memory_space<vmem>>
        %dma_start3A_251 = arith.constant 0 : i32
        %dma_start3A_252 = arith.constant 0 : i32
        %dma_start3A_253 = tpu.memref_slice %arg10[%dma_start3A_251, %dma_start3A_252] : memref<10240x128xf32, #tpu.memory_space<vmem_shared>> -> memref<10240x128xf32, #tpu.memory_space<vmem_shared>>
        tpu.enqueue_indirect_dma source(%dma_start3A_247 : memref<128x128xf32, #tpu.memory_space<vmem>>) target(%dma_start3A_253 : memref<10240x128xf32, #tpu.memory_space<vmem_shared>>) offsets(%dma_start3A_250 : memref<128xi32, #tpu.memory_space<vmem>>) semaphore(%run_scoped3A_243 : memref<!tpu.dma_semaphore, #tpu.memory_space<semaphore_mem>>) {add = true}
        %dma_wait3A_254 = arith.constant 0 : i32
        %dma_wait3A_255 = arith.constant 0 : i32
        %dma_wait3A_256 = tpu.memref_slice %arg9[%run_scoped3A_167, %dma_wait3A_254, %dma_wait3A_255] : memref<2x128x128xf32, #tpu.memory_space<vmem>> -> memref<1x128x128xf32, #tpu.memory_space<vmem>>
        %dma_wait3A_257 = tpu.memref_squeeze %dma_wait3A_256 : memref<1x128x128xf32, #tpu.memory_space<vmem>> -> memref<128x128xf32, #tpu.memory_space<vmem>>
        %dma_wait3A_258 = arith.constant 0 : i32
        %dma_wait3A_259 = tpu.memref_slice %arg8[%mul3A_126, %dma_wait3A_258] : memref<80x128xi32, #tpu.memory_space<vmem>> -> memref<1x128xi32, #tpu.memory_space<vmem>>
        %dma_wait3A_260 = tpu.memref_squeeze %dma_wait3A_259 : memref<1x128xi32, #tpu.memory_space<vmem>> -> memref<128xi32, #tpu.memory_space<vmem>>
        %dma_wait3A_261 = arith.constant 0 : i32
        %dma_wait3A_262 = arith.constant 0 : i32
        %dma_wait3A_263 = tpu.memref_slice %arg10[%dma_wait3A_261, %dma_wait3A_262] : memref<10240x128xf32, #tpu.memory_space<vmem_shared>> -> memref<10240x128xf32, #tpu.memory_space<vmem_shared>>
        tpu.wait_indirect_dma semaphore(%run_scoped3A_243 : memref<!tpu.dma_semaphore, #tpu.memory_space<semaphore_mem>>) src(%dma_wait3A_257 : memref<128x128xf32, #tpu.memory_space<vmem>>) dst(%dma_wait3A_263 : memref<10240x128xf32, #tpu.memory_space<vmem_shared>>)
        tpu.yield
      }) : () -> ()
      %add3A_168 = arith.constant 2 : i32
      %add3A_169 = arith.addi %mul3A_126, %add3A_168 : i32
      %add3A_170 = arith.addi %mul3A_2, %add3A_169 : i32
      %dma_start3A_171 = arith.constant 0 : i32
      %dma_start3A_172 = arith.constant 0 : i32
      %dma_start3A_173 = tpu.memref_slice %arg7[%dma_start3A_171, %dma_start3A_172] : memref<2x128xi32, #tpu.memory_space<vmem>> -> memref<1x128xi32, #tpu.memory_space<vmem>>
      %dma_start3A_174 = tpu.memref_squeeze %dma_start3A_173 : memref<1x128xi32, #tpu.memory_space<vmem>> -> memref<128xi32, #tpu.memory_space<vmem>>
      %dma_start3A_175 = arith.constant 0 : i32
      %dma_start3A_176 = tpu.memref_slice %arg3[%add3A_170, %dma_start3A_175] : memref<2560x128xi32, #tpu.memory_space<hbm>> -> memref<1x128xi32, #tpu.memory_space<hbm>>
      %dma_start3A_177 = tpu.memref_squeeze %dma_start3A_176 : memref<1x128xi32, #tpu.memory_space<hbm>> -> memref<128xi32, #tpu.memory_space<hbm>>
      %dma_start3A_178 = arith.constant 0 : i32
      %dma_start3A_179 = tpu.memref_slice %arg7[%dma_start3A_171, %dma_start3A_178] : memref<2x128xi32, #tpu.memory_space<vmem>> -> memref<1x128xi32, #tpu.memory_space<vmem>>
      %dma_start3A_180 = tpu.memref_squeeze %dma_start3A_179 : memref<1x128xi32, #tpu.memory_space<vmem>> -> memref<128xi32, #tpu.memory_space<vmem>>
      %dma_start3A_181 = arith.constant 0 : i32
      %dma_start3A_182 = tpu.memref_slice %arg3[%add3A_170, %dma_start3A_181] : memref<2560x128xi32, #tpu.memory_space<hbm>> -> memref<1x128xi32, #tpu.memory_space<hbm>>
      %dma_start3A_183 = tpu.memref_squeeze %dma_start3A_182 : memref<1x128xi32, #tpu.memory_space<hbm>> -> memref<128xi32, #tpu.memory_space<hbm>>
      tpu.enqueue_dma source(%dma_start3A_183 : memref<128xi32, #tpu.memory_space<hbm>>) target(%dma_start3A_180 : memref<128xi32, #tpu.memory_space<vmem>>) target_semaphore(%arg13 : memref<!tpu.dma_semaphore, #tpu.memory_space<semaphore_mem>>)
      %add3A_184 = arith.constant 1 : i32
      %add3A_185 = arith.addi %mul3A_126, %add3A_184 : i32
      %dma_wait3A_186 = arith.constant 1 : i32
      %dma_wait3A_187 = arith.constant 1 : i32
      %dma_wait3A_188 = arith.constant 0 : i32
      %dma_wait3A_189 = arith.constant 0 : i32
      %dma_wait3A_190 = tpu.memref_slice %arg9[%dma_wait3A_187, %dma_wait3A_188, %dma_wait3A_189] : memref<2x128x128xf32, #tpu.memory_space<vmem>> -> memref<1x128x128xf32, #tpu.memory_space<vmem>>
      %dma_wait3A_191 = tpu.memref_squeeze %dma_wait3A_190 : memref<1x128x128xf32, #tpu.memory_space<vmem>> -> memref<128x128xf32, #tpu.memory_space<vmem>>
      %dma_wait3A_192 = arith.constant 0 : i32
      %dma_wait3A_193 = tpu.memref_slice %arg7[%dma_wait3A_186, %dma_wait3A_192] : memref<2x128xi32, #tpu.memory_space<vmem>> -> memref<1x128xi32, #tpu.memory_space<vmem>>
      %dma_wait3A_194 = tpu.memref_squeeze %dma_wait3A_193 : memref<1x128xi32, #tpu.memory_space<vmem>> -> memref<128xi32, #tpu.memory_space<vmem>>
      %dma_wait3A_195 = arith.constant 0 : i32
      %dma_wait3A_196 = arith.constant 0 : i32
      %dma_wait3A_197 = tpu.memref_slice %arg2[%dma_wait3A_195, %dma_wait3A_196] : memref<10240x128xf32, #tpu.memory_space<hbm>> -> memref<10240x128xf32, #tpu.memory_space<hbm>>
      tpu.wait_indirect_dma semaphore(%arg12 : memref<!tpu.dma_semaphore, #tpu.memory_space<semaphore_mem>>) src(%dma_wait3A_197 : memref<10240x128xf32, #tpu.memory_space<hbm>>) dst(%dma_wait3A_191 : memref<128x128xf32, #tpu.memory_space<vmem>>)
      %add3A_198 = arith.constant 1 : i32
      %add3A_199 = arith.addi %add3A_185, %add3A_198 : i32
      %add3A_200 = arith.addi %mul3A_2, %add3A_199 : i32
      %dma_wait3A_201 = arith.constant 0 : i32
      %dma_wait3A_202 = arith.constant 0 : i32
      %dma_wait3A_203 = tpu.memref_slice %arg7[%dma_wait3A_201, %dma_wait3A_202] : memref<2x128xi32, #tpu.memory_space<vmem>> -> memref<1x128xi32, #tpu.memory_space<vmem>>
      %dma_wait3A_204 = tpu.memref_squeeze %dma_wait3A_203 : memref<1x128xi32, #tpu.memory_space<vmem>> -> memref<128xi32, #tpu.memory_space<vmem>>
      %dma_wait3A_205 = arith.constant 0 : i32
      %dma_wait3A_206 = tpu.memref_slice %arg3[%add3A_200, %dma_wait3A_205] : memref<2560x128xi32, #tpu.memory_space<hbm>> -> memref<1x128xi32, #tpu.memory_space<hbm>>
      %dma_wait3A_207 = tpu.memref_squeeze %dma_wait3A_206 : memref<1x128xi32, #tpu.memory_space<hbm>> -> memref<128xi32, #tpu.memory_space<hbm>>
      %dma_wait3A_208 = arith.constant 0 : i32
      %dma_wait3A_209 = tpu.memref_slice %arg7[%dma_wait3A_201, %dma_wait3A_208] : memref<2x128xi32, #tpu.memory_space<vmem>> -> memref<1x128xi32, #tpu.memory_space<vmem>>
      %dma_wait3A_210 = tpu.memref_squeeze %dma_wait3A_209 : memref<1x128xi32, #tpu.memory_space<vmem>> -> memref<128xi32, #tpu.memory_space<vmem>>
      %dma_wait3A_211 = arith.constant 0 : i32
      %dma_wait3A_212 = tpu.memref_slice %arg3[%add3A_200, %dma_wait3A_211] : memref<2560x128xi32, #tpu.memory_space<hbm>> -> memref<1x128xi32, #tpu.memory_space<hbm>>
      %dma_wait3A_213 = tpu.memref_squeeze %dma_wait3A_212 : memref<1x128xi32, #tpu.memory_space<hbm>> -> memref<128xi32, #tpu.memory_space<hbm>>
      tpu.wait_dma2 semaphore(%arg13 : memref<!tpu.dma_semaphore, #tpu.memory_space<semaphore_mem>>) src(%dma_wait3A_213 : memref<128xi32, #tpu.memory_space<hbm>>) dst(%dma_wait3A_210 : memref<128xi32, #tpu.memory_space<vmem>>)
      %dma_start3A_214 = arith.constant 0 : i32
      %dma_start3A_215 = arith.constant 0 : i32
      %dma_start3A_216 = arith.constant 0 : i32
      %dma_start3A_217 = arith.constant 0 : i32
      %dma_start3A_218 = tpu.memref_slice %arg9[%dma_start3A_215, %dma_start3A_216, %dma_start3A_217] : memref<2x128x128xf32, #tpu.memory_space<vmem>> -> memref<1x128x128xf32, #tpu.memory_space<vmem>>
      %dma_start3A_219 = tpu.memref_squeeze %dma_start3A_218 : memref<1x128x128xf32, #tpu.memory_space<vmem>> -> memref<128x128xf32, #tpu.memory_space<vmem>>
      %dma_start3A_220 = arith.constant 0 : i32
      %dma_start3A_221 = tpu.memref_slice %arg7[%dma_start3A_214, %dma_start3A_220] : memref<2x128xi32, #tpu.memory_space<vmem>> -> memref<1x128xi32, #tpu.memory_space<vmem>>
      %dma_start3A_222 = tpu.memref_squeeze %dma_start3A_221 : memref<1x128xi32, #tpu.memory_space<vmem>> -> memref<128xi32, #tpu.memory_space<vmem>>
      %dma_start3A_223 = arith.constant 0 : i32
      %dma_start3A_224 = arith.constant 0 : i32
      %dma_start3A_225 = tpu.memref_slice %arg2[%dma_start3A_223, %dma_start3A_224] : memref<10240x128xf32, #tpu.memory_space<hbm>> -> memref<10240x128xf32, #tpu.memory_space<hbm>>
      tpu.enqueue_indirect_dma source(%dma_start3A_225 : memref<10240x128xf32, #tpu.memory_space<hbm>>) target(%dma_start3A_219 : memref<128x128xf32, #tpu.memory_space<vmem>>) offsets(%dma_start3A_222 : memref<128xi32, #tpu.memory_space<vmem>>) semaphore(%arg11 : memref<!tpu.dma_semaphore, #tpu.memory_space<semaphore_mem>>)
      %run_scoped3A_226 = arith.constant 1 : i32
      "tpu.region"() ({
        %run_scoped3A_243 = tpu.sem_alloc : memref<!tpu.dma_semaphore, #tpu.memory_space<semaphore_mem>>
        %dma_start3A_244 = arith.constant 0 : i32
        %dma_start3A_245 = arith.constant 0 : i32
        %dma_start3A_246 = tpu.memref_slice %arg9[%run_scoped3A_226, %dma_start3A_244, %dma_start3A_245] : memref<2x128x128xf32, #tpu.memory_space<vmem>> -> memref<1x128x128xf32, #tpu.memory_space<vmem>>
        %dma_start3A_247 = tpu.memref_squeeze %dma_start3A_246 : memref<1x128x128xf32, #tpu.memory_space<vmem>> -> memref<128x128xf32, #tpu.memory_space<vmem>>
        %dma_start3A_248 = arith.constant 0 : i32
        %dma_start3A_249 = tpu.memref_slice %arg8[%add3A_185, %dma_start3A_248] : memref<80x128xi32, #tpu.memory_space<vmem>> -> memref<1x128xi32, #tpu.memory_space<vmem>>
        %dma_start3A_250 = tpu.memref_squeeze %dma_start3A_249 : memref<1x128xi32, #tpu.memory_space<vmem>> -> memref<128xi32, #tpu.memory_space<vmem>>
        %dma_start3A_251 = arith.constant 0 : i32
        %dma_start3A_252 = arith.constant 0 : i32
        %dma_start3A_253 = tpu.memref_slice %arg10[%dma_start3A_251, %dma_start3A_252] : memref<10240x128xf32, #tpu.memory_space<vmem_shared>> -> memref<10240x128xf32, #tpu.memory_space<vmem_shared>>
        tpu.enqueue_indirect_dma source(%dma_start3A_247 : memref<128x128xf32, #tpu.memory_space<vmem>>) target(%dma_start3A_253 : memref<10240x128xf32, #tpu.memory_space<vmem_shared>>) offsets(%dma_start3A_250 : memref<128xi32, #tpu.memory_space<vmem>>) semaphore(%run_scoped3A_243 : memref<!tpu.dma_semaphore, #tpu.memory_space<semaphore_mem>>) {add = true}
        %dma_wait3A_254 = arith.constant 0 : i32
        %dma_wait3A_255 = arith.constant 0 : i32
        %dma_wait3A_256 = tpu.memref_slice %arg9[%run_scoped3A_226, %dma_wait3A_254, %dma_wait3A_255] : memref<2x128x128xf32, #tpu.memory_space<vmem>> -> memref<1x128x128xf32, #tpu.memory_space<vmem>>
        %dma_wait3A_257 = tpu.memref_squeeze %dma_wait3A_256 : memref<1x128x128xf32, #tpu.memory_space<vmem>> -> memref<128x128xf32, #tpu.memory_space<vmem>>
        %dma_wait3A_258 = arith.constant 0 : i32
        %dma_wait3A_259 = tpu.memref_slice %arg8[%add3A_185, %dma_wait3A_258] : memref<80x128xi32, #tpu.memory_space<vmem>> -> memref<1x128xi32, #tpu.memory_space<vmem>>
        %dma_wait3A_260 = tpu.memref_squeeze %dma_wait3A_259 : memref<1x128xi32, #tpu.memory_space<vmem>> -> memref<128xi32, #tpu.memory_space<vmem>>
        %dma_wait3A_261 = arith.constant 0 : i32
        %dma_wait3A_262 = arith.constant 0 : i32
        %dma_wait3A_263 = tpu.memref_slice %arg10[%dma_wait3A_261, %dma_wait3A_262] : memref<10240x128xf32, #tpu.memory_space<vmem_shared>> -> memref<10240x128xf32, #tpu.memory_space<vmem_shared>>
        tpu.wait_indirect_dma semaphore(%run_scoped3A_243 : memref<!tpu.dma_semaphore, #tpu.memory_space<semaphore_mem>>) src(%dma_wait3A_257 : memref<128x128xf32, #tpu.memory_space<vmem>>) dst(%dma_wait3A_263 : memref<10240x128xf32, #tpu.memory_space<vmem_shared>>)
        tpu.yield
      }) : () -> ()
      %add3A_227 = arith.constant 2 : i32
      %add3A_228 = arith.addi %add3A_185, %add3A_227 : i32
      %add3A_229 = arith.addi %mul3A_2, %add3A_228 : i32
      %dma_start3A_230 = arith.constant 1 : i32
      %dma_start3A_231 = arith.constant 0 : i32
      %dma_start3A_232 = tpu.memref_slice %arg7[%dma_start3A_230, %dma_start3A_231] : memref<2x128xi32, #tpu.memory_space<vmem>> -> memref<1x128xi32, #tpu.memory_space<vmem>>
      %dma_start3A_233 = tpu.memref_squeeze %dma_start3A_232 : memref<1x128xi32, #tpu.memory_space<vmem>> -> memref<128xi32, #tpu.memory_space<vmem>>
      %dma_start3A_234 = arith.constant 0 : i32
      %dma_start3A_235 = tpu.memref_slice %arg3[%add3A_229, %dma_start3A_234] : memref<2560x128xi32, #tpu.memory_space<hbm>> -> memref<1x128xi32, #tpu.memory_space<hbm>>
      %dma_start3A_236 = tpu.memref_squeeze %dma_start3A_235 : memref<1x128xi32, #tpu.memory_space<hbm>> -> memref<128xi32, #tpu.memory_space<hbm>>
      %dma_start3A_237 = arith.constant 0 : i32
      %dma_start3A_238 = tpu.memref_slice %arg7[%dma_start3A_230, %dma_start3A_237] : memref<2x128xi32, #tpu.memory_space<vmem>> -> memref<1x128xi32, #tpu.memory_space<vmem>>
      %dma_start3A_239 = tpu.memref_squeeze %dma_start3A_238 : memref<1x128xi32, #tpu.memory_space<vmem>> -> memref<128xi32, #tpu.memory_space<vmem>>
      %dma_start3A_240 = arith.constant 0 : i32
      %dma_start3A_241 = tpu.memref_slice %arg3[%add3A_229, %dma_start3A_240] : memref<2560x128xi32, #tpu.memory_space<hbm>> -> memref<1x128xi32, #tpu.memory_space<hbm>>
      %dma_start3A_242 = tpu.memref_squeeze %dma_start3A_241 : memref<1x128xi32, #tpu.memory_space<hbm>> -> memref<128xi32, #tpu.memory_space<hbm>>
      tpu.enqueue_dma source(%dma_start3A_242 : memref<128xi32, #tpu.memory_space<hbm>>) target(%dma_start3A_239 : memref<128xi32, #tpu.memory_space<vmem>>) target_semaphore(%arg14 : memref<!tpu.dma_semaphore, #tpu.memory_space<semaphore_mem>>)
    }
    %scan3A_64 = arith.constant 39 : i32
    %dma_wait3A_65 = arith.constant 0 : i32
    %dma_wait3A_66 = arith.constant 0 : i32
    %dma_wait3A_67 = arith.constant 0 : i32
    %dma_wait3A_68 = arith.constant 0 : i32
    %dma_wait3A_69 = tpu.memref_slice %arg9[%dma_wait3A_66, %dma_wait3A_67, %dma_wait3A_68] : memref<2x128x128xf32, #tpu.memory_space<vmem>> -> memref<1x128x128xf32, #tpu.memory_space<vmem>>
    %dma_wait3A_70 = tpu.memref_squeeze %dma_wait3A_69 : memref<1x128x128xf32, #tpu.memory_space<vmem>> -> memref<128x128xf32, #tpu.memory_space<vmem>>
    %dma_wait3A_71 = arith.constant 0 : i32
    %dma_wait3A_72 = tpu.memref_slice %arg7[%dma_wait3A_65, %dma_wait3A_71] : memref<2x128xi32, #tpu.memory_space<vmem>> -> memref<1x128xi32, #tpu.memory_space<vmem>>
    %dma_wait3A_73 = tpu.memref_squeeze %dma_wait3A_72 : memref<1x128xi32, #tpu.memory_space<vmem>> -> memref<128xi32, #tpu.memory_space<vmem>>
    %dma_wait3A_74 = arith.constant 0 : i32
    %dma_wait3A_75 = arith.constant 0 : i32
    %dma_wait3A_76 = tpu.memref_slice %arg2[%dma_wait3A_74, %dma_wait3A_75] : memref<10240x128xf32, #tpu.memory_space<hbm>> -> memref<10240x128xf32, #tpu.memory_space<hbm>>
    tpu.wait_indirect_dma semaphore(%arg11 : memref<!tpu.dma_semaphore, #tpu.memory_space<semaphore_mem>>) src(%dma_wait3A_76 : memref<10240x128xf32, #tpu.memory_space<hbm>>) dst(%dma_wait3A_70 : memref<128x128xf32, #tpu.memory_space<vmem>>)
    %add3A_77 = arith.constant 79 : i32
    %add3A_78 = arith.addi %mul3A_2, %add3A_77 : i32
    %dma_wait3A_79 = arith.constant 1 : i32
    %dma_wait3A_80 = arith.constant 0 : i32
    %dma_wait3A_81 = tpu.memref_slice %arg7[%dma_wait3A_79, %dma_wait3A_80] : memref<2x128xi32, #tpu.memory_space<vmem>> -> memref<1x128xi32, #tpu.memory_space<vmem>>
    %dma_wait3A_82 = tpu.memref_squeeze %dma_wait3A_81 : memref<1x128xi32, #tpu.memory_space<vmem>> -> memref<128xi32, #tpu.memory_space<vmem>>
    %dma_wait3A_83 = arith.constant 0 : i32
    %dma_wait3A_84 = tpu.memref_slice %arg3[%add3A_78, %dma_wait3A_83] : memref<2560x128xi32, #tpu.memory_space<hbm>> -> memref<1x128xi32, #tpu.memory_space<hbm>>
    %dma_wait3A_85 = tpu.memref_squeeze %dma_wait3A_84 : memref<1x128xi32, #tpu.memory_space<hbm>> -> memref<128xi32, #tpu.memory_space<hbm>>
    %dma_wait3A_86 = arith.constant 0 : i32
    %dma_wait3A_87 = tpu.memref_slice %arg7[%dma_wait3A_79, %dma_wait3A_86] : memref<2x128xi32, #tpu.memory_space<vmem>> -> memref<1x128xi32, #tpu.memory_space<vmem>>
    %dma_wait3A_88 = tpu.memref_squeeze %dma_wait3A_87 : memref<1x128xi32, #tpu.memory_space<vmem>> -> memref<128xi32, #tpu.memory_space<vmem>>
    %dma_wait3A_89 = arith.constant 0 : i32
    %dma_wait3A_90 = tpu.memref_slice %arg3[%add3A_78, %dma_wait3A_89] : memref<2560x128xi32, #tpu.memory_space<hbm>> -> memref<1x128xi32, #tpu.memory_space<hbm>>
    %dma_wait3A_91 = tpu.memref_squeeze %dma_wait3A_90 : memref<1x128xi32, #tpu.memory_space<hbm>> -> memref<128xi32, #tpu.memory_space<hbm>>
    tpu.wait_dma2 semaphore(%arg14 : memref<!tpu.dma_semaphore, #tpu.memory_space<semaphore_mem>>) src(%dma_wait3A_91 : memref<128xi32, #tpu.memory_space<hbm>>) dst(%dma_wait3A_88 : memref<128xi32, #tpu.memory_space<vmem>>)
    %dma_start3A_92 = arith.constant 1 : i32
    %dma_start3A_93 = arith.constant 1 : i32
    %dma_start3A_94 = arith.constant 0 : i32
    %dma_start3A_95 = arith.constant 0 : i32
    %dma_start3A_96 = tpu.memref_slice %arg9[%dma_start3A_93, %dma_start3A_94, %dma_start3A_95] : memref<2x128x128xf32, #tpu.memory_space<vmem>> -> memref<1x128x128xf32, #tpu.memory_space<vmem>>
    %dma_start3A_97 = tpu.memref_squeeze %dma_start3A_96 : memref<1x128x128xf32, #tpu.memory_space<vmem>> -> memref<128x128xf32, #tpu.memory_space<vmem>>
    %dma_start3A_98 = arith.constant 0 : i32
    %dma_start3A_99 = tpu.memref_slice %arg7[%dma_start3A_92, %dma_start3A_98] : memref<2x128xi32, #tpu.memory_space<vmem>> -> memref<1x128xi32, #tpu.memory_space<vmem>>
    %dma_start3A_100 = tpu.memref_squeeze %dma_start3A_99 : memref<1x128xi32, #tpu.memory_space<vmem>> -> memref<128xi32, #tpu.memory_space<vmem>>
    %dma_start3A_101 = arith.constant 0 : i32
    %dma_start3A_102 = arith.constant 0 : i32
    %dma_start3A_103 = tpu.memref_slice %arg2[%dma_start3A_101, %dma_start3A_102] : memref<10240x128xf32, #tpu.memory_space<hbm>> -> memref<10240x128xf32, #tpu.memory_space<hbm>>
    tpu.enqueue_indirect_dma source(%dma_start3A_103 : memref<10240x128xf32, #tpu.memory_space<hbm>>) target(%dma_start3A_97 : memref<128x128xf32, #tpu.memory_space<vmem>>) offsets(%dma_start3A_100 : memref<128xi32, #tpu.memory_space<vmem>>) semaphore(%arg12 : memref<!tpu.dma_semaphore, #tpu.memory_space<semaphore_mem>>)
    %run_scoped3A = arith.constant 0 : i32
    %run_scoped3A_104 = arith.constant 78 : i32
    "tpu.region"() ({
      %run_scoped3A_124 = tpu.sem_alloc : memref<!tpu.dma_semaphore, #tpu.memory_space<semaphore_mem>>
      %dma_start3A_125 = arith.constant 0 : i32
      %dma_start3A_126 = arith.constant 0 : i32
      %dma_start3A_127 = tpu.memref_slice %arg9[%run_scoped3A, %dma_start3A_125, %dma_start3A_126] : memref<2x128x128xf32, #tpu.memory_space<vmem>> -> memref<1x128x128xf32, #tpu.memory_space<vmem>>
      %dma_start3A_128 = tpu.memref_squeeze %dma_start3A_127 : memref<1x128x128xf32, #tpu.memory_space<vmem>> -> memref<128x128xf32, #tpu.memory_space<vmem>>
      %dma_start3A_129 = arith.constant 0 : i32
      %dma_start3A_130 = tpu.memref_slice %arg8[%run_scoped3A_104, %dma_start3A_129] : memref<80x128xi32, #tpu.memory_space<vmem>> -> memref<1x128xi32, #tpu.memory_space<vmem>>
      %dma_start3A_131 = tpu.memref_squeeze %dma_start3A_130 : memref<1x128xi32, #tpu.memory_space<vmem>> -> memref<128xi32, #tpu.memory_space<vmem>>
      %dma_start3A_132 = arith.constant 0 : i32
      %dma_start3A_133 = arith.constant 0 : i32
      %dma_start3A_134 = tpu.memref_slice %arg10[%dma_start3A_132, %dma_start3A_133] : memref<10240x128xf32, #tpu.memory_space<vmem_shared>> -> memref<10240x128xf32, #tpu.memory_space<vmem_shared>>
      tpu.enqueue_indirect_dma source(%dma_start3A_128 : memref<128x128xf32, #tpu.memory_space<vmem>>) target(%dma_start3A_134 : memref<10240x128xf32, #tpu.memory_space<vmem_shared>>) offsets(%dma_start3A_131 : memref<128xi32, #tpu.memory_space<vmem>>) semaphore(%run_scoped3A_124 : memref<!tpu.dma_semaphore, #tpu.memory_space<semaphore_mem>>) {add = true}
      %dma_wait3A_135 = arith.constant 0 : i32
      %dma_wait3A_136 = arith.constant 0 : i32
      %dma_wait3A_137 = tpu.memref_slice %arg9[%run_scoped3A, %dma_wait3A_135, %dma_wait3A_136] : memref<2x128x128xf32, #tpu.memory_space<vmem>> -> memref<1x128x128xf32, #tpu.memory_space<vmem>>
      %dma_wait3A_138 = tpu.memref_squeeze %dma_wait3A_137 : memref<1x128x128xf32, #tpu.memory_space<vmem>> -> memref<128x128xf32, #tpu.memory_space<vmem>>
      %dma_wait3A_139 = arith.constant 0 : i32
      %dma_wait3A_140 = tpu.memref_slice %arg8[%run_scoped3A_104, %dma_wait3A_139] : memref<80x128xi32, #tpu.memory_space<vmem>> -> memref<1x128xi32, #tpu.memory_space<vmem>>
      %dma_wait3A_141 = tpu.memref_squeeze %dma_wait3A_140 : memref<1x128xi32, #tpu.memory_space<vmem>> -> memref<128xi32, #tpu.memory_space<vmem>>
      %dma_wait3A_142 = arith.constant 0 : i32
      %dma_wait3A_143 = arith.constant 0 : i32
      %dma_wait3A_144 = tpu.memref_slice %arg10[%dma_wait3A_142, %dma_wait3A_143] : memref<10240x128xf32, #tpu.memory_space<vmem_shared>> -> memref<10240x128xf32, #tpu.memory_space<vmem_shared>>
      tpu.wait_indirect_dma semaphore(%run_scoped3A_124 : memref<!tpu.dma_semaphore, #tpu.memory_space<semaphore_mem>>) src(%dma_wait3A_138 : memref<128x128xf32, #tpu.memory_space<vmem>>) dst(%dma_wait3A_144 : memref<10240x128xf32, #tpu.memory_space<vmem_shared>>)
      tpu.yield
    }) : () -> ()
    %dma_wait3A_105 = arith.constant 1 : i32
    %dma_wait3A_106 = arith.constant 1 : i32
    %dma_wait3A_107 = arith.constant 0 : i32
    %dma_wait3A_108 = arith.constant 0 : i32
    %dma_wait3A_109 = tpu.memref_slice %arg9[%dma_wait3A_106, %dma_wait3A_107, %dma_wait3A_108] : memref<2x128x128xf32, #tpu.memory_space<vmem>> -> memref<1x128x128xf32, #tpu.memory_space<vmem>>
    %dma_wait3A_110 = tpu.memref_squeeze %dma_wait3A_109 : memref<1x128x128xf32, #tpu.memory_space<vmem>> -> memref<128x128xf32, #tpu.memory_space<vmem>>
    %dma_wait3A_111 = arith.constant 0 : i32
    %dma_wait3A_112 = tpu.memref_slice %arg7[%dma_wait3A_105, %dma_wait3A_111] : memref<2x128xi32, #tpu.memory_space<vmem>> -> memref<1x128xi32, #tpu.memory_space<vmem>>
    %dma_wait3A_113 = tpu.memref_squeeze %dma_wait3A_112 : memref<1x128xi32, #tpu.memory_space<vmem>> -> memref<128xi32, #tpu.memory_space<vmem>>
    %dma_wait3A_114 = arith.constant 0 : i32
    %dma_wait3A_115 = arith.constant 0 : i32
    %dma_wait3A_116 = tpu.memref_slice %arg2[%dma_wait3A_114, %dma_wait3A_115] : memref<10240x128xf32, #tpu.memory_space<hbm>> -> memref<10240x128xf32, #tpu.memory_space<hbm>>
    tpu.wait_indirect_dma semaphore(%arg12 : memref<!tpu.dma_semaphore, #tpu.memory_space<semaphore_mem>>) src(%dma_wait3A_116 : memref<10240x128xf32, #tpu.memory_space<hbm>>) dst(%dma_wait3A_110 : memref<128x128xf32, #tpu.memory_space<vmem>>)
    %run_scoped3A_117 = arith.constant 1 : i32
    %run_scoped3A_118 = arith.constant 79 : i32
    "tpu.region"() ({
      %run_scoped3A_124 = tpu.sem_alloc : memref<!tpu.dma_semaphore, #tpu.memory_space<semaphore_mem>>
      %dma_start3A_125 = arith.constant 0 : i32
      %dma_start3A_126 = arith.constant 0 : i32
      %dma_start3A_127 = tpu.memref_slice %arg9[%run_scoped3A_117, %dma_start3A_125, %dma_start3A_126] : memref<2x128x128xf32, #tpu.memory_space<vmem>> -> memref<1x128x128xf32, #tpu.memory_space<vmem>>
      %dma_start3A_128 = tpu.memref_squeeze %dma_start3A_127 : memref<1x128x128xf32, #tpu.memory_space<vmem>> -> memref<128x128xf32, #tpu.memory_space<vmem>>
      %dma_start3A_129 = arith.constant 0 : i32
      %dma_start3A_130 = tpu.memref_slice %arg8[%run_scoped3A_118, %dma_start3A_129] : memref<80x128xi32, #tpu.memory_space<vmem>> -> memref<1x128xi32, #tpu.memory_space<vmem>>
      %dma_start3A_131 = tpu.memref_squeeze %dma_start3A_130 : memref<1x128xi32, #tpu.memory_space<vmem>> -> memref<128xi32, #tpu.memory_space<vmem>>
      %dma_start3A_132 = arith.constant 0 : i32
      %dma_start3A_133 = arith.constant 0 : i32
      %dma_start3A_134 = tpu.memref_slice %arg10[%dma_start3A_132, %dma_start3A_133] : memref<10240x128xf32, #tpu.memory_space<vmem_shared>> -> memref<10240x128xf32, #tpu.memory_space<vmem_shared>>
      tpu.enqueue_indirect_dma source(%dma_start3A_128 : memref<128x128xf32, #tpu.memory_space<vmem>>) target(%dma_start3A_134 : memref<10240x128xf32, #tpu.memory_space<vmem_shared>>) offsets(%dma_start3A_131 : memref<128xi32, #tpu.memory_space<vmem>>) semaphore(%run_scoped3A_124 : memref<!tpu.dma_semaphore, #tpu.memory_space<semaphore_mem>>) {add = true}
      %dma_wait3A_135 = arith.constant 0 : i32
      %dma_wait3A_136 = arith.constant 0 : i32
      %dma_wait3A_137 = tpu.memref_slice %arg9[%run_scoped3A_117, %dma_wait3A_135, %dma_wait3A_136] : memref<2x128x128xf32, #tpu.memory_space<vmem>> -> memref<1x128x128xf32, #tpu.memory_space<vmem>>
      %dma_wait3A_138 = tpu.memref_squeeze %dma_wait3A_137 : memref<1x128x128xf32, #tpu.memory_space<vmem>> -> memref<128x128xf32, #tpu.memory_space<vmem>>
      %dma_wait3A_139 = arith.constant 0 : i32
      %dma_wait3A_140 = tpu.memref_slice %arg8[%run_scoped3A_118, %dma_wait3A_139] : memref<80x128xi32, #tpu.memory_space<vmem>> -> memref<1x128xi32, #tpu.memory_space<vmem>>
      %dma_wait3A_141 = tpu.memref_squeeze %dma_wait3A_140 : memref<1x128xi32, #tpu.memory_space<vmem>> -> memref<128xi32, #tpu.memory_space<vmem>>
      %dma_wait3A_142 = arith.constant 0 : i32
      %dma_wait3A_143 = arith.constant 0 : i32
      %dma_wait3A_144 = tpu.memref_slice %arg10[%dma_wait3A_142, %dma_wait3A_143] : memref<10240x128xf32, #tpu.memory_space<vmem_shared>> -> memref<10240x128xf32, #tpu.memory_space<vmem_shared>>
      tpu.wait_indirect_dma semaphore(%run_scoped3A_124 : memref<!tpu.dma_semaphore, #tpu.memory_space<semaphore_mem>>) src(%dma_wait3A_138 : memref<128x128xf32, #tpu.memory_space<vmem>>) dst(%dma_wait3A_144 : memref<10240x128xf32, #tpu.memory_space<vmem_shared>>)
      tpu.yield
    }) : () -> ()
    %barrier3A_119 = arith.constant 0 : index
    tpu.barrier barrier_id(%barrier3A_119)
    %mul3A_120 = arith.constant 640 : i32
    %mul3A_121 = arith.muli %arg1, %mul3A_120 : i32
    %mul3A_122 = arith.constant 640 : i32
    %mul3A_123 = arith.muli %arg1, %mul3A_122 : i32
    "tpu.region"() ({
      %run_scoped3A_124 = tpu.sem_alloc : memref<!tpu.dma_semaphore, #tpu.memory_space<semaphore_mem>>
      %dma_start3A_125 = arith.constant 0 : i32
      %dma_start3A_126 = tpu.memref_slice %arg6[%arg0, %mul3A_123, %dma_start3A_125] : memref<2x10240x128xf32, #tpu.memory_space<hbm>> -> memref<1x640x128xf32, #tpu.memory_space<hbm>>
      %dma_start3A_127 = tpu.memref_squeeze %dma_start3A_126 : memref<1x640x128xf32, #tpu.memory_space<hbm>> -> memref<640x128xf32, #tpu.memory_space<hbm>>
      %dma_start3A_128 = arith.constant 0 : i32
      %dma_start3A_129 = tpu.memref_slice %arg10[%mul3A_121, %dma_start3A_128] : memref<10240x128xf32, #tpu.memory_space<vmem_shared>> -> memref<640x128xf32, #tpu.memory_space<vmem_shared>>
      tpu.enqueue_dma source(%dma_start3A_129 : memref<640x128xf32, #tpu.memory_space<vmem_shared>>) target(%dma_start3A_127 : memref<640x128xf32, #tpu.memory_space<hbm>>) target_semaphore(%run_scoped3A_124 : memref<!tpu.dma_semaphore, #tpu.memory_space<semaphore_mem>>)
      %dma_wait3A_130 = arith.constant 0 : i32
      %dma_wait3A_131 = tpu.memref_slice %arg6[%arg0, %mul3A_123, %dma_wait3A_130] : memref<2x10240x128xf32, #tpu.memory_space<hbm>> -> memref<1x640x128xf32, #tpu.memory_space<hbm>>
      %dma_wait3A_132 = tpu.memref_squeeze %dma_wait3A_131 : memref<1x640x128xf32, #tpu.memory_space<hbm>> -> memref<640x128xf32, #tpu.memory_space<hbm>>
      %dma_wait3A_133 = arith.constant 0 : i32
      %dma_wait3A_134 = tpu.memref_slice %arg10[%mul3A_121, %dma_wait3A_133] : memref<10240x128xf32, #tpu.memory_space<vmem_shared>> -> memref<640x128xf32, #tpu.memory_space<vmem_shared>>
      tpu.wait_dma2 semaphore(%run_scoped3A_124 : memref<!tpu.dma_semaphore, #tpu.memory_space<semaphore_mem>>) src(%dma_wait3A_134 : memref<640x128xf32, #tpu.memory_space<vmem_shared>>) dst(%dma_wait3A_132 : memref<640x128xf32, #tpu.memory_space<hbm>>)
      tpu.yield
    }) : () -> ()
    return
  }
}

#map = affine_map<(d0, d1) -> (0, 0)>
#map1 = affine_map<(d0, d1) -> (0, 0, 0)>
module attributes {stable_mosaic.version = 14 : i64} {
  func.func @_deg_body(%arg0: i32, %arg1: i32, %arg2: memref<2560x128xi32, #tpu.memory_space<hbm>>, %arg3: memref<128x128xf32, #tpu.memory_space<hbm>>, %arg4: memref<640x128xf32, #tpu.memory_space<hbm>>, %arg5: memref<2x10240x128xf32, #tpu.memory_space<hbm>>, %arg6: memref<80x128xi32, #tpu.memory_space<vmem>>, %arg7: memref<128x128xf32, #tpu.memory_space<vmem>>, %arg8: memref<10240x128xf32, #tpu.memory_space<vmem_shared>>) attributes {dimension_semantics = [#tpu.dimension_semantics<core_parallel>, #tpu.dimension_semantics<subcore_parallel>], iteration_bounds = array<i64: 2, 16>, scalar_prefetch = 0 : i64, scratch_operands = 3 : i64, tpu.core_type = #tpu.core_type<sc_vector_subcore>, window_params = [{transform_indices = #map}, {transform_indices = #map}, {transform_indices = #map}, {transform_indices = #map1}]} {
    %mul3A = arith.constant 16 : i32
    %mul3A_0 = arith.muli %arg0, %mul3A : i32
    %add3A = arith.addi %mul3A_0, %arg1 : i32
    %mul3A_1 = arith.constant 640 : i32
    %mul3A_2 = arith.muli %arg1, %mul3A_1 : i32
    "tpu.region"() ({
      %run_scoped3A = tpu.sem_alloc : memref<!tpu.dma_semaphore, #tpu.memory_space<semaphore_mem>>
      %dma_start3A = arith.constant 0 : i32
      %dma_start3A_15 = tpu.memref_slice %arg8[%mul3A_2, %dma_start3A] : memref<10240x128xf32, #tpu.memory_space<vmem_shared>> -> memref<640x128xf32, #tpu.memory_space<vmem_shared>>
      tpu.enqueue_dma source(%arg4 : memref<640x128xf32, #tpu.memory_space<hbm>>) target(%dma_start3A_15 : memref<640x128xf32, #tpu.memory_space<vmem_shared>>) target_semaphore(%run_scoped3A : memref<!tpu.dma_semaphore, #tpu.memory_space<semaphore_mem>>)
      %dma_wait3A = arith.constant 0 : i32
      %dma_wait3A_16 = tpu.memref_slice %arg8[%mul3A_2, %dma_wait3A] : memref<10240x128xf32, #tpu.memory_space<vmem_shared>> -> memref<640x128xf32, #tpu.memory_space<vmem_shared>>
      tpu.wait_dma2 semaphore(%run_scoped3A : memref<!tpu.dma_semaphore, #tpu.memory_space<semaphore_mem>>) src(%arg4 : memref<640x128xf32, #tpu.memory_space<hbm>>) dst(%dma_wait3A_16 : memref<640x128xf32, #tpu.memory_space<vmem_shared>>)
      tpu.yield
    }) : () -> ()
    "tpu.region"() ({
      %run_scoped3A = tpu.sem_alloc : memref<!tpu.dma_semaphore, #tpu.memory_space<semaphore_mem>>
      tpu.enqueue_dma source(%arg3 : memref<128x128xf32, #tpu.memory_space<hbm>>) target(%arg7 : memref<128x128xf32, #tpu.memory_space<vmem>>) target_semaphore(%run_scoped3A : memref<!tpu.dma_semaphore, #tpu.memory_space<semaphore_mem>>)
      tpu.wait_dma2 semaphore(%run_scoped3A : memref<!tpu.dma_semaphore, #tpu.memory_space<semaphore_mem>>) src(%arg3 : memref<128x128xf32, #tpu.memory_space<hbm>>) dst(%arg7 : memref<128x128xf32, #tpu.memory_space<vmem>>)
      tpu.yield
    }) : () -> ()
    %mul3A_3 = arith.constant 80 : i32
    %mul3A_4 = arith.muli %add3A, %mul3A_3 : i32
    "tpu.region"() ({
      %run_scoped3A = tpu.sem_alloc : memref<!tpu.dma_semaphore, #tpu.memory_space<semaphore_mem>>
      %dma_start3A = arith.constant 0 : i32
      %dma_start3A_15 = tpu.memref_slice %arg2[%mul3A_4, %dma_start3A] : memref<2560x128xi32, #tpu.memory_space<hbm>> -> memref<80x128xi32, #tpu.memory_space<hbm>>
      %dma_start3A_16 = arith.constant 0 : i32
      %dma_start3A_17 = tpu.memref_slice %arg2[%mul3A_4, %dma_start3A_16] : memref<2560x128xi32, #tpu.memory_space<hbm>> -> memref<80x128xi32, #tpu.memory_space<hbm>>
      tpu.enqueue_dma source(%dma_start3A_17 : memref<80x128xi32, #tpu.memory_space<hbm>>) target(%arg6 : memref<80x128xi32, #tpu.memory_space<vmem>>) target_semaphore(%run_scoped3A : memref<!tpu.dma_semaphore, #tpu.memory_space<semaphore_mem>>)
      %dma_wait3A = arith.constant 0 : i32
      %dma_wait3A_18 = tpu.memref_slice %arg2[%mul3A_4, %dma_wait3A] : memref<2560x128xi32, #tpu.memory_space<hbm>> -> memref<80x128xi32, #tpu.memory_space<hbm>>
      %dma_wait3A_19 = arith.constant 0 : i32
      %dma_wait3A_20 = tpu.memref_slice %arg2[%mul3A_4, %dma_wait3A_19] : memref<2560x128xi32, #tpu.memory_space<hbm>> -> memref<80x128xi32, #tpu.memory_space<hbm>>
      tpu.wait_dma2 semaphore(%run_scoped3A : memref<!tpu.dma_semaphore, #tpu.memory_space<semaphore_mem>>) src(%dma_wait3A_20 : memref<80x128xi32, #tpu.memory_space<hbm>>) dst(%arg6 : memref<80x128xi32, #tpu.memory_space<vmem>>)
      tpu.yield
    }) : () -> ()
    %barrier3A = arith.constant 0 : index
    tpu.barrier barrier_id(%barrier3A)
    %scan3A = arith.constant 0 : i32
    %scan3A_5 = arith.constant 0 : i32
    %scan3A_6 = arith.constant 80 : i32
    %scan3A_7 = arith.addi %scan3A_5, %scan3A_6 : i32
    %scan3A_8 = arith.constant 1 : i32
    scf.for %scan3A_15 = %scan3A_5 to %scan3A_7 step %scan3A_8  : i32 {
      "tpu.region"() ({
        %run_scoped3A = tpu.sem_alloc : memref<!tpu.dma_semaphore, #tpu.memory_space<semaphore_mem>>
        %dma_start3A = arith.constant 0 : i32
        %dma_start3A_16 = tpu.memref_slice %arg6[%scan3A_15, %dma_start3A] : memref<80x128xi32, #tpu.memory_space<vmem>> -> memref<1x128xi32, #tpu.memory_space<vmem>>
        %dma_start3A_17 = tpu.memref_squeeze %dma_start3A_16 : memref<1x128xi32, #tpu.memory_space<vmem>> -> memref<128xi32, #tpu.memory_space<vmem>>
        %dma_start3A_18 = arith.constant 0 : i32
        %dma_start3A_19 = arith.constant 0 : i32
        %dma_start3A_20 = tpu.memref_slice %arg8[%dma_start3A_18, %dma_start3A_19] : memref<10240x128xf32, #tpu.memory_space<vmem_shared>> -> memref<10240x128xf32, #tpu.memory_space<vmem_shared>>
        tpu.enqueue_indirect_dma source(%arg7 : memref<128x128xf32, #tpu.memory_space<vmem>>) target(%dma_start3A_20 : memref<10240x128xf32, #tpu.memory_space<vmem_shared>>) offsets(%dma_start3A_17 : memref<128xi32, #tpu.memory_space<vmem>>) semaphore(%run_scoped3A : memref<!tpu.dma_semaphore, #tpu.memory_space<semaphore_mem>>) {add = true}
        %dma_wait3A = arith.constant 0 : i32
        %dma_wait3A_21 = tpu.memref_slice %arg6[%scan3A_15, %dma_wait3A] : memref<80x128xi32, #tpu.memory_space<vmem>> -> memref<1x128xi32, #tpu.memory_space<vmem>>
        %dma_wait3A_22 = tpu.memref_squeeze %dma_wait3A_21 : memref<1x128xi32, #tpu.memory_space<vmem>> -> memref<128xi32, #tpu.memory_space<vmem>>
        %dma_wait3A_23 = arith.constant 0 : i32
        %dma_wait3A_24 = arith.constant 0 : i32
        %dma_wait3A_25 = tpu.memref_slice %arg8[%dma_wait3A_23, %dma_wait3A_24] : memref<10240x128xf32, #tpu.memory_space<vmem_shared>> -> memref<10240x128xf32, #tpu.memory_space<vmem_shared>>
        tpu.wait_indirect_dma semaphore(%run_scoped3A : memref<!tpu.dma_semaphore, #tpu.memory_space<semaphore_mem>>) src(%arg7 : memref<128x128xf32, #tpu.memory_space<vmem>>) dst(%dma_wait3A_25 : memref<10240x128xf32, #tpu.memory_space<vmem_shared>>)
        tpu.yield
      }) : () -> ()
    }
    %scan3A_9 = arith.constant 80 : i32
    %barrier3A_10 = arith.constant 0 : index
    tpu.barrier barrier_id(%barrier3A_10)
    %mul3A_11 = arith.constant 640 : i32
    %mul3A_12 = arith.muli %arg1, %mul3A_11 : i32
    %mul3A_13 = arith.constant 640 : i32
    %mul3A_14 = arith.muli %arg1, %mul3A_13 : i32
    "tpu.region"() ({
      %run_scoped3A = tpu.sem_alloc : memref<!tpu.dma_semaphore, #tpu.memory_space<semaphore_mem>>
      %dma_start3A = arith.constant 0 : i32
      %dma_start3A_15 = tpu.memref_slice %arg5[%arg0, %mul3A_14, %dma_start3A] : memref<2x10240x128xf32, #tpu.memory_space<hbm>> -> memref<1x640x128xf32, #tpu.memory_space<hbm>>
      %dma_start3A_16 = tpu.memref_squeeze %dma_start3A_15 : memref<1x640x128xf32, #tpu.memory_space<hbm>> -> memref<640x128xf32, #tpu.memory_space<hbm>>
      %dma_start3A_17 = arith.constant 0 : i32
      %dma_start3A_18 = tpu.memref_slice %arg8[%mul3A_12, %dma_start3A_17] : memref<10240x128xf32, #tpu.memory_space<vmem_shared>> -> memref<640x128xf32, #tpu.memory_space<vmem_shared>>
      tpu.enqueue_dma source(%dma_start3A_18 : memref<640x128xf32, #tpu.memory_space<vmem_shared>>) target(%dma_start3A_16 : memref<640x128xf32, #tpu.memory_space<hbm>>) target_semaphore(%run_scoped3A : memref<!tpu.dma_semaphore, #tpu.memory_space<semaphore_mem>>)
      %dma_wait3A = arith.constant 0 : i32
      %dma_wait3A_19 = tpu.memref_slice %arg5[%arg0, %mul3A_14, %dma_wait3A] : memref<2x10240x128xf32, #tpu.memory_space<hbm>> -> memref<1x640x128xf32, #tpu.memory_space<hbm>>
      %dma_wait3A_20 = tpu.memref_squeeze %dma_wait3A_19 : memref<1x640x128xf32, #tpu.memory_space<hbm>> -> memref<640x128xf32, #tpu.memory_space<hbm>>
      %dma_wait3A_21 = arith.constant 0 : i32
      %dma_wait3A_22 = tpu.memref_slice %arg8[%mul3A_12, %dma_wait3A_21] : memref<10240x128xf32, #tpu.memory_space<vmem_shared>> -> memref<640x128xf32, #tpu.memory_space<vmem_shared>>
      tpu.wait_dma2 semaphore(%run_scoped3A : memref<!tpu.dma_semaphore, #tpu.memory_space<semaphore_mem>>) src(%dma_wait3A_22 : memref<640x128xf32, #tpu.memory_space<vmem_shared>>) dst(%dma_wait3A_20 : memref<640x128xf32, #tpu.memory_space<hbm>>)
      tpu.yield
    }) : () -> ()
    return
  }
}

#map = affine_map<(d0, d1) -> (0, 0)>
#map1 = affine_map<(d0, d1) -> (0, 0, 0)>
module attributes {stable_mosaic.version = 14 : i64} {
  func.func @_prop_body(%arg0: i32, %arg1: i32, %arg2: memref<10240x128xf32, #tpu.memory_space<hbm>>, %arg3: memref<2560x128xi32, #tpu.memory_space<hbm>>, %arg4: memref<2560x128xi32, #tpu.memory_space<hbm>>, %arg5: memref<640x128xf32, #tpu.memory_space<hbm>>, %arg6: memref<2x10240x128xf32, #tpu.memory_space<hbm>>, %arg7: memref<2x128xi32, #tpu.memory_space<vmem>>, %arg8: memref<80x128xi32, #tpu.memory_space<vmem>>, %arg9: memref<2x128x128xf32, #tpu.memory_space<vmem>>, %arg10: memref<10240x128xf32, #tpu.memory_space<vmem_shared>>, %arg11: memref<!tpu.dma_semaphore, #tpu.memory_space<semaphore_mem>>, %arg12: memref<!tpu.dma_semaphore, #tpu.memory_space<semaphore_mem>>, %arg13: memref<!tpu.dma_semaphore, #tpu.memory_space<semaphore_mem>>, %arg14: memref<!tpu.dma_semaphore, #tpu.memory_space<semaphore_mem>>) attributes {dimension_semantics = [#tpu.dimension_semantics<core_parallel>, #tpu.dimension_semantics<subcore_parallel>], iteration_bounds = array<i64: 2, 16>, scalar_prefetch = 0 : i64, scratch_operands = 8 : i64, tpu.core_type = #tpu.core_type<sc_vector_subcore>, window_params = [{transform_indices = #map}, {transform_indices = #map}, {transform_indices = #map}, {transform_indices = #map}, {transform_indices = #map1}]} {
    %mul3A = arith.constant 16 : i32
    %mul3A_0 = arith.muli %arg0, %mul3A : i32
    %add3A = arith.addi %mul3A_0, %arg1 : i32
    %mul3A_1 = arith.constant 80 : i32
    %mul3A_2 = arith.muli %add3A, %mul3A_1 : i32
    %add3A_3 = arith.constant 0 : i32
    %add3A_4 = arith.addi %mul3A_2, %add3A_3 : i32
    %dma_start3A = arith.constant 0 : i32
    %dma_start3A_5 = arith.constant 0 : i32
    %dma_start3A_6 = tpu.memref_slice %arg7[%dma_start3A, %dma_start3A_5] : memref<2x128xi32, #tpu.memory_space<vmem>> -> memref<1x128xi32, #tpu.memory_space<vmem>>
    %dma_start3A_7 = tpu.memref_squeeze %dma_start3A_6 : memref<1x128xi32, #tpu.memory_space<vmem>> -> memref<128xi32, #tpu.memory_space<vmem>>
    %dma_start3A_8 = arith.constant 0 : i32
    %dma_start3A_9 = tpu.memref_slice %arg3[%add3A_4, %dma_start3A_8] : memref<2560x128xi32, #tpu.memory_space<hbm>> -> memref<1x128xi32, #tpu.memory_space<hbm>>
    %dma_start3A_10 = tpu.memref_squeeze %dma_start3A_9 : memref<1x128xi32, #tpu.memory_space<hbm>> -> memref<128xi32, #tpu.memory_space<hbm>>
    %dma_start3A_11 = arith.constant 0 : i32
    %dma_start3A_12 = tpu.memref_slice %arg7[%dma_start3A, %dma_start3A_11] : memref<2x128xi32, #tpu.memory_space<vmem>> -> memref<1x128xi32, #tpu.memory_space<vmem>>
    %dma_start3A_13 = tpu.memref_squeeze %dma_start3A_12 : memref<1x128xi32, #tpu.memory_space<vmem>> -> memref<128xi32, #tpu.memory_space<vmem>>
    %dma_start3A_14 = arith.constant 0 : i32
    %dma_start3A_15 = tpu.memref_slice %arg3[%add3A_4, %dma_start3A_14] : memref<2560x128xi32, #tpu.memory_space<hbm>> -> memref<1x128xi32, #tpu.memory_space<hbm>>
    %dma_start3A_16 = tpu.memref_squeeze %dma_start3A_15 : memref<1x128xi32, #tpu.memory_space<hbm>> -> memref<128xi32, #tpu.memory_space<hbm>>
    tpu.enqueue_dma source(%dma_start3A_16 : memref<128xi32, #tpu.memory_space<hbm>>) target(%dma_start3A_13 : memref<128xi32, #tpu.memory_space<vmem>>) target_semaphore(%arg13 : memref<!tpu.dma_semaphore, #tpu.memory_space<semaphore_mem>>)
    %mul3A_17 = arith.constant 640 : i32
    %mul3A_18 = arith.muli %arg1, %mul3A_17 : i32
    "tpu.region"() ({
      %run_scoped3A_124 = tpu.sem_alloc : memref<!tpu.dma_semaphore, #tpu.memory_space<semaphore_mem>>
      %dma_start3A_125 = arith.constant 0 : i32
      %dma_start3A_126 = tpu.memref_slice %arg10[%mul3A_18, %dma_start3A_125] : memref<10240x128xf32, #tpu.memory_space<vmem_shared>> -> memref<640x128xf32, #tpu.memory_space<vmem_shared>>
      tpu.enqueue_dma source(%arg5 : memref<640x128xf32, #tpu.memory_space<hbm>>) target(%dma_start3A_126 : memref<640x128xf32, #tpu.memory_space<vmem_shared>>) target_semaphore(%run_scoped3A_124 : memref<!tpu.dma_semaphore, #tpu.memory_space<semaphore_mem>>)
      %dma_wait3A_127 = arith.constant 0 : i32
      %dma_wait3A_128 = tpu.memref_slice %arg10[%mul3A_18, %dma_wait3A_127] : memref<10240x128xf32, #tpu.memory_space<vmem_shared>> -> memref<640x128xf32, #tpu.memory_space<vmem_shared>>
      tpu.wait_dma2 semaphore(%run_scoped3A_124 : memref<!tpu.dma_semaphore, #tpu.memory_space<semaphore_mem>>) src(%arg5 : memref<640x128xf32, #tpu.memory_space<hbm>>) dst(%dma_wait3A_128 : memref<640x128xf32, #tpu.memory_space<vmem_shared>>)
      tpu.yield
    }) : () -> ()
    "tpu.region"() ({
      %run_scoped3A_124 = tpu.sem_alloc : memref<!tpu.dma_semaphore, #tpu.memory_space<semaphore_mem>>
      %dma_start3A_125 = arith.constant 0 : i32
      %dma_start3A_126 = tpu.memref_slice %arg4[%mul3A_2, %dma_start3A_125] : memref<2560x128xi32, #tpu.memory_space<hbm>> -> memref<80x128xi32, #tpu.memory_space<hbm>>
      %dma_start3A_127 = arith.constant 0 : i32
      %dma_start3A_128 = tpu.memref_slice %arg4[%mul3A_2, %dma_start3A_127] : memref<2560x128xi32, #tpu.memory_space<hbm>> -> memref<80x128xi32, #tpu.memory_space<hbm>>
      tpu.enqueue_dma source(%dma_start3A_128 : memref<80x128xi32, #tpu.memory_space<hbm>>) target(%arg8 : memref<80x128xi32, #tpu.memory_space<vmem>>) target_semaphore(%run_scoped3A_124 : memref<!tpu.dma_semaphore, #tpu.memory_space<semaphore_mem>>)
      %dma_wait3A_129 = arith.constant 0 : i32
      %dma_wait3A_130 = tpu.memref_slice %arg4[%mul3A_2, %dma_wait3A_129] : memref<2560x128xi32, #tpu.memory_space<hbm>> -> memref<80x128xi32, #tpu.memory_space<hbm>>
      %dma_wait3A_131 = arith.constant 0 : i32
      %dma_wait3A_132 = tpu.memref_slice %arg4[%mul3A_2, %dma_wait3A_131] : memref<2560x128xi32, #tpu.memory_space<hbm>> -> memref<80x128xi32, #tpu.memory_space<hbm>>
      tpu.wait_dma2 semaphore(%run_scoped3A_124 : memref<!tpu.dma_semaphore, #tpu.memory_space<semaphore_mem>>) src(%dma_wait3A_132 : memref<80x128xi32, #tpu.memory_space<hbm>>) dst(%arg8 : memref<80x128xi32, #tpu.memory_space<vmem>>)
      tpu.yield
    }) : () -> ()
    %barrier3A = arith.constant 0 : index
    tpu.barrier barrier_id(%barrier3A)
    %add3A_19 = arith.constant 0 : i32
    %add3A_20 = arith.addi %mul3A_2, %add3A_19 : i32
    %dma_wait3A = arith.constant 0 : i32
    %dma_wait3A_21 = arith.constant 0 : i32
    %dma_wait3A_22 = tpu.memref_slice %arg7[%dma_wait3A, %dma_wait3A_21] : memref<2x128xi32, #tpu.memory_space<vmem>> -> memref<1x128xi32, #tpu.memory_space<vmem>>
    %dma_wait3A_23 = tpu.memref_squeeze %dma_wait3A_22 : memref<1x128xi32, #tpu.memory_space<vmem>> -> memref<128xi32, #tpu.memory_space<vmem>>
    %dma_wait3A_24 = arith.constant 0 : i32
    %dma_wait3A_25 = tpu.memref_slice %arg3[%add3A_20, %dma_wait3A_24] : memref<2560x128xi32, #tpu.memory_space<hbm>> -> memref<1x128xi32, #tpu.memory_space<hbm>>
    %dma_wait3A_26 = tpu.memref_squeeze %dma_wait3A_25 : memref<1x128xi32, #tpu.memory_space<hbm>> -> memref<128xi32, #tpu.memory_space<hbm>>
    %dma_wait3A_27 = arith.constant 0 : i32
    %dma_wait3A_28 = tpu.memref_slice %arg7[%dma_wait3A, %dma_wait3A_27] : memref<2x128xi32, #tpu.memory_space<vmem>> -> memref<1x128xi32, #tpu.memory_space<vmem>>
    %dma_wait3A_29 = tpu.memref_squeeze %dma_wait3A_28 : memref<1x128xi32, #tpu.memory_space<vmem>> -> memref<128xi32, #tpu.memory_space<vmem>>
    %dma_wait3A_30 = arith.constant 0 : i32
    %dma_wait3A_31 = tpu.memref_slice %arg3[%add3A_20, %dma_wait3A_30] : memref<2560x128xi32, #tpu.memory_space<hbm>> -> memref<1x128xi32, #tpu.memory_space<hbm>>
    %dma_wait3A_32 = tpu.memref_squeeze %dma_wait3A_31 : memref<1x128xi32, #tpu.memory_space<hbm>> -> memref<128xi32, #tpu.memory_space<hbm>>
    tpu.wait_dma2 semaphore(%arg13 : memref<!tpu.dma_semaphore, #tpu.memory_space<semaphore_mem>>) src(%dma_wait3A_32 : memref<128xi32, #tpu.memory_space<hbm>>) dst(%dma_wait3A_29 : memref<128xi32, #tpu.memory_space<vmem>>)
    %dma_start3A_33 = arith.constant 0 : i32
    %dma_start3A_34 = arith.constant 0 : i32
    %dma_start3A_35 = arith.constant 0 : i32
    %dma_start3A_36 = arith.constant 0 : i32
    %dma_start3A_37 = tpu.memref_slice %arg9[%dma_start3A_34, %dma_start3A_35, %dma_start3A_36] : memref<2x128x128xf32, #tpu.memory_space<vmem>> -> memref<1x128x128xf32, #tpu.memory_space<vmem>>
    %dma_start3A_38 = tpu.memref_squeeze %dma_start3A_37 : memref<1x128x128xf32, #tpu.memory_space<vmem>> -> memref<128x128xf32, #tpu.memory_space<vmem>>
    %dma_start3A_39 = arith.constant 0 : i32
    %dma_start3A_40 = tpu.memref_slice %arg7[%dma_start3A_33, %dma_start3A_39] : memref<2x128xi32, #tpu.memory_space<vmem>> -> memref<1x128xi32, #tpu.memory_space<vmem>>
    %dma_start3A_41 = tpu.memref_squeeze %dma_start3A_40 : memref<1x128xi32, #tpu.memory_space<vmem>> -> memref<128xi32, #tpu.memory_space<vmem>>
    %dma_start3A_42 = arith.constant 0 : i32
    %dma_start3A_43 = arith.constant 0 : i32
    %dma_start3A_44 = tpu.memref_slice %arg2[%dma_start3A_42, %dma_start3A_43] : memref<10240x128xf32, #tpu.memory_space<hbm>> -> memref<10240x128xf32, #tpu.memory_space<hbm>>
    tpu.enqueue_indirect_dma source(%dma_start3A_44 : memref<10240x128xf32, #tpu.memory_space<hbm>>) target(%dma_start3A_38 : memref<128x128xf32, #tpu.memory_space<vmem>>) offsets(%dma_start3A_41 : memref<128xi32, #tpu.memory_space<vmem>>) semaphore(%arg11 : memref<!tpu.dma_semaphore, #tpu.memory_space<semaphore_mem>>)
    %add3A_45 = arith.constant 1 : i32
    %add3A_46 = arith.addi %mul3A_2, %add3A_45 : i32
    %dma_start3A_47 = arith.constant 1 : i32
    %dma_start3A_48 = arith.constant 0 : i32
    %dma_start3A_49 = tpu.memref_slice %arg7[%dma_start3A_47, %dma_start3A_48] : memref<2x128xi32, #tpu.memory_space<vmem>> -> memref<1x128xi32, #tpu.memory_space<vmem>>
    %dma_start3A_50 = tpu.memref_squeeze %dma_start3A_49 : memref<1x128xi32, #tpu.memory_space<vmem>> -> memref<128xi32, #tpu.memory_space<vmem>>
    %dma_start3A_51 = arith.constant 0 : i32
    %dma_start3A_52 = tpu.memref_slice %arg3[%add3A_46, %dma_start3A_51] : memref<2560x128xi32, #tpu.memory_space<hbm>> -> memref<1x128xi32, #tpu.memory_space<hbm>>
    %dma_start3A_53 = tpu.memref_squeeze %dma_start3A_52 : memref<1x128xi32, #tpu.memory_space<hbm>> -> memref<128xi32, #tpu.memory_space<hbm>>
    %dma_start3A_54 = arith.constant 0 : i32
    %dma_start3A_55 = tpu.memref_slice %arg7[%dma_start3A_47, %dma_start3A_54] : memref<2x128xi32, #tpu.memory_space<vmem>> -> memref<1x128xi32, #tpu.memory_space<vmem>>
    %dma_start3A_56 = tpu.memref_squeeze %dma_start3A_55 : memref<1x128xi32, #tpu.memory_space<vmem>> -> memref<128xi32, #tpu.memory_space<vmem>>
    %dma_start3A_57 = arith.constant 0 : i32
    %dma_start3A_58 = tpu.memref_slice %arg3[%add3A_46, %dma_start3A_57] : memref<2560x128xi32, #tpu.memory_space<hbm>> -> memref<1x128xi32, #tpu.memory_space<hbm>>
    %dma_start3A_59 = tpu.memref_squeeze %dma_start3A_58 : memref<1x128xi32, #tpu.memory_space<hbm>> -> memref<128xi32, #tpu.memory_space<hbm>>
    tpu.enqueue_dma source(%dma_start3A_59 : memref<128xi32, #tpu.memory_space<hbm>>) target(%dma_start3A_56 : memref<128xi32, #tpu.memory_space<vmem>>) target_semaphore(%arg14 : memref<!tpu.dma_semaphore, #tpu.memory_space<semaphore_mem>>)
    %scan3A = arith.constant 0 : i32
    %scan3A_60 = arith.constant 0 : i32
    %scan3A_61 = arith.constant 39 : i32
    %scan3A_62 = arith.addi %scan3A_60, %scan3A_61 : i32
    %scan3A_63 = arith.constant 1 : i32
    scf.for %scan3A_124 = %scan3A_60 to %scan3A_62 step %scan3A_63  : i32 {
      %mul3A_125 = arith.constant 2 : i32
      %mul3A_126 = arith.muli %scan3A_124, %mul3A_125 : i32
      %dma_wait3A_127 = arith.constant 0 : i32
      %dma_wait3A_128 = arith.constant 0 : i32
      %dma_wait3A_129 = arith.constant 0 : i32
      %dma_wait3A_130 = arith.constant 0 : i32
      %dma_wait3A_131 = tpu.memref_slice %arg9[%dma_wait3A_128, %dma_wait3A_129, %dma_wait3A_130] : memref<2x128x128xf32, #tpu.memory_space<vmem>> -> memref<1x128x128xf32, #tpu.memory_space<vmem>>
      %dma_wait3A_132 = tpu.memref_squeeze %dma_wait3A_131 : memref<1x128x128xf32, #tpu.memory_space<vmem>> -> memref<128x128xf32, #tpu.memory_space<vmem>>
      %dma_wait3A_133 = arith.constant 0 : i32
      %dma_wait3A_134 = tpu.memref_slice %arg7[%dma_wait3A_127, %dma_wait3A_133] : memref<2x128xi32, #tpu.memory_space<vmem>> -> memref<1x128xi32, #tpu.memory_space<vmem>>
      %dma_wait3A_135 = tpu.memref_squeeze %dma_wait3A_134 : memref<1x128xi32, #tpu.memory_space<vmem>> -> memref<128xi32, #tpu.memory_space<vmem>>
      %dma_wait3A_136 = arith.constant 0 : i32
      %dma_wait3A_137 = arith.constant 0 : i32
      %dma_wait3A_138 = tpu.memref_slice %arg2[%dma_wait3A_136, %dma_wait3A_137] : memref<10240x128xf32, #tpu.memory_space<hbm>> -> memref<10240x128xf32, #tpu.memory_space<hbm>>
      tpu.wait_indirect_dma semaphore(%arg11 : memref<!tpu.dma_semaphore, #tpu.memory_space<semaphore_mem>>) src(%dma_wait3A_138 : memref<10240x128xf32, #tpu.memory_space<hbm>>) dst(%dma_wait3A_132 : memref<128x128xf32, #tpu.memory_space<vmem>>)
      %add3A_139 = arith.constant 1 : i32
      %add3A_140 = arith.addi %mul3A_126, %add3A_139 : i32
      %add3A_141 = arith.addi %mul3A_2, %add3A_140 : i32
      %dma_wait3A_142 = arith.constant 1 : i32
      %dma_wait3A_143 = arith.constant 0 : i32
      %dma_wait3A_144 = tpu.memref_slice %arg7[%dma_wait3A_142, %dma_wait3A_143] : memref<2x128xi32, #tpu.memory_space<vmem>> -> memref<1x128xi32, #tpu.memory_space<vmem>>
      %dma_wait3A_145 = tpu.memref_squeeze %dma_wait3A_144 : memref<1x128xi32, #tpu.memory_space<vmem>> -> memref<128xi32, #tpu.memory_space<vmem>>
      %dma_wait3A_146 = arith.constant 0 : i32
      %dma_wait3A_147 = tpu.memref_slice %arg3[%add3A_141, %dma_wait3A_146] : memref<2560x128xi32, #tpu.memory_space<hbm>> -> memref<1x128xi32, #tpu.memory_space<hbm>>
      %dma_wait3A_148 = tpu.memref_squeeze %dma_wait3A_147 : memref<1x128xi32, #tpu.memory_space<hbm>> -> memref<128xi32, #tpu.memory_space<hbm>>
      %dma_wait3A_149 = arith.constant 0 : i32
      %dma_wait3A_150 = tpu.memref_slice %arg7[%dma_wait3A_142, %dma_wait3A_149] : memref<2x128xi32, #tpu.memory_space<vmem>> -> memref<1x128xi32, #tpu.memory_space<vmem>>
      %dma_wait3A_151 = tpu.memref_squeeze %dma_wait3A_150 : memref<1x128xi32, #tpu.memory_space<vmem>> -> memref<128xi32, #tpu.memory_space<vmem>>
      %dma_wait3A_152 = arith.constant 0 : i32
      %dma_wait3A_153 = tpu.memref_slice %arg3[%add3A_141, %dma_wait3A_152] : memref<2560x128xi32, #tpu.memory_space<hbm>> -> memref<1x128xi32, #tpu.memory_space<hbm>>
      %dma_wait3A_154 = tpu.memref_squeeze %dma_wait3A_153 : memref<1x128xi32, #tpu.memory_space<hbm>> -> memref<128xi32, #tpu.memory_space<hbm>>
      tpu.wait_dma2 semaphore(%arg14 : memref<!tpu.dma_semaphore, #tpu.memory_space<semaphore_mem>>) src(%dma_wait3A_154 : memref<128xi32, #tpu.memory_space<hbm>>) dst(%dma_wait3A_151 : memref<128xi32, #tpu.memory_space<vmem>>)
      %dma_start3A_155 = arith.constant 1 : i32
      %dma_start3A_156 = arith.constant 1 : i32
      %dma_start3A_157 = arith.constant 0 : i32
      %dma_start3A_158 = arith.constant 0 : i32
      %dma_start3A_159 = tpu.memref_slice %arg9[%dma_start3A_156, %dma_start3A_157, %dma_start3A_158] : memref<2x128x128xf32, #tpu.memory_space<vmem>> -> memref<1x128x128xf32, #tpu.memory_space<vmem>>
      %dma_start3A_160 = tpu.memref_squeeze %dma_start3A_159 : memref<1x128x128xf32, #tpu.memory_space<vmem>> -> memref<128x128xf32, #tpu.memory_space<vmem>>
      %dma_start3A_161 = arith.constant 0 : i32
      %dma_start3A_162 = tpu.memref_slice %arg7[%dma_start3A_155, %dma_start3A_161] : memref<2x128xi32, #tpu.memory_space<vmem>> -> memref<1x128xi32, #tpu.memory_space<vmem>>
      %dma_start3A_163 = tpu.memref_squeeze %dma_start3A_162 : memref<1x128xi32, #tpu.memory_space<vmem>> -> memref<128xi32, #tpu.memory_space<vmem>>
      %dma_start3A_164 = arith.constant 0 : i32
      %dma_start3A_165 = arith.constant 0 : i32
      %dma_start3A_166 = tpu.memref_slice %arg2[%dma_start3A_164, %dma_start3A_165] : memref<10240x128xf32, #tpu.memory_space<hbm>> -> memref<10240x128xf32, #tpu.memory_space<hbm>>
      tpu.enqueue_indirect_dma source(%dma_start3A_166 : memref<10240x128xf32, #tpu.memory_space<hbm>>) target(%dma_start3A_160 : memref<128x128xf32, #tpu.memory_space<vmem>>) offsets(%dma_start3A_163 : memref<128xi32, #tpu.memory_space<vmem>>) semaphore(%arg12 : memref<!tpu.dma_semaphore, #tpu.memory_space<semaphore_mem>>)
      %run_scoped3A_167 = arith.constant 0 : i32
      "tpu.region"() ({
        %run_scoped3A_243 = tpu.sem_alloc : memref<!tpu.dma_semaphore, #tpu.memory_space<semaphore_mem>>
        %dma_start3A_244 = arith.constant 0 : i32
        %dma_start3A_245 = arith.constant 0 : i32
        %dma_start3A_246 = tpu.memref_slice %arg9[%run_scoped3A_167, %dma_start3A_244, %dma_start3A_245] : memref<2x128x128xf32, #tpu.memory_space<vmem>> -> memref<1x128x128xf32, #tpu.memory_space<vmem>>
        %dma_start3A_247 = tpu.memref_squeeze %dma_start3A_246 : memref<1x128x128xf32, #tpu.memory_space<vmem>> -> memref<128x128xf32, #tpu.memory_space<vmem>>
        %dma_start3A_248 = arith.constant 0 : i32
        %dma_start3A_249 = tpu.memref_slice %arg8[%mul3A_126, %dma_start3A_248] : memref<80x128xi32, #tpu.memory_space<vmem>> -> memref<1x128xi32, #tpu.memory_space<vmem>>
        %dma_start3A_250 = tpu.memref_squeeze %dma_start3A_249 : memref<1x128xi32, #tpu.memory_space<vmem>> -> memref<128xi32, #tpu.memory_space<vmem>>
        %dma_start3A_251 = arith.constant 0 : i32
        %dma_start3A_252 = arith.constant 0 : i32
        %dma_start3A_253 = tpu.memref_slice %arg10[%dma_start3A_251, %dma_start3A_252] : memref<10240x128xf32, #tpu.memory_space<vmem_shared>> -> memref<10240x128xf32, #tpu.memory_space<vmem_shared>>
        tpu.enqueue_indirect_dma source(%dma_start3A_247 : memref<128x128xf32, #tpu.memory_space<vmem>>) target(%dma_start3A_253 : memref<10240x128xf32, #tpu.memory_space<vmem_shared>>) offsets(%dma_start3A_250 : memref<128xi32, #tpu.memory_space<vmem>>) semaphore(%run_scoped3A_243 : memref<!tpu.dma_semaphore, #tpu.memory_space<semaphore_mem>>) {add = true}
        %dma_wait3A_254 = arith.constant 0 : i32
        %dma_wait3A_255 = arith.constant 0 : i32
        %dma_wait3A_256 = tpu.memref_slice %arg9[%run_scoped3A_167, %dma_wait3A_254, %dma_wait3A_255] : memref<2x128x128xf32, #tpu.memory_space<vmem>> -> memref<1x128x128xf32, #tpu.memory_space<vmem>>
        %dma_wait3A_257 = tpu.memref_squeeze %dma_wait3A_256 : memref<1x128x128xf32, #tpu.memory_space<vmem>> -> memref<128x128xf32, #tpu.memory_space<vmem>>
        %dma_wait3A_258 = arith.constant 0 : i32
        %dma_wait3A_259 = tpu.memref_slice %arg8[%mul3A_126, %dma_wait3A_258] : memref<80x128xi32, #tpu.memory_space<vmem>> -> memref<1x128xi32, #tpu.memory_space<vmem>>
        %dma_wait3A_260 = tpu.memref_squeeze %dma_wait3A_259 : memref<1x128xi32, #tpu.memory_space<vmem>> -> memref<128xi32, #tpu.memory_space<vmem>>
        %dma_wait3A_261 = arith.constant 0 : i32
        %dma_wait3A_262 = arith.constant 0 : i32
        %dma_wait3A_263 = tpu.memref_slice %arg10[%dma_wait3A_261, %dma_wait3A_262] : memref<10240x128xf32, #tpu.memory_space<vmem_shared>> -> memref<10240x128xf32, #tpu.memory_space<vmem_shared>>
        tpu.wait_indirect_dma semaphore(%run_scoped3A_243 : memref<!tpu.dma_semaphore, #tpu.memory_space<semaphore_mem>>) src(%dma_wait3A_257 : memref<128x128xf32, #tpu.memory_space<vmem>>) dst(%dma_wait3A_263 : memref<10240x128xf32, #tpu.memory_space<vmem_shared>>)
        tpu.yield
      }) : () -> ()
      %add3A_168 = arith.constant 2 : i32
      %add3A_169 = arith.addi %mul3A_126, %add3A_168 : i32
      %add3A_170 = arith.addi %mul3A_2, %add3A_169 : i32
      %dma_start3A_171 = arith.constant 0 : i32
      %dma_start3A_172 = arith.constant 0 : i32
      %dma_start3A_173 = tpu.memref_slice %arg7[%dma_start3A_171, %dma_start3A_172] : memref<2x128xi32, #tpu.memory_space<vmem>> -> memref<1x128xi32, #tpu.memory_space<vmem>>
      %dma_start3A_174 = tpu.memref_squeeze %dma_start3A_173 : memref<1x128xi32, #tpu.memory_space<vmem>> -> memref<128xi32, #tpu.memory_space<vmem>>
      %dma_start3A_175 = arith.constant 0 : i32
      %dma_start3A_176 = tpu.memref_slice %arg3[%add3A_170, %dma_start3A_175] : memref<2560x128xi32, #tpu.memory_space<hbm>> -> memref<1x128xi32, #tpu.memory_space<hbm>>
      %dma_start3A_177 = tpu.memref_squeeze %dma_start3A_176 : memref<1x128xi32, #tpu.memory_space<hbm>> -> memref<128xi32, #tpu.memory_space<hbm>>
      %dma_start3A_178 = arith.constant 0 : i32
      %dma_start3A_179 = tpu.memref_slice %arg7[%dma_start3A_171, %dma_start3A_178] : memref<2x128xi32, #tpu.memory_space<vmem>> -> memref<1x128xi32, #tpu.memory_space<vmem>>
      %dma_start3A_180 = tpu.memref_squeeze %dma_start3A_179 : memref<1x128xi32, #tpu.memory_space<vmem>> -> memref<128xi32, #tpu.memory_space<vmem>>
      %dma_start3A_181 = arith.constant 0 : i32
      %dma_start3A_182 = tpu.memref_slice %arg3[%add3A_170, %dma_start3A_181] : memref<2560x128xi32, #tpu.memory_space<hbm>> -> memref<1x128xi32, #tpu.memory_space<hbm>>
      %dma_start3A_183 = tpu.memref_squeeze %dma_start3A_182 : memref<1x128xi32, #tpu.memory_space<hbm>> -> memref<128xi32, #tpu.memory_space<hbm>>
      tpu.enqueue_dma source(%dma_start3A_183 : memref<128xi32, #tpu.memory_space<hbm>>) target(%dma_start3A_180 : memref<128xi32, #tpu.memory_space<vmem>>) target_semaphore(%arg13 : memref<!tpu.dma_semaphore, #tpu.memory_space<semaphore_mem>>)
      %add3A_184 = arith.constant 1 : i32
      %add3A_185 = arith.addi %mul3A_126, %add3A_184 : i32
      %dma_wait3A_186 = arith.constant 1 : i32
      %dma_wait3A_187 = arith.constant 1 : i32
      %dma_wait3A_188 = arith.constant 0 : i32
      %dma_wait3A_189 = arith.constant 0 : i32
      %dma_wait3A_190 = tpu.memref_slice %arg9[%dma_wait3A_187, %dma_wait3A_188, %dma_wait3A_189] : memref<2x128x128xf32, #tpu.memory_space<vmem>> -> memref<1x128x128xf32, #tpu.memory_space<vmem>>
      %dma_wait3A_191 = tpu.memref_squeeze %dma_wait3A_190 : memref<1x128x128xf32, #tpu.memory_space<vmem>> -> memref<128x128xf32, #tpu.memory_space<vmem>>
      %dma_wait3A_192 = arith.constant 0 : i32
      %dma_wait3A_193 = tpu.memref_slice %arg7[%dma_wait3A_186, %dma_wait3A_192] : memref<2x128xi32, #tpu.memory_space<vmem>> -> memref<1x128xi32, #tpu.memory_space<vmem>>
      %dma_wait3A_194 = tpu.memref_squeeze %dma_wait3A_193 : memref<1x128xi32, #tpu.memory_space<vmem>> -> memref<128xi32, #tpu.memory_space<vmem>>
      %dma_wait3A_195 = arith.constant 0 : i32
      %dma_wait3A_196 = arith.constant 0 : i32
      %dma_wait3A_197 = tpu.memref_slice %arg2[%dma_wait3A_195, %dma_wait3A_196] : memref<10240x128xf32, #tpu.memory_space<hbm>> -> memref<10240x128xf32, #tpu.memory_space<hbm>>
      tpu.wait_indirect_dma semaphore(%arg12 : memref<!tpu.dma_semaphore, #tpu.memory_space<semaphore_mem>>) src(%dma_wait3A_197 : memref<10240x128xf32, #tpu.memory_space<hbm>>) dst(%dma_wait3A_191 : memref<128x128xf32, #tpu.memory_space<vmem>>)
      %add3A_198 = arith.constant 1 : i32
      %add3A_199 = arith.addi %add3A_185, %add3A_198 : i32
      %add3A_200 = arith.addi %mul3A_2, %add3A_199 : i32
      %dma_wait3A_201 = arith.constant 0 : i32
      %dma_wait3A_202 = arith.constant 0 : i32
      %dma_wait3A_203 = tpu.memref_slice %arg7[%dma_wait3A_201, %dma_wait3A_202] : memref<2x128xi32, #tpu.memory_space<vmem>> -> memref<1x128xi32, #tpu.memory_space<vmem>>
      %dma_wait3A_204 = tpu.memref_squeeze %dma_wait3A_203 : memref<1x128xi32, #tpu.memory_space<vmem>> -> memref<128xi32, #tpu.memory_space<vmem>>
      %dma_wait3A_205 = arith.constant 0 : i32
      %dma_wait3A_206 = tpu.memref_slice %arg3[%add3A_200, %dma_wait3A_205] : memref<2560x128xi32, #tpu.memory_space<hbm>> -> memref<1x128xi32, #tpu.memory_space<hbm>>
      %dma_wait3A_207 = tpu.memref_squeeze %dma_wait3A_206 : memref<1x128xi32, #tpu.memory_space<hbm>> -> memref<128xi32, #tpu.memory_space<hbm>>
      %dma_wait3A_208 = arith.constant 0 : i32
      %dma_wait3A_209 = tpu.memref_slice %arg7[%dma_wait3A_201, %dma_wait3A_208] : memref<2x128xi32, #tpu.memory_space<vmem>> -> memref<1x128xi32, #tpu.memory_space<vmem>>
      %dma_wait3A_210 = tpu.memref_squeeze %dma_wait3A_209 : memref<1x128xi32, #tpu.memory_space<vmem>> -> memref<128xi32, #tpu.memory_space<vmem>>
      %dma_wait3A_211 = arith.constant 0 : i32
      %dma_wait3A_212 = tpu.memref_slice %arg3[%add3A_200, %dma_wait3A_211] : memref<2560x128xi32, #tpu.memory_space<hbm>> -> memref<1x128xi32, #tpu.memory_space<hbm>>
      %dma_wait3A_213 = tpu.memref_squeeze %dma_wait3A_212 : memref<1x128xi32, #tpu.memory_space<hbm>> -> memref<128xi32, #tpu.memory_space<hbm>>
      tpu.wait_dma2 semaphore(%arg13 : memref<!tpu.dma_semaphore, #tpu.memory_space<semaphore_mem>>) src(%dma_wait3A_213 : memref<128xi32, #tpu.memory_space<hbm>>) dst(%dma_wait3A_210 : memref<128xi32, #tpu.memory_space<vmem>>)
      %dma_start3A_214 = arith.constant 0 : i32
      %dma_start3A_215 = arith.constant 0 : i32
      %dma_start3A_216 = arith.constant 0 : i32
      %dma_start3A_217 = arith.constant 0 : i32
      %dma_start3A_218 = tpu.memref_slice %arg9[%dma_start3A_215, %dma_start3A_216, %dma_start3A_217] : memref<2x128x128xf32, #tpu.memory_space<vmem>> -> memref<1x128x128xf32, #tpu.memory_space<vmem>>
      %dma_start3A_219 = tpu.memref_squeeze %dma_start3A_218 : memref<1x128x128xf32, #tpu.memory_space<vmem>> -> memref<128x128xf32, #tpu.memory_space<vmem>>
      %dma_start3A_220 = arith.constant 0 : i32
      %dma_start3A_221 = tpu.memref_slice %arg7[%dma_start3A_214, %dma_start3A_220] : memref<2x128xi32, #tpu.memory_space<vmem>> -> memref<1x128xi32, #tpu.memory_space<vmem>>
      %dma_start3A_222 = tpu.memref_squeeze %dma_start3A_221 : memref<1x128xi32, #tpu.memory_space<vmem>> -> memref<128xi32, #tpu.memory_space<vmem>>
      %dma_start3A_223 = arith.constant 0 : i32
      %dma_start3A_224 = arith.constant 0 : i32
      %dma_start3A_225 = tpu.memref_slice %arg2[%dma_start3A_223, %dma_start3A_224] : memref<10240x128xf32, #tpu.memory_space<hbm>> -> memref<10240x128xf32, #tpu.memory_space<hbm>>
      tpu.enqueue_indirect_dma source(%dma_start3A_225 : memref<10240x128xf32, #tpu.memory_space<hbm>>) target(%dma_start3A_219 : memref<128x128xf32, #tpu.memory_space<vmem>>) offsets(%dma_start3A_222 : memref<128xi32, #tpu.memory_space<vmem>>) semaphore(%arg11 : memref<!tpu.dma_semaphore, #tpu.memory_space<semaphore_mem>>)
      %run_scoped3A_226 = arith.constant 1 : i32
      "tpu.region"() ({
        %run_scoped3A_243 = tpu.sem_alloc : memref<!tpu.dma_semaphore, #tpu.memory_space<semaphore_mem>>
        %dma_start3A_244 = arith.constant 0 : i32
        %dma_start3A_245 = arith.constant 0 : i32
        %dma_start3A_246 = tpu.memref_slice %arg9[%run_scoped3A_226, %dma_start3A_244, %dma_start3A_245] : memref<2x128x128xf32, #tpu.memory_space<vmem>> -> memref<1x128x128xf32, #tpu.memory_space<vmem>>
        %dma_start3A_247 = tpu.memref_squeeze %dma_start3A_246 : memref<1x128x128xf32, #tpu.memory_space<vmem>> -> memref<128x128xf32, #tpu.memory_space<vmem>>
        %dma_start3A_248 = arith.constant 0 : i32
        %dma_start3A_249 = tpu.memref_slice %arg8[%add3A_185, %dma_start3A_248] : memref<80x128xi32, #tpu.memory_space<vmem>> -> memref<1x128xi32, #tpu.memory_space<vmem>>
        %dma_start3A_250 = tpu.memref_squeeze %dma_start3A_249 : memref<1x128xi32, #tpu.memory_space<vmem>> -> memref<128xi32, #tpu.memory_space<vmem>>
        %dma_start3A_251 = arith.constant 0 : i32
        %dma_start3A_252 = arith.constant 0 : i32
        %dma_start3A_253 = tpu.memref_slice %arg10[%dma_start3A_251, %dma_start3A_252] : memref<10240x128xf32, #tpu.memory_space<vmem_shared>> -> memref<10240x128xf32, #tpu.memory_space<vmem_shared>>
        tpu.enqueue_indirect_dma source(%dma_start3A_247 : memref<128x128xf32, #tpu.memory_space<vmem>>) target(%dma_start3A_253 : memref<10240x128xf32, #tpu.memory_space<vmem_shared>>) offsets(%dma_start3A_250 : memref<128xi32, #tpu.memory_space<vmem>>) semaphore(%run_scoped3A_243 : memref<!tpu.dma_semaphore, #tpu.memory_space<semaphore_mem>>) {add = true}
        %dma_wait3A_254 = arith.constant 0 : i32
        %dma_wait3A_255 = arith.constant 0 : i32
        %dma_wait3A_256 = tpu.memref_slice %arg9[%run_scoped3A_226, %dma_wait3A_254, %dma_wait3A_255] : memref<2x128x128xf32, #tpu.memory_space<vmem>> -> memref<1x128x128xf32, #tpu.memory_space<vmem>>
        %dma_wait3A_257 = tpu.memref_squeeze %dma_wait3A_256 : memref<1x128x128xf32, #tpu.memory_space<vmem>> -> memref<128x128xf32, #tpu.memory_space<vmem>>
        %dma_wait3A_258 = arith.constant 0 : i32
        %dma_wait3A_259 = tpu.memref_slice %arg8[%add3A_185, %dma_wait3A_258] : memref<80x128xi32, #tpu.memory_space<vmem>> -> memref<1x128xi32, #tpu.memory_space<vmem>>
        %dma_wait3A_260 = tpu.memref_squeeze %dma_wait3A_259 : memref<1x128xi32, #tpu.memory_space<vmem>> -> memref<128xi32, #tpu.memory_space<vmem>>
        %dma_wait3A_261 = arith.constant 0 : i32
        %dma_wait3A_262 = arith.constant 0 : i32
        %dma_wait3A_263 = tpu.memref_slice %arg10[%dma_wait3A_261, %dma_wait3A_262] : memref<10240x128xf32, #tpu.memory_space<vmem_shared>> -> memref<10240x128xf32, #tpu.memory_space<vmem_shared>>
        tpu.wait_indirect_dma semaphore(%run_scoped3A_243 : memref<!tpu.dma_semaphore, #tpu.memory_space<semaphore_mem>>) src(%dma_wait3A_257 : memref<128x128xf32, #tpu.memory_space<vmem>>) dst(%dma_wait3A_263 : memref<10240x128xf32, #tpu.memory_space<vmem_shared>>)
        tpu.yield
      }) : () -> ()
      %add3A_227 = arith.constant 2 : i32
      %add3A_228 = arith.addi %add3A_185, %add3A_227 : i32
      %add3A_229 = arith.addi %mul3A_2, %add3A_228 : i32
      %dma_start3A_230 = arith.constant 1 : i32
      %dma_start3A_231 = arith.constant 0 : i32
      %dma_start3A_232 = tpu.memref_slice %arg7[%dma_start3A_230, %dma_start3A_231] : memref<2x128xi32, #tpu.memory_space<vmem>> -> memref<1x128xi32, #tpu.memory_space<vmem>>
      %dma_start3A_233 = tpu.memref_squeeze %dma_start3A_232 : memref<1x128xi32, #tpu.memory_space<vmem>> -> memref<128xi32, #tpu.memory_space<vmem>>
      %dma_start3A_234 = arith.constant 0 : i32
      %dma_start3A_235 = tpu.memref_slice %arg3[%add3A_229, %dma_start3A_234] : memref<2560x128xi32, #tpu.memory_space<hbm>> -> memref<1x128xi32, #tpu.memory_space<hbm>>
      %dma_start3A_236 = tpu.memref_squeeze %dma_start3A_235 : memref<1x128xi32, #tpu.memory_space<hbm>> -> memref<128xi32, #tpu.memory_space<hbm>>
      %dma_start3A_237 = arith.constant 0 : i32
      %dma_start3A_238 = tpu.memref_slice %arg7[%dma_start3A_230, %dma_start3A_237] : memref<2x128xi32, #tpu.memory_space<vmem>> -> memref<1x128xi32, #tpu.memory_space<vmem>>
      %dma_start3A_239 = tpu.memref_squeeze %dma_start3A_238 : memref<1x128xi32, #tpu.memory_space<vmem>> -> memref<128xi32, #tpu.memory_space<vmem>>
      %dma_start3A_240 = arith.constant 0 : i32
      %dma_start3A_241 = tpu.memref_slice %arg3[%add3A_229, %dma_start3A_240] : memref<2560x128xi32, #tpu.memory_space<hbm>> -> memref<1x128xi32, #tpu.memory_space<hbm>>
      %dma_start3A_242 = tpu.memref_squeeze %dma_start3A_241 : memref<1x128xi32, #tpu.memory_space<hbm>> -> memref<128xi32, #tpu.memory_space<hbm>>
      tpu.enqueue_dma source(%dma_start3A_242 : memref<128xi32, #tpu.memory_space<hbm>>) target(%dma_start3A_239 : memref<128xi32, #tpu.memory_space<vmem>>) target_semaphore(%arg14 : memref<!tpu.dma_semaphore, #tpu.memory_space<semaphore_mem>>)
    }
    %scan3A_64 = arith.constant 39 : i32
    %dma_wait3A_65 = arith.constant 0 : i32
    %dma_wait3A_66 = arith.constant 0 : i32
    %dma_wait3A_67 = arith.constant 0 : i32
    %dma_wait3A_68 = arith.constant 0 : i32
    %dma_wait3A_69 = tpu.memref_slice %arg9[%dma_wait3A_66, %dma_wait3A_67, %dma_wait3A_68] : memref<2x128x128xf32, #tpu.memory_space<vmem>> -> memref<1x128x128xf32, #tpu.memory_space<vmem>>
    %dma_wait3A_70 = tpu.memref_squeeze %dma_wait3A_69 : memref<1x128x128xf32, #tpu.memory_space<vmem>> -> memref<128x128xf32, #tpu.memory_space<vmem>>
    %dma_wait3A_71 = arith.constant 0 : i32
    %dma_wait3A_72 = tpu.memref_slice %arg7[%dma_wait3A_65, %dma_wait3A_71] : memref<2x128xi32, #tpu.memory_space<vmem>> -> memref<1x128xi32, #tpu.memory_space<vmem>>
    %dma_wait3A_73 = tpu.memref_squeeze %dma_wait3A_72 : memref<1x128xi32, #tpu.memory_space<vmem>> -> memref<128xi32, #tpu.memory_space<vmem>>
    %dma_wait3A_74 = arith.constant 0 : i32
    %dma_wait3A_75 = arith.constant 0 : i32
    %dma_wait3A_76 = tpu.memref_slice %arg2[%dma_wait3A_74, %dma_wait3A_75] : memref<10240x128xf32, #tpu.memory_space<hbm>> -> memref<10240x128xf32, #tpu.memory_space<hbm>>
    tpu.wait_indirect_dma semaphore(%arg11 : memref<!tpu.dma_semaphore, #tpu.memory_space<semaphore_mem>>) src(%dma_wait3A_76 : memref<10240x128xf32, #tpu.memory_space<hbm>>) dst(%dma_wait3A_70 : memref<128x128xf32, #tpu.memory_space<vmem>>)
    %add3A_77 = arith.constant 79 : i32
    %add3A_78 = arith.addi %mul3A_2, %add3A_77 : i32
    %dma_wait3A_79 = arith.constant 1 : i32
    %dma_wait3A_80 = arith.constant 0 : i32
    %dma_wait3A_81 = tpu.memref_slice %arg7[%dma_wait3A_79, %dma_wait3A_80] : memref<2x128xi32, #tpu.memory_space<vmem>> -> memref<1x128xi32, #tpu.memory_space<vmem>>
    %dma_wait3A_82 = tpu.memref_squeeze %dma_wait3A_81 : memref<1x128xi32, #tpu.memory_space<vmem>> -> memref<128xi32, #tpu.memory_space<vmem>>
    %dma_wait3A_83 = arith.constant 0 : i32
    %dma_wait3A_84 = tpu.memref_slice %arg3[%add3A_78, %dma_wait3A_83] : memref<2560x128xi32, #tpu.memory_space<hbm>> -> memref<1x128xi32, #tpu.memory_space<hbm>>
    %dma_wait3A_85 = tpu.memref_squeeze %dma_wait3A_84 : memref<1x128xi32, #tpu.memory_space<hbm>> -> memref<128xi32, #tpu.memory_space<hbm>>
    %dma_wait3A_86 = arith.constant 0 : i32
    %dma_wait3A_87 = tpu.memref_slice %arg7[%dma_wait3A_79, %dma_wait3A_86] : memref<2x128xi32, #tpu.memory_space<vmem>> -> memref<1x128xi32, #tpu.memory_space<vmem>>
    %dma_wait3A_88 = tpu.memref_squeeze %dma_wait3A_87 : memref<1x128xi32, #tpu.memory_space<vmem>> -> memref<128xi32, #tpu.memory_space<vmem>>
    %dma_wait3A_89 = arith.constant 0 : i32
    %dma_wait3A_90 = tpu.memref_slice %arg3[%add3A_78, %dma_wait3A_89] : memref<2560x128xi32, #tpu.memory_space<hbm>> -> memref<1x128xi32, #tpu.memory_space<hbm>>
    %dma_wait3A_91 = tpu.memref_squeeze %dma_wait3A_90 : memref<1x128xi32, #tpu.memory_space<hbm>> -> memref<128xi32, #tpu.memory_space<hbm>>
    tpu.wait_dma2 semaphore(%arg14 : memref<!tpu.dma_semaphore, #tpu.memory_space<semaphore_mem>>) src(%dma_wait3A_91 : memref<128xi32, #tpu.memory_space<hbm>>) dst(%dma_wait3A_88 : memref<128xi32, #tpu.memory_space<vmem>>)
    %dma_start3A_92 = arith.constant 1 : i32
    %dma_start3A_93 = arith.constant 1 : i32
    %dma_start3A_94 = arith.constant 0 : i32
    %dma_start3A_95 = arith.constant 0 : i32
    %dma_start3A_96 = tpu.memref_slice %arg9[%dma_start3A_93, %dma_start3A_94, %dma_start3A_95] : memref<2x128x128xf32, #tpu.memory_space<vmem>> -> memref<1x128x128xf32, #tpu.memory_space<vmem>>
    %dma_start3A_97 = tpu.memref_squeeze %dma_start3A_96 : memref<1x128x128xf32, #tpu.memory_space<vmem>> -> memref<128x128xf32, #tpu.memory_space<vmem>>
    %dma_start3A_98 = arith.constant 0 : i32
    %dma_start3A_99 = tpu.memref_slice %arg7[%dma_start3A_92, %dma_start3A_98] : memref<2x128xi32, #tpu.memory_space<vmem>> -> memref<1x128xi32, #tpu.memory_space<vmem>>
    %dma_start3A_100 = tpu.memref_squeeze %dma_start3A_99 : memref<1x128xi32, #tpu.memory_space<vmem>> -> memref<128xi32, #tpu.memory_space<vmem>>
    %dma_start3A_101 = arith.constant 0 : i32
    %dma_start3A_102 = arith.constant 0 : i32
    %dma_start3A_103 = tpu.memref_slice %arg2[%dma_start3A_101, %dma_start3A_102] : memref<10240x128xf32, #tpu.memory_space<hbm>> -> memref<10240x128xf32, #tpu.memory_space<hbm>>
    tpu.enqueue_indirect_dma source(%dma_start3A_103 : memref<10240x128xf32, #tpu.memory_space<hbm>>) target(%dma_start3A_97 : memref<128x128xf32, #tpu.memory_space<vmem>>) offsets(%dma_start3A_100 : memref<128xi32, #tpu.memory_space<vmem>>) semaphore(%arg12 : memref<!tpu.dma_semaphore, #tpu.memory_space<semaphore_mem>>)
    %run_scoped3A = arith.constant 0 : i32
    %run_scoped3A_104 = arith.constant 78 : i32
    "tpu.region"() ({
      %run_scoped3A_124 = tpu.sem_alloc : memref<!tpu.dma_semaphore, #tpu.memory_space<semaphore_mem>>
      %dma_start3A_125 = arith.constant 0 : i32
      %dma_start3A_126 = arith.constant 0 : i32
      %dma_start3A_127 = tpu.memref_slice %arg9[%run_scoped3A, %dma_start3A_125, %dma_start3A_126] : memref<2x128x128xf32, #tpu.memory_space<vmem>> -> memref<1x128x128xf32, #tpu.memory_space<vmem>>
      %dma_start3A_128 = tpu.memref_squeeze %dma_start3A_127 : memref<1x128x128xf32, #tpu.memory_space<vmem>> -> memref<128x128xf32, #tpu.memory_space<vmem>>
      %dma_start3A_129 = arith.constant 0 : i32
      %dma_start3A_130 = tpu.memref_slice %arg8[%run_scoped3A_104, %dma_start3A_129] : memref<80x128xi32, #tpu.memory_space<vmem>> -> memref<1x128xi32, #tpu.memory_space<vmem>>
      %dma_start3A_131 = tpu.memref_squeeze %dma_start3A_130 : memref<1x128xi32, #tpu.memory_space<vmem>> -> memref<128xi32, #tpu.memory_space<vmem>>
      %dma_start3A_132 = arith.constant 0 : i32
      %dma_start3A_133 = arith.constant 0 : i32
      %dma_start3A_134 = tpu.memref_slice %arg10[%dma_start3A_132, %dma_start3A_133] : memref<10240x128xf32, #tpu.memory_space<vmem_shared>> -> memref<10240x128xf32, #tpu.memory_space<vmem_shared>>
      tpu.enqueue_indirect_dma source(%dma_start3A_128 : memref<128x128xf32, #tpu.memory_space<vmem>>) target(%dma_start3A_134 : memref<10240x128xf32, #tpu.memory_space<vmem_shared>>) offsets(%dma_start3A_131 : memref<128xi32, #tpu.memory_space<vmem>>) semaphore(%run_scoped3A_124 : memref<!tpu.dma_semaphore, #tpu.memory_space<semaphore_mem>>) {add = true}
      %dma_wait3A_135 = arith.constant 0 : i32
      %dma_wait3A_136 = arith.constant 0 : i32
      %dma_wait3A_137 = tpu.memref_slice %arg9[%run_scoped3A, %dma_wait3A_135, %dma_wait3A_136] : memref<2x128x128xf32, #tpu.memory_space<vmem>> -> memref<1x128x128xf32, #tpu.memory_space<vmem>>
      %dma_wait3A_138 = tpu.memref_squeeze %dma_wait3A_137 : memref<1x128x128xf32, #tpu.memory_space<vmem>> -> memref<128x128xf32, #tpu.memory_space<vmem>>
      %dma_wait3A_139 = arith.constant 0 : i32
      %dma_wait3A_140 = tpu.memref_slice %arg8[%run_scoped3A_104, %dma_wait3A_139] : memref<80x128xi32, #tpu.memory_space<vmem>> -> memref<1x128xi32, #tpu.memory_space<vmem>>
      %dma_wait3A_141 = tpu.memref_squeeze %dma_wait3A_140 : memref<1x128xi32, #tpu.memory_space<vmem>> -> memref<128xi32, #tpu.memory_space<vmem>>
      %dma_wait3A_142 = arith.constant 0 : i32
      %dma_wait3A_143 = arith.constant 0 : i32
      %dma_wait3A_144 = tpu.memref_slice %arg10[%dma_wait3A_142, %dma_wait3A_143] : memref<10240x128xf32, #tpu.memory_space<vmem_shared>> -> memref<10240x128xf32, #tpu.memory_space<vmem_shared>>
      tpu.wait_indirect_dma semaphore(%run_scoped3A_124 : memref<!tpu.dma_semaphore, #tpu.memory_space<semaphore_mem>>) src(%dma_wait3A_138 : memref<128x128xf32, #tpu.memory_space<vmem>>) dst(%dma_wait3A_144 : memref<10240x128xf32, #tpu.memory_space<vmem_shared>>)
      tpu.yield
    }) : () -> ()
    %dma_wait3A_105 = arith.constant 1 : i32
    %dma_wait3A_106 = arith.constant 1 : i32
    %dma_wait3A_107 = arith.constant 0 : i32
    %dma_wait3A_108 = arith.constant 0 : i32
    %dma_wait3A_109 = tpu.memref_slice %arg9[%dma_wait3A_106, %dma_wait3A_107, %dma_wait3A_108] : memref<2x128x128xf32, #tpu.memory_space<vmem>> -> memref<1x128x128xf32, #tpu.memory_space<vmem>>
    %dma_wait3A_110 = tpu.memref_squeeze %dma_wait3A_109 : memref<1x128x128xf32, #tpu.memory_space<vmem>> -> memref<128x128xf32, #tpu.memory_space<vmem>>
    %dma_wait3A_111 = arith.constant 0 : i32
    %dma_wait3A_112 = tpu.memref_slice %arg7[%dma_wait3A_105, %dma_wait3A_111] : memref<2x128xi32, #tpu.memory_space<vmem>> -> memref<1x128xi32, #tpu.memory_space<vmem>>
    %dma_wait3A_113 = tpu.memref_squeeze %dma_wait3A_112 : memref<1x128xi32, #tpu.memory_space<vmem>> -> memref<128xi32, #tpu.memory_space<vmem>>
    %dma_wait3A_114 = arith.constant 0 : i32
    %dma_wait3A_115 = arith.constant 0 : i32
    %dma_wait3A_116 = tpu.memref_slice %arg2[%dma_wait3A_114, %dma_wait3A_115] : memref<10240x128xf32, #tpu.memory_space<hbm>> -> memref<10240x128xf32, #tpu.memory_space<hbm>>
    tpu.wait_indirect_dma semaphore(%arg12 : memref<!tpu.dma_semaphore, #tpu.memory_space<semaphore_mem>>) src(%dma_wait3A_116 : memref<10240x128xf32, #tpu.memory_space<hbm>>) dst(%dma_wait3A_110 : memref<128x128xf32, #tpu.memory_space<vmem>>)
    %run_scoped3A_117 = arith.constant 1 : i32
    %run_scoped3A_118 = arith.constant 79 : i32
    "tpu.region"() ({
      %run_scoped3A_124 = tpu.sem_alloc : memref<!tpu.dma_semaphore, #tpu.memory_space<semaphore_mem>>
      %dma_start3A_125 = arith.constant 0 : i32
      %dma_start3A_126 = arith.constant 0 : i32
      %dma_start3A_127 = tpu.memref_slice %arg9[%run_scoped3A_117, %dma_start3A_125, %dma_start3A_126] : memref<2x128x128xf32, #tpu.memory_space<vmem>> -> memref<1x128x128xf32, #tpu.memory_space<vmem>>
      %dma_start3A_128 = tpu.memref_squeeze %dma_start3A_127 : memref<1x128x128xf32, #tpu.memory_space<vmem>> -> memref<128x128xf32, #tpu.memory_space<vmem>>
      %dma_start3A_129 = arith.constant 0 : i32
      %dma_start3A_130 = tpu.memref_slice %arg8[%run_scoped3A_118, %dma_start3A_129] : memref<80x128xi32, #tpu.memory_space<vmem>> -> memref<1x128xi32, #tpu.memory_space<vmem>>
      %dma_start3A_131 = tpu.memref_squeeze %dma_start3A_130 : memref<1x128xi32, #tpu.memory_space<vmem>> -> memref<128xi32, #tpu.memory_space<vmem>>
      %dma_start3A_132 = arith.constant 0 : i32
      %dma_start3A_133 = arith.constant 0 : i32
      %dma_start3A_134 = tpu.memref_slice %arg10[%dma_start3A_132, %dma_start3A_133] : memref<10240x128xf32, #tpu.memory_space<vmem_shared>> -> memref<10240x128xf32, #tpu.memory_space<vmem_shared>>
      tpu.enqueue_indirect_dma source(%dma_start3A_128 : memref<128x128xf32, #tpu.memory_space<vmem>>) target(%dma_start3A_134 : memref<10240x128xf32, #tpu.memory_space<vmem_shared>>) offsets(%dma_start3A_131 : memref<128xi32, #tpu.memory_space<vmem>>) semaphore(%run_scoped3A_124 : memref<!tpu.dma_semaphore, #tpu.memory_space<semaphore_mem>>) {add = true}
      %dma_wait3A_135 = arith.constant 0 : i32
      %dma_wait3A_136 = arith.constant 0 : i32
      %dma_wait3A_137 = tpu.memref_slice %arg9[%run_scoped3A_117, %dma_wait3A_135, %dma_wait3A_136] : memref<2x128x128xf32, #tpu.memory_space<vmem>> -> memref<1x128x128xf32, #tpu.memory_space<vmem>>
      %dma_wait3A_138 = tpu.memref_squeeze %dma_wait3A_137 : memref<1x128x128xf32, #tpu.memory_space<vmem>> -> memref<128x128xf32, #tpu.memory_space<vmem>>
      %dma_wait3A_139 = arith.constant 0 : i32
      %dma_wait3A_140 = tpu.memref_slice %arg8[%run_scoped3A_118, %dma_wait3A_139] : memref<80x128xi32, #tpu.memory_space<vmem>> -> memref<1x128xi32, #tpu.memory_space<vmem>>
      %dma_wait3A_141 = tpu.memref_squeeze %dma_wait3A_140 : memref<1x128xi32, #tpu.memory_space<vmem>> -> memref<128xi32, #tpu.memory_space<vmem>>
      %dma_wait3A_142 = arith.constant 0 : i32
      %dma_wait3A_143 = arith.constant 0 : i32
      %dma_wait3A_144 = tpu.memref_slice %arg10[%dma_wait3A_142, %dma_wait3A_143] : memref<10240x128xf32, #tpu.memory_space<vmem_shared>> -> memref<10240x128xf32, #tpu.memory_space<vmem_shared>>
      tpu.wait_indirect_dma semaphore(%run_scoped3A_124 : memref<!tpu.dma_semaphore, #tpu.memory_space<semaphore_mem>>) src(%dma_wait3A_138 : memref<128x128xf32, #tpu.memory_space<vmem>>) dst(%dma_wait3A_144 : memref<10240x128xf32, #tpu.memory_space<vmem_shared>>)
      tpu.yield
    }) : () -> ()
    %barrier3A_119 = arith.constant 0 : index
    tpu.barrier barrier_id(%barrier3A_119)
    %mul3A_120 = arith.constant 640 : i32
    %mul3A_121 = arith.muli %arg1, %mul3A_120 : i32
    %mul3A_122 = arith.constant 640 : i32
    %mul3A_123 = arith.muli %arg1, %mul3A_122 : i32
    "tpu.region"() ({
      %run_scoped3A_124 = tpu.sem_alloc : memref<!tpu.dma_semaphore, #tpu.memory_space<semaphore_mem>>
      %dma_start3A_125 = arith.constant 0 : i32
      %dma_start3A_126 = tpu.memref_slice %arg6[%arg0, %mul3A_123, %dma_start3A_125] : memref<2x10240x128xf32, #tpu.memory_space<hbm>> -> memref<1x640x128xf32, #tpu.memory_space<hbm>>
      %dma_start3A_127 = tpu.memref_squeeze %dma_start3A_126 : memref<1x640x128xf32, #tpu.memory_space<hbm>> -> memref<640x128xf32, #tpu.memory_space<hbm>>
      %dma_start3A_128 = arith.constant 0 : i32
      %dma_start3A_129 = tpu.memref_slice %arg10[%mul3A_121, %dma_start3A_128] : memref<10240x128xf32, #tpu.memory_space<vmem_shared>> -> memref<640x128xf32, #tpu.memory_space<vmem_shared>>
      tpu.enqueue_dma source(%dma_start3A_129 : memref<640x128xf32, #tpu.memory_space<vmem_shared>>) target(%dma_start3A_127 : memref<640x128xf32, #tpu.memory_space<hbm>>) target_semaphore(%run_scoped3A_124 : memref<!tpu.dma_semaphore, #tpu.memory_space<semaphore_mem>>)
      %dma_wait3A_130 = arith.constant 0 : i32
      %dma_wait3A_131 = tpu.memref_slice %arg6[%arg0, %mul3A_123, %dma_wait3A_130] : memref<2x10240x128xf32, #tpu.memory_space<hbm>> -> memref<1x640x128xf32, #tpu.memory_space<hbm>>
      %dma_wait3A_132 = tpu.memref_squeeze %dma_wait3A_131 : memref<1x640x128xf32, #tpu.memory_space<hbm>> -> memref<640x128xf32, #tpu.memory_space<hbm>>
      %dma_wait3A_133 = arith.constant 0 : i32
      %dma_wait3A_134 = tpu.memref_slice %arg10[%mul3A_121, %dma_wait3A_133] : memref<10240x128xf32, #tpu.memory_space<vmem_shared>> -> memref<640x128xf32, #tpu.memory_space<vmem_shared>>
      tpu.wait_dma2 semaphore(%run_scoped3A_124 : memref<!tpu.dma_semaphore, #tpu.memory_space<semaphore_mem>>) src(%dma_wait3A_134 : memref<640x128xf32, #tpu.memory_space<vmem_shared>>) dst(%dma_wait3A_132 : memref<640x128xf32, #tpu.memory_space<hbm>>)
      tpu.yield
    }) : () -> ()
    return
  }
}

#map = affine_map<(d0, d1) -> (0, 0)>
#map1 = affine_map<(d0, d1) -> (0, 0, 0)>
module attributes {stable_mosaic.version = 14 : i64} {
  func.func @_prop_body(%arg0: i32, %arg1: i32, %arg2: memref<10240x128xf32, #tpu.memory_space<hbm>>, %arg3: memref<2560x128xi32, #tpu.memory_space<hbm>>, %arg4: memref<2560x128xi32, #tpu.memory_space<hbm>>, %arg5: memref<640x128xf32, #tpu.memory_space<hbm>>, %arg6: memref<2x10240x128xf32, #tpu.memory_space<hbm>>, %arg7: memref<2x128xi32, #tpu.memory_space<vmem>>, %arg8: memref<80x128xi32, #tpu.memory_space<vmem>>, %arg9: memref<2x128x128xf32, #tpu.memory_space<vmem>>, %arg10: memref<10240x128xf32, #tpu.memory_space<vmem_shared>>, %arg11: memref<!tpu.dma_semaphore, #tpu.memory_space<semaphore_mem>>, %arg12: memref<!tpu.dma_semaphore, #tpu.memory_space<semaphore_mem>>, %arg13: memref<!tpu.dma_semaphore, #tpu.memory_space<semaphore_mem>>, %arg14: memref<!tpu.dma_semaphore, #tpu.memory_space<semaphore_mem>>) attributes {dimension_semantics = [#tpu.dimension_semantics<core_parallel>, #tpu.dimension_semantics<subcore_parallel>], iteration_bounds = array<i64: 2, 16>, scalar_prefetch = 0 : i64, scratch_operands = 8 : i64, tpu.core_type = #tpu.core_type<sc_vector_subcore>, window_params = [{transform_indices = #map}, {transform_indices = #map}, {transform_indices = #map}, {transform_indices = #map}, {transform_indices = #map1}]} {
    %mul3A = arith.constant 16 : i32
    %mul3A_0 = arith.muli %arg0, %mul3A : i32
    %add3A = arith.addi %mul3A_0, %arg1 : i32
    %mul3A_1 = arith.constant 80 : i32
    %mul3A_2 = arith.muli %add3A, %mul3A_1 : i32
    %add3A_3 = arith.constant 0 : i32
    %add3A_4 = arith.addi %mul3A_2, %add3A_3 : i32
    %dma_start3A = arith.constant 0 : i32
    %dma_start3A_5 = arith.constant 0 : i32
    %dma_start3A_6 = tpu.memref_slice %arg7[%dma_start3A, %dma_start3A_5] : memref<2x128xi32, #tpu.memory_space<vmem>> -> memref<1x128xi32, #tpu.memory_space<vmem>>
    %dma_start3A_7 = tpu.memref_squeeze %dma_start3A_6 : memref<1x128xi32, #tpu.memory_space<vmem>> -> memref<128xi32, #tpu.memory_space<vmem>>
    %dma_start3A_8 = arith.constant 0 : i32
    %dma_start3A_9 = tpu.memref_slice %arg3[%add3A_4, %dma_start3A_8] : memref<2560x128xi32, #tpu.memory_space<hbm>> -> memref<1x128xi32, #tpu.memory_space<hbm>>
    %dma_start3A_10 = tpu.memref_squeeze %dma_start3A_9 : memref<1x128xi32, #tpu.memory_space<hbm>> -> memref<128xi32, #tpu.memory_space<hbm>>
    %dma_start3A_11 = arith.constant 0 : i32
    %dma_start3A_12 = tpu.memref_slice %arg7[%dma_start3A, %dma_start3A_11] : memref<2x128xi32, #tpu.memory_space<vmem>> -> memref<1x128xi32, #tpu.memory_space<vmem>>
    %dma_start3A_13 = tpu.memref_squeeze %dma_start3A_12 : memref<1x128xi32, #tpu.memory_space<vmem>> -> memref<128xi32, #tpu.memory_space<vmem>>
    %dma_start3A_14 = arith.constant 0 : i32
    %dma_start3A_15 = tpu.memref_slice %arg3[%add3A_4, %dma_start3A_14] : memref<2560x128xi32, #tpu.memory_space<hbm>> -> memref<1x128xi32, #tpu.memory_space<hbm>>
    %dma_start3A_16 = tpu.memref_squeeze %dma_start3A_15 : memref<1x128xi32, #tpu.memory_space<hbm>> -> memref<128xi32, #tpu.memory_space<hbm>>
    tpu.enqueue_dma source(%dma_start3A_16 : memref<128xi32, #tpu.memory_space<hbm>>) target(%dma_start3A_13 : memref<128xi32, #tpu.memory_space<vmem>>) target_semaphore(%arg13 : memref<!tpu.dma_semaphore, #tpu.memory_space<semaphore_mem>>)
    %mul3A_17 = arith.constant 640 : i32
    %mul3A_18 = arith.muli %arg1, %mul3A_17 : i32
    "tpu.region"() ({
      %run_scoped3A_124 = tpu.sem_alloc : memref<!tpu.dma_semaphore, #tpu.memory_space<semaphore_mem>>
      %dma_start3A_125 = arith.constant 0 : i32
      %dma_start3A_126 = tpu.memref_slice %arg10[%mul3A_18, %dma_start3A_125] : memref<10240x128xf32, #tpu.memory_space<vmem_shared>> -> memref<640x128xf32, #tpu.memory_space<vmem_shared>>
      tpu.enqueue_dma source(%arg5 : memref<640x128xf32, #tpu.memory_space<hbm>>) target(%dma_start3A_126 : memref<640x128xf32, #tpu.memory_space<vmem_shared>>) target_semaphore(%run_scoped3A_124 : memref<!tpu.dma_semaphore, #tpu.memory_space<semaphore_mem>>)
      %dma_wait3A_127 = arith.constant 0 : i32
      %dma_wait3A_128 = tpu.memref_slice %arg10[%mul3A_18, %dma_wait3A_127] : memref<10240x128xf32, #tpu.memory_space<vmem_shared>> -> memref<640x128xf32, #tpu.memory_space<vmem_shared>>
      tpu.wait_dma2 semaphore(%run_scoped3A_124 : memref<!tpu.dma_semaphore, #tpu.memory_space<semaphore_mem>>) src(%arg5 : memref<640x128xf32, #tpu.memory_space<hbm>>) dst(%dma_wait3A_128 : memref<640x128xf32, #tpu.memory_space<vmem_shared>>)
      tpu.yield
    }) : () -> ()
    "tpu.region"() ({
      %run_scoped3A_124 = tpu.sem_alloc : memref<!tpu.dma_semaphore, #tpu.memory_space<semaphore_mem>>
      %dma_start3A_125 = arith.constant 0 : i32
      %dma_start3A_126 = tpu.memref_slice %arg4[%mul3A_2, %dma_start3A_125] : memref<2560x128xi32, #tpu.memory_space<hbm>> -> memref<80x128xi32, #tpu.memory_space<hbm>>
      %dma_start3A_127 = arith.constant 0 : i32
      %dma_start3A_128 = tpu.memref_slice %arg4[%mul3A_2, %dma_start3A_127] : memref<2560x128xi32, #tpu.memory_space<hbm>> -> memref<80x128xi32, #tpu.memory_space<hbm>>
      tpu.enqueue_dma source(%dma_start3A_128 : memref<80x128xi32, #tpu.memory_space<hbm>>) target(%arg8 : memref<80x128xi32, #tpu.memory_space<vmem>>) target_semaphore(%run_scoped3A_124 : memref<!tpu.dma_semaphore, #tpu.memory_space<semaphore_mem>>)
      %dma_wait3A_129 = arith.constant 0 : i32
      %dma_wait3A_130 = tpu.memref_slice %arg4[%mul3A_2, %dma_wait3A_129] : memref<2560x128xi32, #tpu.memory_space<hbm>> -> memref<80x128xi32, #tpu.memory_space<hbm>>
      %dma_wait3A_131 = arith.constant 0 : i32
      %dma_wait3A_132 = tpu.memref_slice %arg4[%mul3A_2, %dma_wait3A_131] : memref<2560x128xi32, #tpu.memory_space<hbm>> -> memref<80x128xi32, #tpu.memory_space<hbm>>
      tpu.wait_dma2 semaphore(%run_scoped3A_124 : memref<!tpu.dma_semaphore, #tpu.memory_space<semaphore_mem>>) src(%dma_wait3A_132 : memref<80x128xi32, #tpu.memory_space<hbm>>) dst(%arg8 : memref<80x128xi32, #tpu.memory_space<vmem>>)
      tpu.yield
    }) : () -> ()
    %barrier3A = arith.constant 0 : index
    tpu.barrier barrier_id(%barrier3A)
    %add3A_19 = arith.constant 0 : i32
    %add3A_20 = arith.addi %mul3A_2, %add3A_19 : i32
    %dma_wait3A = arith.constant 0 : i32
    %dma_wait3A_21 = arith.constant 0 : i32
    %dma_wait3A_22 = tpu.memref_slice %arg7[%dma_wait3A, %dma_wait3A_21] : memref<2x128xi32, #tpu.memory_space<vmem>> -> memref<1x128xi32, #tpu.memory_space<vmem>>
    %dma_wait3A_23 = tpu.memref_squeeze %dma_wait3A_22 : memref<1x128xi32, #tpu.memory_space<vmem>> -> memref<128xi32, #tpu.memory_space<vmem>>
    %dma_wait3A_24 = arith.constant 0 : i32
    %dma_wait3A_25 = tpu.memref_slice %arg3[%add3A_20, %dma_wait3A_24] : memref<2560x128xi32, #tpu.memory_space<hbm>> -> memref<1x128xi32, #tpu.memory_space<hbm>>
    %dma_wait3A_26 = tpu.memref_squeeze %dma_wait3A_25 : memref<1x128xi32, #tpu.memory_space<hbm>> -> memref<128xi32, #tpu.memory_space<hbm>>
    %dma_wait3A_27 = arith.constant 0 : i32
    %dma_wait3A_28 = tpu.memref_slice %arg7[%dma_wait3A, %dma_wait3A_27] : memref<2x128xi32, #tpu.memory_space<vmem>> -> memref<1x128xi32, #tpu.memory_space<vmem>>
    %dma_wait3A_29 = tpu.memref_squeeze %dma_wait3A_28 : memref<1x128xi32, #tpu.memory_space<vmem>> -> memref<128xi32, #tpu.memory_space<vmem>>
    %dma_wait3A_30 = arith.constant 0 : i32
    %dma_wait3A_31 = tpu.memref_slice %arg3[%add3A_20, %dma_wait3A_30] : memref<2560x128xi32, #tpu.memory_space<hbm>> -> memref<1x128xi32, #tpu.memory_space<hbm>>
    %dma_wait3A_32 = tpu.memref_squeeze %dma_wait3A_31 : memref<1x128xi32, #tpu.memory_space<hbm>> -> memref<128xi32, #tpu.memory_space<hbm>>
    tpu.wait_dma2 semaphore(%arg13 : memref<!tpu.dma_semaphore, #tpu.memory_space<semaphore_mem>>) src(%dma_wait3A_32 : memref<128xi32, #tpu.memory_space<hbm>>) dst(%dma_wait3A_29 : memref<128xi32, #tpu.memory_space<vmem>>)
    %dma_start3A_33 = arith.constant 0 : i32
    %dma_start3A_34 = arith.constant 0 : i32
    %dma_start3A_35 = arith.constant 0 : i32
    %dma_start3A_36 = arith.constant 0 : i32
    %dma_start3A_37 = tpu.memref_slice %arg9[%dma_start3A_34, %dma_start3A_35, %dma_start3A_36] : memref<2x128x128xf32, #tpu.memory_space<vmem>> -> memref<1x128x128xf32, #tpu.memory_space<vmem>>
    %dma_start3A_38 = tpu.memref_squeeze %dma_start3A_37 : memref<1x128x128xf32, #tpu.memory_space<vmem>> -> memref<128x128xf32, #tpu.memory_space<vmem>>
    %dma_start3A_39 = arith.constant 0 : i32
    %dma_start3A_40 = tpu.memref_slice %arg7[%dma_start3A_33, %dma_start3A_39] : memref<2x128xi32, #tpu.memory_space<vmem>> -> memref<1x128xi32, #tpu.memory_space<vmem>>
    %dma_start3A_41 = tpu.memref_squeeze %dma_start3A_40 : memref<1x128xi32, #tpu.memory_space<vmem>> -> memref<128xi32, #tpu.memory_space<vmem>>
    %dma_start3A_42 = arith.constant 0 : i32
    %dma_start3A_43 = arith.constant 0 : i32
    %dma_start3A_44 = tpu.memref_slice %arg2[%dma_start3A_42, %dma_start3A_43] : memref<10240x128xf32, #tpu.memory_space<hbm>> -> memref<10240x128xf32, #tpu.memory_space<hbm>>
    tpu.enqueue_indirect_dma source(%dma_start3A_44 : memref<10240x128xf32, #tpu.memory_space<hbm>>) target(%dma_start3A_38 : memref<128x128xf32, #tpu.memory_space<vmem>>) offsets(%dma_start3A_41 : memref<128xi32, #tpu.memory_space<vmem>>) semaphore(%arg11 : memref<!tpu.dma_semaphore, #tpu.memory_space<semaphore_mem>>)
    %add3A_45 = arith.constant 1 : i32
    %add3A_46 = arith.addi %mul3A_2, %add3A_45 : i32
    %dma_start3A_47 = arith.constant 1 : i32
    %dma_start3A_48 = arith.constant 0 : i32
    %dma_start3A_49 = tpu.memref_slice %arg7[%dma_start3A_47, %dma_start3A_48] : memref<2x128xi32, #tpu.memory_space<vmem>> -> memref<1x128xi32, #tpu.memory_space<vmem>>
    %dma_start3A_50 = tpu.memref_squeeze %dma_start3A_49 : memref<1x128xi32, #tpu.memory_space<vmem>> -> memref<128xi32, #tpu.memory_space<vmem>>
    %dma_start3A_51 = arith.constant 0 : i32
    %dma_start3A_52 = tpu.memref_slice %arg3[%add3A_46, %dma_start3A_51] : memref<2560x128xi32, #tpu.memory_space<hbm>> -> memref<1x128xi32, #tpu.memory_space<hbm>>
    %dma_start3A_53 = tpu.memref_squeeze %dma_start3A_52 : memref<1x128xi32, #tpu.memory_space<hbm>> -> memref<128xi32, #tpu.memory_space<hbm>>
    %dma_start3A_54 = arith.constant 0 : i32
    %dma_start3A_55 = tpu.memref_slice %arg7[%dma_start3A_47, %dma_start3A_54] : memref<2x128xi32, #tpu.memory_space<vmem>> -> memref<1x128xi32, #tpu.memory_space<vmem>>
    %dma_start3A_56 = tpu.memref_squeeze %dma_start3A_55 : memref<1x128xi32, #tpu.memory_space<vmem>> -> memref<128xi32, #tpu.memory_space<vmem>>
    %dma_start3A_57 = arith.constant 0 : i32
    %dma_start3A_58 = tpu.memref_slice %arg3[%add3A_46, %dma_start3A_57] : memref<2560x128xi32, #tpu.memory_space<hbm>> -> memref<1x128xi32, #tpu.memory_space<hbm>>
    %dma_start3A_59 = tpu.memref_squeeze %dma_start3A_58 : memref<1x128xi32, #tpu.memory_space<hbm>> -> memref<128xi32, #tpu.memory_space<hbm>>
    tpu.enqueue_dma source(%dma_start3A_59 : memref<128xi32, #tpu.memory_space<hbm>>) target(%dma_start3A_56 : memref<128xi32, #tpu.memory_space<vmem>>) target_semaphore(%arg14 : memref<!tpu.dma_semaphore, #tpu.memory_space<semaphore_mem>>)
    %scan3A = arith.constant 0 : i32
    %scan3A_60 = arith.constant 0 : i32
    %scan3A_61 = arith.constant 39 : i32
    %scan3A_62 = arith.addi %scan3A_60, %scan3A_61 : i32
    %scan3A_63 = arith.constant 1 : i32
    scf.for %scan3A_124 = %scan3A_60 to %scan3A_62 step %scan3A_63  : i32 {
      %mul3A_125 = arith.constant 2 : i32
      %mul3A_126 = arith.muli %scan3A_124, %mul3A_125 : i32
      %dma_wait3A_127 = arith.constant 0 : i32
      %dma_wait3A_128 = arith.constant 0 : i32
      %dma_wait3A_129 = arith.constant 0 : i32
      %dma_wait3A_130 = arith.constant 0 : i32
      %dma_wait3A_131 = tpu.memref_slice %arg9[%dma_wait3A_128, %dma_wait3A_129, %dma_wait3A_130] : memref<2x128x128xf32, #tpu.memory_space<vmem>> -> memref<1x128x128xf32, #tpu.memory_space<vmem>>
      %dma_wait3A_132 = tpu.memref_squeeze %dma_wait3A_131 : memref<1x128x128xf32, #tpu.memory_space<vmem>> -> memref<128x128xf32, #tpu.memory_space<vmem>>
      %dma_wait3A_133 = arith.constant 0 : i32
      %dma_wait3A_134 = tpu.memref_slice %arg7[%dma_wait3A_127, %dma_wait3A_133] : memref<2x128xi32, #tpu.memory_space<vmem>> -> memref<1x128xi32, #tpu.memory_space<vmem>>
      %dma_wait3A_135 = tpu.memref_squeeze %dma_wait3A_134 : memref<1x128xi32, #tpu.memory_space<vmem>> -> memref<128xi32, #tpu.memory_space<vmem>>
      %dma_wait3A_136 = arith.constant 0 : i32
      %dma_wait3A_137 = arith.constant 0 : i32
      %dma_wait3A_138 = tpu.memref_slice %arg2[%dma_wait3A_136, %dma_wait3A_137] : memref<10240x128xf32, #tpu.memory_space<hbm>> -> memref<10240x128xf32, #tpu.memory_space<hbm>>
      tpu.wait_indirect_dma semaphore(%arg11 : memref<!tpu.dma_semaphore, #tpu.memory_space<semaphore_mem>>) src(%dma_wait3A_138 : memref<10240x128xf32, #tpu.memory_space<hbm>>) dst(%dma_wait3A_132 : memref<128x128xf32, #tpu.memory_space<vmem>>)
      %add3A_139 = arith.constant 1 : i32
      %add3A_140 = arith.addi %mul3A_126, %add3A_139 : i32
      %add3A_141 = arith.addi %mul3A_2, %add3A_140 : i32
      %dma_wait3A_142 = arith.constant 1 : i32
      %dma_wait3A_143 = arith.constant 0 : i32
      %dma_wait3A_144 = tpu.memref_slice %arg7[%dma_wait3A_142, %dma_wait3A_143] : memref<2x128xi32, #tpu.memory_space<vmem>> -> memref<1x128xi32, #tpu.memory_space<vmem>>
      %dma_wait3A_145 = tpu.memref_squeeze %dma_wait3A_144 : memref<1x128xi32, #tpu.memory_space<vmem>> -> memref<128xi32, #tpu.memory_space<vmem>>
      %dma_wait3A_146 = arith.constant 0 : i32
      %dma_wait3A_147 = tpu.memref_slice %arg3[%add3A_141, %dma_wait3A_146] : memref<2560x128xi32, #tpu.memory_space<hbm>> -> memref<1x128xi32, #tpu.memory_space<hbm>>
      %dma_wait3A_148 = tpu.memref_squeeze %dma_wait3A_147 : memref<1x128xi32, #tpu.memory_space<hbm>> -> memref<128xi32, #tpu.memory_space<hbm>>
      %dma_wait3A_149 = arith.constant 0 : i32
      %dma_wait3A_150 = tpu.memref_slice %arg7[%dma_wait3A_142, %dma_wait3A_149] : memref<2x128xi32, #tpu.memory_space<vmem>> -> memref<1x128xi32, #tpu.memory_space<vmem>>
      %dma_wait3A_151 = tpu.memref_squeeze %dma_wait3A_150 : memref<1x128xi32, #tpu.memory_space<vmem>> -> memref<128xi32, #tpu.memory_space<vmem>>
      %dma_wait3A_152 = arith.constant 0 : i32
      %dma_wait3A_153 = tpu.memref_slice %arg3[%add3A_141, %dma_wait3A_152] : memref<2560x128xi32, #tpu.memory_space<hbm>> -> memref<1x128xi32, #tpu.memory_space<hbm>>
      %dma_wait3A_154 = tpu.memref_squeeze %dma_wait3A_153 : memref<1x128xi32, #tpu.memory_space<hbm>> -> memref<128xi32, #tpu.memory_space<hbm>>
      tpu.wait_dma2 semaphore(%arg14 : memref<!tpu.dma_semaphore, #tpu.memory_space<semaphore_mem>>) src(%dma_wait3A_154 : memref<128xi32, #tpu.memory_space<hbm>>) dst(%dma_wait3A_151 : memref<128xi32, #tpu.memory_space<vmem>>)
      %dma_start3A_155 = arith.constant 1 : i32
      %dma_start3A_156 = arith.constant 1 : i32
      %dma_start3A_157 = arith.constant 0 : i32
      %dma_start3A_158 = arith.constant 0 : i32
      %dma_start3A_159 = tpu.memref_slice %arg9[%dma_start3A_156, %dma_start3A_157, %dma_start3A_158] : memref<2x128x128xf32, #tpu.memory_space<vmem>> -> memref<1x128x128xf32, #tpu.memory_space<vmem>>
      %dma_start3A_160 = tpu.memref_squeeze %dma_start3A_159 : memref<1x128x128xf32, #tpu.memory_space<vmem>> -> memref<128x128xf32, #tpu.memory_space<vmem>>
      %dma_start3A_161 = arith.constant 0 : i32
      %dma_start3A_162 = tpu.memref_slice %arg7[%dma_start3A_155, %dma_start3A_161] : memref<2x128xi32, #tpu.memory_space<vmem>> -> memref<1x128xi32, #tpu.memory_space<vmem>>
      %dma_start3A_163 = tpu.memref_squeeze %dma_start3A_162 : memref<1x128xi32, #tpu.memory_space<vmem>> -> memref<128xi32, #tpu.memory_space<vmem>>
      %dma_start3A_164 = arith.constant 0 : i32
      %dma_start3A_165 = arith.constant 0 : i32
      %dma_start3A_166 = tpu.memref_slice %arg2[%dma_start3A_164, %dma_start3A_165] : memref<10240x128xf32, #tpu.memory_space<hbm>> -> memref<10240x128xf32, #tpu.memory_space<hbm>>
      tpu.enqueue_indirect_dma source(%dma_start3A_166 : memref<10240x128xf32, #tpu.memory_space<hbm>>) target(%dma_start3A_160 : memref<128x128xf32, #tpu.memory_space<vmem>>) offsets(%dma_start3A_163 : memref<128xi32, #tpu.memory_space<vmem>>) semaphore(%arg12 : memref<!tpu.dma_semaphore, #tpu.memory_space<semaphore_mem>>)
      %run_scoped3A_167 = arith.constant 0 : i32
      "tpu.region"() ({
        %run_scoped3A_243 = tpu.sem_alloc : memref<!tpu.dma_semaphore, #tpu.memory_space<semaphore_mem>>
        %dma_start3A_244 = arith.constant 0 : i32
        %dma_start3A_245 = arith.constant 0 : i32
        %dma_start3A_246 = tpu.memref_slice %arg9[%run_scoped3A_167, %dma_start3A_244, %dma_start3A_245] : memref<2x128x128xf32, #tpu.memory_space<vmem>> -> memref<1x128x128xf32, #tpu.memory_space<vmem>>
        %dma_start3A_247 = tpu.memref_squeeze %dma_start3A_246 : memref<1x128x128xf32, #tpu.memory_space<vmem>> -> memref<128x128xf32, #tpu.memory_space<vmem>>
        %dma_start3A_248 = arith.constant 0 : i32
        %dma_start3A_249 = tpu.memref_slice %arg8[%mul3A_126, %dma_start3A_248] : memref<80x128xi32, #tpu.memory_space<vmem>> -> memref<1x128xi32, #tpu.memory_space<vmem>>
        %dma_start3A_250 = tpu.memref_squeeze %dma_start3A_249 : memref<1x128xi32, #tpu.memory_space<vmem>> -> memref<128xi32, #tpu.memory_space<vmem>>
        %dma_start3A_251 = arith.constant 0 : i32
        %dma_start3A_252 = arith.constant 0 : i32
        %dma_start3A_253 = tpu.memref_slice %arg10[%dma_start3A_251, %dma_start3A_252] : memref<10240x128xf32, #tpu.memory_space<vmem_shared>> -> memref<10240x128xf32, #tpu.memory_space<vmem_shared>>
        tpu.enqueue_indirect_dma source(%dma_start3A_247 : memref<128x128xf32, #tpu.memory_space<vmem>>) target(%dma_start3A_253 : memref<10240x128xf32, #tpu.memory_space<vmem_shared>>) offsets(%dma_start3A_250 : memref<128xi32, #tpu.memory_space<vmem>>) semaphore(%run_scoped3A_243 : memref<!tpu.dma_semaphore, #tpu.memory_space<semaphore_mem>>) {add = true}
        %dma_wait3A_254 = arith.constant 0 : i32
        %dma_wait3A_255 = arith.constant 0 : i32
        %dma_wait3A_256 = tpu.memref_slice %arg9[%run_scoped3A_167, %dma_wait3A_254, %dma_wait3A_255] : memref<2x128x128xf32, #tpu.memory_space<vmem>> -> memref<1x128x128xf32, #tpu.memory_space<vmem>>
        %dma_wait3A_257 = tpu.memref_squeeze %dma_wait3A_256 : memref<1x128x128xf32, #tpu.memory_space<vmem>> -> memref<128x128xf32, #tpu.memory_space<vmem>>
        %dma_wait3A_258 = arith.constant 0 : i32
        %dma_wait3A_259 = tpu.memref_slice %arg8[%mul3A_126, %dma_wait3A_258] : memref<80x128xi32, #tpu.memory_space<vmem>> -> memref<1x128xi32, #tpu.memory_space<vmem>>
        %dma_wait3A_260 = tpu.memref_squeeze %dma_wait3A_259 : memref<1x128xi32, #tpu.memory_space<vmem>> -> memref<128xi32, #tpu.memory_space<vmem>>
        %dma_wait3A_261 = arith.constant 0 : i32
        %dma_wait3A_262 = arith.constant 0 : i32
        %dma_wait3A_263 = tpu.memref_slice %arg10[%dma_wait3A_261, %dma_wait3A_262] : memref<10240x128xf32, #tpu.memory_space<vmem_shared>> -> memref<10240x128xf32, #tpu.memory_space<vmem_shared>>
        tpu.wait_indirect_dma semaphore(%run_scoped3A_243 : memref<!tpu.dma_semaphore, #tpu.memory_space<semaphore_mem>>) src(%dma_wait3A_257 : memref<128x128xf32, #tpu.memory_space<vmem>>) dst(%dma_wait3A_263 : memref<10240x128xf32, #tpu.memory_space<vmem_shared>>)
        tpu.yield
      }) : () -> ()
      %add3A_168 = arith.constant 2 : i32
      %add3A_169 = arith.addi %mul3A_126, %add3A_168 : i32
      %add3A_170 = arith.addi %mul3A_2, %add3A_169 : i32
      %dma_start3A_171 = arith.constant 0 : i32
      %dma_start3A_172 = arith.constant 0 : i32
      %dma_start3A_173 = tpu.memref_slice %arg7[%dma_start3A_171, %dma_start3A_172] : memref<2x128xi32, #tpu.memory_space<vmem>> -> memref<1x128xi32, #tpu.memory_space<vmem>>
      %dma_start3A_174 = tpu.memref_squeeze %dma_start3A_173 : memref<1x128xi32, #tpu.memory_space<vmem>> -> memref<128xi32, #tpu.memory_space<vmem>>
      %dma_start3A_175 = arith.constant 0 : i32
      %dma_start3A_176 = tpu.memref_slice %arg3[%add3A_170, %dma_start3A_175] : memref<2560x128xi32, #tpu.memory_space<hbm>> -> memref<1x128xi32, #tpu.memory_space<hbm>>
      %dma_start3A_177 = tpu.memref_squeeze %dma_start3A_176 : memref<1x128xi32, #tpu.memory_space<hbm>> -> memref<128xi32, #tpu.memory_space<hbm>>
      %dma_start3A_178 = arith.constant 0 : i32
      %dma_start3A_179 = tpu.memref_slice %arg7[%dma_start3A_171, %dma_start3A_178] : memref<2x128xi32, #tpu.memory_space<vmem>> -> memref<1x128xi32, #tpu.memory_space<vmem>>
      %dma_start3A_180 = tpu.memref_squeeze %dma_start3A_179 : memref<1x128xi32, #tpu.memory_space<vmem>> -> memref<128xi32, #tpu.memory_space<vmem>>
      %dma_start3A_181 = arith.constant 0 : i32
      %dma_start3A_182 = tpu.memref_slice %arg3[%add3A_170, %dma_start3A_181] : memref<2560x128xi32, #tpu.memory_space<hbm>> -> memref<1x128xi32, #tpu.memory_space<hbm>>
      %dma_start3A_183 = tpu.memref_squeeze %dma_start3A_182 : memref<1x128xi32, #tpu.memory_space<hbm>> -> memref<128xi32, #tpu.memory_space<hbm>>
      tpu.enqueue_dma source(%dma_start3A_183 : memref<128xi32, #tpu.memory_space<hbm>>) target(%dma_start3A_180 : memref<128xi32, #tpu.memory_space<vmem>>) target_semaphore(%arg13 : memref<!tpu.dma_semaphore, #tpu.memory_space<semaphore_mem>>)
      %add3A_184 = arith.constant 1 : i32
      %add3A_185 = arith.addi %mul3A_126, %add3A_184 : i32
      %dma_wait3A_186 = arith.constant 1 : i32
      %dma_wait3A_187 = arith.constant 1 : i32
      %dma_wait3A_188 = arith.constant 0 : i32
      %dma_wait3A_189 = arith.constant 0 : i32
      %dma_wait3A_190 = tpu.memref_slice %arg9[%dma_wait3A_187, %dma_wait3A_188, %dma_wait3A_189] : memref<2x128x128xf32, #tpu.memory_space<vmem>> -> memref<1x128x128xf32, #tpu.memory_space<vmem>>
      %dma_wait3A_191 = tpu.memref_squeeze %dma_wait3A_190 : memref<1x128x128xf32, #tpu.memory_space<vmem>> -> memref<128x128xf32, #tpu.memory_space<vmem>>
      %dma_wait3A_192 = arith.constant 0 : i32
      %dma_wait3A_193 = tpu.memref_slice %arg7[%dma_wait3A_186, %dma_wait3A_192] : memref<2x128xi32, #tpu.memory_space<vmem>> -> memref<1x128xi32, #tpu.memory_space<vmem>>
      %dma_wait3A_194 = tpu.memref_squeeze %dma_wait3A_193 : memref<1x128xi32, #tpu.memory_space<vmem>> -> memref<128xi32, #tpu.memory_space<vmem>>
      %dma_wait3A_195 = arith.constant 0 : i32
      %dma_wait3A_196 = arith.constant 0 : i32
      %dma_wait3A_197 = tpu.memref_slice %arg2[%dma_wait3A_195, %dma_wait3A_196] : memref<10240x128xf32, #tpu.memory_space<hbm>> -> memref<10240x128xf32, #tpu.memory_space<hbm>>
      tpu.wait_indirect_dma semaphore(%arg12 : memref<!tpu.dma_semaphore, #tpu.memory_space<semaphore_mem>>) src(%dma_wait3A_197 : memref<10240x128xf32, #tpu.memory_space<hbm>>) dst(%dma_wait3A_191 : memref<128x128xf32, #tpu.memory_space<vmem>>)
      %add3A_198 = arith.constant 1 : i32
      %add3A_199 = arith.addi %add3A_185, %add3A_198 : i32
      %add3A_200 = arith.addi %mul3A_2, %add3A_199 : i32
      %dma_wait3A_201 = arith.constant 0 : i32
      %dma_wait3A_202 = arith.constant 0 : i32
      %dma_wait3A_203 = tpu.memref_slice %arg7[%dma_wait3A_201, %dma_wait3A_202] : memref<2x128xi32, #tpu.memory_space<vmem>> -> memref<1x128xi32, #tpu.memory_space<vmem>>
      %dma_wait3A_204 = tpu.memref_squeeze %dma_wait3A_203 : memref<1x128xi32, #tpu.memory_space<vmem>> -> memref<128xi32, #tpu.memory_space<vmem>>
      %dma_wait3A_205 = arith.constant 0 : i32
      %dma_wait3A_206 = tpu.memref_slice %arg3[%add3A_200, %dma_wait3A_205] : memref<2560x128xi32, #tpu.memory_space<hbm>> -> memref<1x128xi32, #tpu.memory_space<hbm>>
      %dma_wait3A_207 = tpu.memref_squeeze %dma_wait3A_206 : memref<1x128xi32, #tpu.memory_space<hbm>> -> memref<128xi32, #tpu.memory_space<hbm>>
      %dma_wait3A_208 = arith.constant 0 : i32
      %dma_wait3A_209 = tpu.memref_slice %arg7[%dma_wait3A_201, %dma_wait3A_208] : memref<2x128xi32, #tpu.memory_space<vmem>> -> memref<1x128xi32, #tpu.memory_space<vmem>>
      %dma_wait3A_210 = tpu.memref_squeeze %dma_wait3A_209 : memref<1x128xi32, #tpu.memory_space<vmem>> -> memref<128xi32, #tpu.memory_space<vmem>>
      %dma_wait3A_211 = arith.constant 0 : i32
      %dma_wait3A_212 = tpu.memref_slice %arg3[%add3A_200, %dma_wait3A_211] : memref<2560x128xi32, #tpu.memory_space<hbm>> -> memref<1x128xi32, #tpu.memory_space<hbm>>
      %dma_wait3A_213 = tpu.memref_squeeze %dma_wait3A_212 : memref<1x128xi32, #tpu.memory_space<hbm>> -> memref<128xi32, #tpu.memory_space<hbm>>
      tpu.wait_dma2 semaphore(%arg13 : memref<!tpu.dma_semaphore, #tpu.memory_space<semaphore_mem>>) src(%dma_wait3A_213 : memref<128xi32, #tpu.memory_space<hbm>>) dst(%dma_wait3A_210 : memref<128xi32, #tpu.memory_space<vmem>>)
      %dma_start3A_214 = arith.constant 0 : i32
      %dma_start3A_215 = arith.constant 0 : i32
      %dma_start3A_216 = arith.constant 0 : i32
      %dma_start3A_217 = arith.constant 0 : i32
      %dma_start3A_218 = tpu.memref_slice %arg9[%dma_start3A_215, %dma_start3A_216, %dma_start3A_217] : memref<2x128x128xf32, #tpu.memory_space<vmem>> -> memref<1x128x128xf32, #tpu.memory_space<vmem>>
      %dma_start3A_219 = tpu.memref_squeeze %dma_start3A_218 : memref<1x128x128xf32, #tpu.memory_space<vmem>> -> memref<128x128xf32, #tpu.memory_space<vmem>>
      %dma_start3A_220 = arith.constant 0 : i32
      %dma_start3A_221 = tpu.memref_slice %arg7[%dma_start3A_214, %dma_start3A_220] : memref<2x128xi32, #tpu.memory_space<vmem>> -> memref<1x128xi32, #tpu.memory_space<vmem>>
      %dma_start3A_222 = tpu.memref_squeeze %dma_start3A_221 : memref<1x128xi32, #tpu.memory_space<vmem>> -> memref<128xi32, #tpu.memory_space<vmem>>
      %dma_start3A_223 = arith.constant 0 : i32
      %dma_start3A_224 = arith.constant 0 : i32
      %dma_start3A_225 = tpu.memref_slice %arg2[%dma_start3A_223, %dma_start3A_224] : memref<10240x128xf32, #tpu.memory_space<hbm>> -> memref<10240x128xf32, #tpu.memory_space<hbm>>
      tpu.enqueue_indirect_dma source(%dma_start3A_225 : memref<10240x128xf32, #tpu.memory_space<hbm>>) target(%dma_start3A_219 : memref<128x128xf32, #tpu.memory_space<vmem>>) offsets(%dma_start3A_222 : memref<128xi32, #tpu.memory_space<vmem>>) semaphore(%arg11 : memref<!tpu.dma_semaphore, #tpu.memory_space<semaphore_mem>>)
      %run_scoped3A_226 = arith.constant 1 : i32
      "tpu.region"() ({
        %run_scoped3A_243 = tpu.sem_alloc : memref<!tpu.dma_semaphore, #tpu.memory_space<semaphore_mem>>
        %dma_start3A_244 = arith.constant 0 : i32
        %dma_start3A_245 = arith.constant 0 : i32
        %dma_start3A_246 = tpu.memref_slice %arg9[%run_scoped3A_226, %dma_start3A_244, %dma_start3A_245] : memref<2x128x128xf32, #tpu.memory_space<vmem>> -> memref<1x128x128xf32, #tpu.memory_space<vmem>>
        %dma_start3A_247 = tpu.memref_squeeze %dma_start3A_246 : memref<1x128x128xf32, #tpu.memory_space<vmem>> -> memref<128x128xf32, #tpu.memory_space<vmem>>
        %dma_start3A_248 = arith.constant 0 : i32
        %dma_start3A_249 = tpu.memref_slice %arg8[%add3A_185, %dma_start3A_248] : memref<80x128xi32, #tpu.memory_space<vmem>> -> memref<1x128xi32, #tpu.memory_space<vmem>>
        %dma_start3A_250 = tpu.memref_squeeze %dma_start3A_249 : memref<1x128xi32, #tpu.memory_space<vmem>> -> memref<128xi32, #tpu.memory_space<vmem>>
        %dma_start3A_251 = arith.constant 0 : i32
        %dma_start3A_252 = arith.constant 0 : i32
        %dma_start3A_253 = tpu.memref_slice %arg10[%dma_start3A_251, %dma_start3A_252] : memref<10240x128xf32, #tpu.memory_space<vmem_shared>> -> memref<10240x128xf32, #tpu.memory_space<vmem_shared>>
        tpu.enqueue_indirect_dma source(%dma_start3A_247 : memref<128x128xf32, #tpu.memory_space<vmem>>) target(%dma_start3A_253 : memref<10240x128xf32, #tpu.memory_space<vmem_shared>>) offsets(%dma_start3A_250 : memref<128xi32, #tpu.memory_space<vmem>>) semaphore(%run_scoped3A_243 : memref<!tpu.dma_semaphore, #tpu.memory_space<semaphore_mem>>) {add = true}
        %dma_wait3A_254 = arith.constant 0 : i32
        %dma_wait3A_255 = arith.constant 0 : i32
        %dma_wait3A_256 = tpu.memref_slice %arg9[%run_scoped3A_226, %dma_wait3A_254, %dma_wait3A_255] : memref<2x128x128xf32, #tpu.memory_space<vmem>> -> memref<1x128x128xf32, #tpu.memory_space<vmem>>
        %dma_wait3A_257 = tpu.memref_squeeze %dma_wait3A_256 : memref<1x128x128xf32, #tpu.memory_space<vmem>> -> memref<128x128xf32, #tpu.memory_space<vmem>>
        %dma_wait3A_258 = arith.constant 0 : i32
        %dma_wait3A_259 = tpu.memref_slice %arg8[%add3A_185, %dma_wait3A_258] : memref<80x128xi32, #tpu.memory_space<vmem>> -> memref<1x128xi32, #tpu.memory_space<vmem>>
        %dma_wait3A_260 = tpu.memref_squeeze %dma_wait3A_259 : memref<1x128xi32, #tpu.memory_space<vmem>> -> memref<128xi32, #tpu.memory_space<vmem>>
        %dma_wait3A_261 = arith.constant 0 : i32
        %dma_wait3A_262 = arith.constant 0 : i32
        %dma_wait3A_263 = tpu.memref_slice %arg10[%dma_wait3A_261, %dma_wait3A_262] : memref<10240x128xf32, #tpu.memory_space<vmem_shared>> -> memref<10240x128xf32, #tpu.memory_space<vmem_shared>>
        tpu.wait_indirect_dma semaphore(%run_scoped3A_243 : memref<!tpu.dma_semaphore, #tpu.memory_space<semaphore_mem>>) src(%dma_wait3A_257 : memref<128x128xf32, #tpu.memory_space<vmem>>) dst(%dma_wait3A_263 : memref<10240x128xf32, #tpu.memory_space<vmem_shared>>)
        tpu.yield
      }) : () -> ()
      %add3A_227 = arith.constant 2 : i32
      %add3A_228 = arith.addi %add3A_185, %add3A_227 : i32
      %add3A_229 = arith.addi %mul3A_2, %add3A_228 : i32
      %dma_start3A_230 = arith.constant 1 : i32
      %dma_start3A_231 = arith.constant 0 : i32
      %dma_start3A_232 = tpu.memref_slice %arg7[%dma_start3A_230, %dma_start3A_231] : memref<2x128xi32, #tpu.memory_space<vmem>> -> memref<1x128xi32, #tpu.memory_space<vmem>>
      %dma_start3A_233 = tpu.memref_squeeze %dma_start3A_232 : memref<1x128xi32, #tpu.memory_space<vmem>> -> memref<128xi32, #tpu.memory_space<vmem>>
      %dma_start3A_234 = arith.constant 0 : i32
      %dma_start3A_235 = tpu.memref_slice %arg3[%add3A_229, %dma_start3A_234] : memref<2560x128xi32, #tpu.memory_space<hbm>> -> memref<1x128xi32, #tpu.memory_space<hbm>>
      %dma_start3A_236 = tpu.memref_squeeze %dma_start3A_235 : memref<1x128xi32, #tpu.memory_space<hbm>> -> memref<128xi32, #tpu.memory_space<hbm>>
      %dma_start3A_237 = arith.constant 0 : i32
      %dma_start3A_238 = tpu.memref_slice %arg7[%dma_start3A_230, %dma_start3A_237] : memref<2x128xi32, #tpu.memory_space<vmem>> -> memref<1x128xi32, #tpu.memory_space<vmem>>
      %dma_start3A_239 = tpu.memref_squeeze %dma_start3A_238 : memref<1x128xi32, #tpu.memory_space<vmem>> -> memref<128xi32, #tpu.memory_space<vmem>>
      %dma_start3A_240 = arith.constant 0 : i32
      %dma_start3A_241 = tpu.memref_slice %arg3[%add3A_229, %dma_start3A_240] : memref<2560x128xi32, #tpu.memory_space<hbm>> -> memref<1x128xi32, #tpu.memory_space<hbm>>
      %dma_start3A_242 = tpu.memref_squeeze %dma_start3A_241 : memref<1x128xi32, #tpu.memory_space<hbm>> -> memref<128xi32, #tpu.memory_space<hbm>>
      tpu.enqueue_dma source(%dma_start3A_242 : memref<128xi32, #tpu.memory_space<hbm>>) target(%dma_start3A_239 : memref<128xi32, #tpu.memory_space<vmem>>) target_semaphore(%arg14 : memref<!tpu.dma_semaphore, #tpu.memory_space<semaphore_mem>>)
    }
    %scan3A_64 = arith.constant 39 : i32
    %dma_wait3A_65 = arith.constant 0 : i32
    %dma_wait3A_66 = arith.constant 0 : i32
    %dma_wait3A_67 = arith.constant 0 : i32
    %dma_wait3A_68 = arith.constant 0 : i32
    %dma_wait3A_69 = tpu.memref_slice %arg9[%dma_wait3A_66, %dma_wait3A_67, %dma_wait3A_68] : memref<2x128x128xf32, #tpu.memory_space<vmem>> -> memref<1x128x128xf32, #tpu.memory_space<vmem>>
    %dma_wait3A_70 = tpu.memref_squeeze %dma_wait3A_69 : memref<1x128x128xf32, #tpu.memory_space<vmem>> -> memref<128x128xf32, #tpu.memory_space<vmem>>
    %dma_wait3A_71 = arith.constant 0 : i32
    %dma_wait3A_72 = tpu.memref_slice %arg7[%dma_wait3A_65, %dma_wait3A_71] : memref<2x128xi32, #tpu.memory_space<vmem>> -> memref<1x128xi32, #tpu.memory_space<vmem>>
    %dma_wait3A_73 = tpu.memref_squeeze %dma_wait3A_72 : memref<1x128xi32, #tpu.memory_space<vmem>> -> memref<128xi32, #tpu.memory_space<vmem>>
    %dma_wait3A_74 = arith.constant 0 : i32
    %dma_wait3A_75 = arith.constant 0 : i32
    %dma_wait3A_76 = tpu.memref_slice %arg2[%dma_wait3A_74, %dma_wait3A_75] : memref<10240x128xf32, #tpu.memory_space<hbm>> -> memref<10240x128xf32, #tpu.memory_space<hbm>>
    tpu.wait_indirect_dma semaphore(%arg11 : memref<!tpu.dma_semaphore, #tpu.memory_space<semaphore_mem>>) src(%dma_wait3A_76 : memref<10240x128xf32, #tpu.memory_space<hbm>>) dst(%dma_wait3A_70 : memref<128x128xf32, #tpu.memory_space<vmem>>)
    %add3A_77 = arith.constant 79 : i32
    %add3A_78 = arith.addi %mul3A_2, %add3A_77 : i32
    %dma_wait3A_79 = arith.constant 1 : i32
    %dma_wait3A_80 = arith.constant 0 : i32
    %dma_wait3A_81 = tpu.memref_slice %arg7[%dma_wait3A_79, %dma_wait3A_80] : memref<2x128xi32, #tpu.memory_space<vmem>> -> memref<1x128xi32, #tpu.memory_space<vmem>>
    %dma_wait3A_82 = tpu.memref_squeeze %dma_wait3A_81 : memref<1x128xi32, #tpu.memory_space<vmem>> -> memref<128xi32, #tpu.memory_space<vmem>>
    %dma_wait3A_83 = arith.constant 0 : i32
    %dma_wait3A_84 = tpu.memref_slice %arg3[%add3A_78, %dma_wait3A_83] : memref<2560x128xi32, #tpu.memory_space<hbm>> -> memref<1x128xi32, #tpu.memory_space<hbm>>
    %dma_wait3A_85 = tpu.memref_squeeze %dma_wait3A_84 : memref<1x128xi32, #tpu.memory_space<hbm>> -> memref<128xi32, #tpu.memory_space<hbm>>
    %dma_wait3A_86 = arith.constant 0 : i32
    %dma_wait3A_87 = tpu.memref_slice %arg7[%dma_wait3A_79, %dma_wait3A_86] : memref<2x128xi32, #tpu.memory_space<vmem>> -> memref<1x128xi32, #tpu.memory_space<vmem>>
    %dma_wait3A_88 = tpu.memref_squeeze %dma_wait3A_87 : memref<1x128xi32, #tpu.memory_space<vmem>> -> memref<128xi32, #tpu.memory_space<vmem>>
    %dma_wait3A_89 = arith.constant 0 : i32
    %dma_wait3A_90 = tpu.memref_slice %arg3[%add3A_78, %dma_wait3A_89] : memref<2560x128xi32, #tpu.memory_space<hbm>> -> memref<1x128xi32, #tpu.memory_space<hbm>>
    %dma_wait3A_91 = tpu.memref_squeeze %dma_wait3A_90 : memref<1x128xi32, #tpu.memory_space<hbm>> -> memref<128xi32, #tpu.memory_space<hbm>>
    tpu.wait_dma2 semaphore(%arg14 : memref<!tpu.dma_semaphore, #tpu.memory_space<semaphore_mem>>) src(%dma_wait3A_91 : memref<128xi32, #tpu.memory_space<hbm>>) dst(%dma_wait3A_88 : memref<128xi32, #tpu.memory_space<vmem>>)
    %dma_start3A_92 = arith.constant 1 : i32
    %dma_start3A_93 = arith.constant 1 : i32
    %dma_start3A_94 = arith.constant 0 : i32
    %dma_start3A_95 = arith.constant 0 : i32
    %dma_start3A_96 = tpu.memref_slice %arg9[%dma_start3A_93, %dma_start3A_94, %dma_start3A_95] : memref<2x128x128xf32, #tpu.memory_space<vmem>> -> memref<1x128x128xf32, #tpu.memory_space<vmem>>
    %dma_start3A_97 = tpu.memref_squeeze %dma_start3A_96 : memref<1x128x128xf32, #tpu.memory_space<vmem>> -> memref<128x128xf32, #tpu.memory_space<vmem>>
    %dma_start3A_98 = arith.constant 0 : i32
    %dma_start3A_99 = tpu.memref_slice %arg7[%dma_start3A_92, %dma_start3A_98] : memref<2x128xi32, #tpu.memory_space<vmem>> -> memref<1x128xi32, #tpu.memory_space<vmem>>
    %dma_start3A_100 = tpu.memref_squeeze %dma_start3A_99 : memref<1x128xi32, #tpu.memory_space<vmem>> -> memref<128xi32, #tpu.memory_space<vmem>>
    %dma_start3A_101 = arith.constant 0 : i32
    %dma_start3A_102 = arith.constant 0 : i32
    %dma_start3A_103 = tpu.memref_slice %arg2[%dma_start3A_101, %dma_start3A_102] : memref<10240x128xf32, #tpu.memory_space<hbm>> -> memref<10240x128xf32, #tpu.memory_space<hbm>>
    tpu.enqueue_indirect_dma source(%dma_start3A_103 : memref<10240x128xf32, #tpu.memory_space<hbm>>) target(%dma_start3A_97 : memref<128x128xf32, #tpu.memory_space<vmem>>) offsets(%dma_start3A_100 : memref<128xi32, #tpu.memory_space<vmem>>) semaphore(%arg12 : memref<!tpu.dma_semaphore, #tpu.memory_space<semaphore_mem>>)
    %run_scoped3A = arith.constant 0 : i32
    %run_scoped3A_104 = arith.constant 78 : i32
    "tpu.region"() ({
      %run_scoped3A_124 = tpu.sem_alloc : memref<!tpu.dma_semaphore, #tpu.memory_space<semaphore_mem>>
      %dma_start3A_125 = arith.constant 0 : i32
      %dma_start3A_126 = arith.constant 0 : i32
      %dma_start3A_127 = tpu.memref_slice %arg9[%run_scoped3A, %dma_start3A_125, %dma_start3A_126] : memref<2x128x128xf32, #tpu.memory_space<vmem>> -> memref<1x128x128xf32, #tpu.memory_space<vmem>>
      %dma_start3A_128 = tpu.memref_squeeze %dma_start3A_127 : memref<1x128x128xf32, #tpu.memory_space<vmem>> -> memref<128x128xf32, #tpu.memory_space<vmem>>
      %dma_start3A_129 = arith.constant 0 : i32
      %dma_start3A_130 = tpu.memref_slice %arg8[%run_scoped3A_104, %dma_start3A_129] : memref<80x128xi32, #tpu.memory_space<vmem>> -> memref<1x128xi32, #tpu.memory_space<vmem>>
      %dma_start3A_131 = tpu.memref_squeeze %dma_start3A_130 : memref<1x128xi32, #tpu.memory_space<vmem>> -> memref<128xi32, #tpu.memory_space<vmem>>
      %dma_start3A_132 = arith.constant 0 : i32
      %dma_start3A_133 = arith.constant 0 : i32
      %dma_start3A_134 = tpu.memref_slice %arg10[%dma_start3A_132, %dma_start3A_133] : memref<10240x128xf32, #tpu.memory_space<vmem_shared>> -> memref<10240x128xf32, #tpu.memory_space<vmem_shared>>
      tpu.enqueue_indirect_dma source(%dma_start3A_128 : memref<128x128xf32, #tpu.memory_space<vmem>>) target(%dma_start3A_134 : memref<10240x128xf32, #tpu.memory_space<vmem_shared>>) offsets(%dma_start3A_131 : memref<128xi32, #tpu.memory_space<vmem>>) semaphore(%run_scoped3A_124 : memref<!tpu.dma_semaphore, #tpu.memory_space<semaphore_mem>>) {add = true}
      %dma_wait3A_135 = arith.constant 0 : i32
      %dma_wait3A_136 = arith.constant 0 : i32
      %dma_wait3A_137 = tpu.memref_slice %arg9[%run_scoped3A, %dma_wait3A_135, %dma_wait3A_136] : memref<2x128x128xf32, #tpu.memory_space<vmem>> -> memref<1x128x128xf32, #tpu.memory_space<vmem>>
      %dma_wait3A_138 = tpu.memref_squeeze %dma_wait3A_137 : memref<1x128x128xf32, #tpu.memory_space<vmem>> -> memref<128x128xf32, #tpu.memory_space<vmem>>
      %dma_wait3A_139 = arith.constant 0 : i32
      %dma_wait3A_140 = tpu.memref_slice %arg8[%run_scoped3A_104, %dma_wait3A_139] : memref<80x128xi32, #tpu.memory_space<vmem>> -> memref<1x128xi32, #tpu.memory_space<vmem>>
      %dma_wait3A_141 = tpu.memref_squeeze %dma_wait3A_140 : memref<1x128xi32, #tpu.memory_space<vmem>> -> memref<128xi32, #tpu.memory_space<vmem>>
      %dma_wait3A_142 = arith.constant 0 : i32
      %dma_wait3A_143 = arith.constant 0 : i32
      %dma_wait3A_144 = tpu.memref_slice %arg10[%dma_wait3A_142, %dma_wait3A_143] : memref<10240x128xf32, #tpu.memory_space<vmem_shared>> -> memref<10240x128xf32, #tpu.memory_space<vmem_shared>>
      tpu.wait_indirect_dma semaphore(%run_scoped3A_124 : memref<!tpu.dma_semaphore, #tpu.memory_space<semaphore_mem>>) src(%dma_wait3A_138 : memref<128x128xf32, #tpu.memory_space<vmem>>) dst(%dma_wait3A_144 : memref<10240x128xf32, #tpu.memory_space<vmem_shared>>)
      tpu.yield
    }) : () -> ()
    %dma_wait3A_105 = arith.constant 1 : i32
    %dma_wait3A_106 = arith.constant 1 : i32
    %dma_wait3A_107 = arith.constant 0 : i32
    %dma_wait3A_108 = arith.constant 0 : i32
    %dma_wait3A_109 = tpu.memref_slice %arg9[%dma_wait3A_106, %dma_wait3A_107, %dma_wait3A_108] : memref<2x128x128xf32, #tpu.memory_space<vmem>> -> memref<1x128x128xf32, #tpu.memory_space<vmem>>
    %dma_wait3A_110 = tpu.memref_squeeze %dma_wait3A_109 : memref<1x128x128xf32, #tpu.memory_space<vmem>> -> memref<128x128xf32, #tpu.memory_space<vmem>>
    %dma_wait3A_111 = arith.constant 0 : i32
    %dma_wait3A_112 = tpu.memref_slice %arg7[%dma_wait3A_105, %dma_wait3A_111] : memref<2x128xi32, #tpu.memory_space<vmem>> -> memref<1x128xi32, #tpu.memory_space<vmem>>
    %dma_wait3A_113 = tpu.memref_squeeze %dma_wait3A_112 : memref<1x128xi32, #tpu.memory_space<vmem>> -> memref<128xi32, #tpu.memory_space<vmem>>
    %dma_wait3A_114 = arith.constant 0 : i32
    %dma_wait3A_115 = arith.constant 0 : i32
    %dma_wait3A_116 = tpu.memref_slice %arg2[%dma_wait3A_114, %dma_wait3A_115] : memref<10240x128xf32, #tpu.memory_space<hbm>> -> memref<10240x128xf32, #tpu.memory_space<hbm>>
    tpu.wait_indirect_dma semaphore(%arg12 : memref<!tpu.dma_semaphore, #tpu.memory_space<semaphore_mem>>) src(%dma_wait3A_116 : memref<10240x128xf32, #tpu.memory_space<hbm>>) dst(%dma_wait3A_110 : memref<128x128xf32, #tpu.memory_space<vmem>>)
    %run_scoped3A_117 = arith.constant 1 : i32
    %run_scoped3A_118 = arith.constant 79 : i32
    "tpu.region"() ({
      %run_scoped3A_124 = tpu.sem_alloc : memref<!tpu.dma_semaphore, #tpu.memory_space<semaphore_mem>>
      %dma_start3A_125 = arith.constant 0 : i32
      %dma_start3A_126 = arith.constant 0 : i32
      %dma_start3A_127 = tpu.memref_slice %arg9[%run_scoped3A_117, %dma_start3A_125, %dma_start3A_126] : memref<2x128x128xf32, #tpu.memory_space<vmem>> -> memref<1x128x128xf32, #tpu.memory_space<vmem>>
      %dma_start3A_128 = tpu.memref_squeeze %dma_start3A_127 : memref<1x128x128xf32, #tpu.memory_space<vmem>> -> memref<128x128xf32, #tpu.memory_space<vmem>>
      %dma_start3A_129 = arith.constant 0 : i32
      %dma_start3A_130 = tpu.memref_slice %arg8[%run_scoped3A_118, %dma_start3A_129] : memref<80x128xi32, #tpu.memory_space<vmem>> -> memref<1x128xi32, #tpu.memory_space<vmem>>
      %dma_start3A_131 = tpu.memref_squeeze %dma_start3A_130 : memref<1x128xi32, #tpu.memory_space<vmem>> -> memref<128xi32, #tpu.memory_space<vmem>>
      %dma_start3A_132 = arith.constant 0 : i32
      %dma_start3A_133 = arith.constant 0 : i32
      %dma_start3A_134 = tpu.memref_slice %arg10[%dma_start3A_132, %dma_start3A_133] : memref<10240x128xf32, #tpu.memory_space<vmem_shared>> -> memref<10240x128xf32, #tpu.memory_space<vmem_shared>>
      tpu.enqueue_indirect_dma source(%dma_start3A_128 : memref<128x128xf32, #tpu.memory_space<vmem>>) target(%dma_start3A_134 : memref<10240x128xf32, #tpu.memory_space<vmem_shared>>) offsets(%dma_start3A_131 : memref<128xi32, #tpu.memory_space<vmem>>) semaphore(%run_scoped3A_124 : memref<!tpu.dma_semaphore, #tpu.memory_space<semaphore_mem>>) {add = true}
      %dma_wait3A_135 = arith.constant 0 : i32
      %dma_wait3A_136 = arith.constant 0 : i32
      %dma_wait3A_137 = tpu.memref_slice %arg9[%run_scoped3A_117, %dma_wait3A_135, %dma_wait3A_136] : memref<2x128x128xf32, #tpu.memory_space<vmem>> -> memref<1x128x128xf32, #tpu.memory_space<vmem>>
      %dma_wait3A_138 = tpu.memref_squeeze %dma_wait3A_137 : memref<1x128x128xf32, #tpu.memory_space<vmem>> -> memref<128x128xf32, #tpu.memory_space<vmem>>
      %dma_wait3A_139 = arith.constant 0 : i32
      %dma_wait3A_140 = tpu.memref_slice %arg8[%run_scoped3A_118, %dma_wait3A_139] : memref<80x128xi32, #tpu.memory_space<vmem>> -> memref<1x128xi32, #tpu.memory_space<vmem>>
      %dma_wait3A_141 = tpu.memref_squeeze %dma_wait3A_140 : memref<1x128xi32, #tpu.memory_space<vmem>> -> memref<128xi32, #tpu.memory_space<vmem>>
      %dma_wait3A_142 = arith.constant 0 : i32
      %dma_wait3A_143 = arith.constant 0 : i32
      %dma_wait3A_144 = tpu.memref_slice %arg10[%dma_wait3A_142, %dma_wait3A_143] : memref<10240x128xf32, #tpu.memory_space<vmem_shared>> -> memref<10240x128xf32, #tpu.memory_space<vmem_shared>>
      tpu.wait_indirect_dma semaphore(%run_scoped3A_124 : memref<!tpu.dma_semaphore, #tpu.memory_space<semaphore_mem>>) src(%dma_wait3A_138 : memref<128x128xf32, #tpu.memory_space<vmem>>) dst(%dma_wait3A_144 : memref<10240x128xf32, #tpu.memory_space<vmem_shared>>)
      tpu.yield
    }) : () -> ()
    %barrier3A_119 = arith.constant 0 : index
    tpu.barrier barrier_id(%barrier3A_119)
    %mul3A_120 = arith.constant 640 : i32
    %mul3A_121 = arith.muli %arg1, %mul3A_120 : i32
    %mul3A_122 = arith.constant 640 : i32
    %mul3A_123 = arith.muli %arg1, %mul3A_122 : i32
    "tpu.region"() ({
      %run_scoped3A_124 = tpu.sem_alloc : memref<!tpu.dma_semaphore, #tpu.memory_space<semaphore_mem>>
      %dma_start3A_125 = arith.constant 0 : i32
      %dma_start3A_126 = tpu.memref_slice %arg6[%arg0, %mul3A_123, %dma_start3A_125] : memref<2x10240x128xf32, #tpu.memory_space<hbm>> -> memref<1x640x128xf32, #tpu.memory_space<hbm>>
      %dma_start3A_127 = tpu.memref_squeeze %dma_start3A_126 : memref<1x640x128xf32, #tpu.memory_space<hbm>> -> memref<640x128xf32, #tpu.memory_space<hbm>>
      %dma_start3A_128 = arith.constant 0 : i32
      %dma_start3A_129 = tpu.memref_slice %arg10[%mul3A_121, %dma_start3A_128] : memref<10240x128xf32, #tpu.memory_space<vmem_shared>> -> memref<640x128xf32, #tpu.memory_space<vmem_shared>>
      tpu.enqueue_dma source(%dma_start3A_129 : memref<640x128xf32, #tpu.memory_space<vmem_shared>>) target(%dma_start3A_127 : memref<640x128xf32, #tpu.memory_space<hbm>>) target_semaphore(%run_scoped3A_124 : memref<!tpu.dma_semaphore, #tpu.memory_space<semaphore_mem>>)
      %dma_wait3A_130 = arith.constant 0 : i32
      %dma_wait3A_131 = tpu.memref_slice %arg6[%arg0, %mul3A_123, %dma_wait3A_130] : memref<2x10240x128xf32, #tpu.memory_space<hbm>> -> memref<1x640x128xf32, #tpu.memory_space<hbm>>
      %dma_wait3A_132 = tpu.memref_squeeze %dma_wait3A_131 : memref<1x640x128xf32, #tpu.memory_space<hbm>> -> memref<640x128xf32, #tpu.memory_space<hbm>>
      %dma_wait3A_133 = arith.constant 0 : i32
      %dma_wait3A_134 = tpu.memref_slice %arg10[%mul3A_121, %dma_wait3A_133] : memref<10240x128xf32, #tpu.memory_space<vmem_shared>> -> memref<640x128xf32, #tpu.memory_space<vmem_shared>>
      tpu.wait_dma2 semaphore(%run_scoped3A_124 : memref<!tpu.dma_semaphore, #tpu.memory_space<semaphore_mem>>) src(%dma_wait3A_134 : memref<640x128xf32, #tpu.memory_space<vmem_shared>>) dst(%dma_wait3A_132 : memref<640x128xf32, #tpu.memory_space<hbm>>)
      tpu.yield
    }) : () -> ()
    return
  }
}

module attributes {stable_mosaic.version = 14 : i64} {
  func.func @_dense0_body(%arg0: i32, %arg1: memref<1024x128xf32, #tpu.memory_space<vmem>>, %arg2: memref<128x128xf32, #tpu.memory_space<vmem>>, %arg3: memref<2x1024x128xf32, #tpu.memory_space<vmem>>, %arg4: memref<1024x128xf32, #tpu.memory_space<vmem>>, %arg5: memref<1024x128xf32, #tpu.memory_space<vmem>>) attributes {dimension_semantics = [#tpu.dimension_semantics<arbitrary>], iteration_bounds = array<i64: 10>, scalar_prefetch = 0 : i64, scratch_operands = 0 : i64, tpu.core_type = #tpu.core_type<tc>, window_params = [{transform_indices = @transform_0, window_bounds = array<i64: 1024, 128>}, {pipeline_mode = #tpu.pipeline_mode<synchronous>, transform_indices = @transform_1, window_bounds = array<i64: 128, 128>}, {transform_indices = @transform_2, window_bounds = array<i64: 2, 1024, 128>}, {transform_indices = @transform_3, window_bounds = array<i64: 1024, 128>}, {transform_indices = @transform_4, window_bounds = array<i64: 1024, 128>}]} {
    %get3A = arith.constant 0 : index
    %get3A_0 = arith.constant 0 : index
    %get3A_1 = arith.constant 0 : index
    %get3A_2 = vector.load %arg3[%get3A, %get3A_0, %get3A_1] : memref<2x1024x128xf32, #tpu.memory_space<vmem>>, vector<2x1024x128xf32>
    %slice3A = vector.extract_strided_slice %get3A_2 {offsets = [0, 0, 0], sizes = [1, 1024, 1], strides = [1, 1, 1]} : vector<2x1024x128xf32> to vector<1x1024x1xf32>
    %squeeze3A = vector.shape_cast %slice3A : vector<1x1024x1xf32> to vector<1024xf32>
    %add3A = arith.constant 1.000000e+00 : f32
    %add3A_3 = vector.broadcast %add3A : f32 to vector<1024xf32>
    %add3A_4 = arith.addf %add3A_3, %squeeze3A : vector<1024xf32>
    %slice3A_5 = vector.extract_strided_slice %get3A_2 {offsets = [1, 0, 0], sizes = [1, 1024, 1], strides = [1, 1, 1]} : vector<2x1024x128xf32> to vector<1x1024x1xf32>
    %squeeze3A_6 = vector.shape_cast %slice3A_5 : vector<1x1024x1xf32> to vector<1024xf32>
    %add3A_7 = arith.addf %add3A_4, %squeeze3A_6 : vector<1024xf32>
    %rsqrt3A = math.rsqrt %add3A_7 : vector<1024xf32>
    %get3A_8 = arith.constant 0 : index
    %get3A_9 = arith.constant 0 : index
    %get3A_10 = vector.load %arg1[%get3A_8, %get3A_9] : memref<1024x128xf32, #tpu.memory_space<vmem>>, vector<1024x128xf32>
    %get3A_11 = arith.constant 0 : index
    %get3A_12 = arith.constant 0 : index
    %get3A_13 = vector.load %arg2[%get3A_11, %get3A_12] : memref<128x128xf32, #tpu.memory_space<vmem>>, vector<128x128xf32>
    %dot_general3A = arith.constant dense<0.000000e+00> : vector<1024x128xf32>
    %dot_general3A_14 = tpu.matmul %get3A_10, %get3A_13, %dot_general3A {dimension_numbers = #tpu.dot_dimension_numbers<[1], [0], [0], [1], [0, 0, 1, 1], [], []>, transpose_lhs_hint = false} : vector<1024x128xf32>, vector<128x128xf32>, vector<1024x128xf32> -> vector<1024x128xf32>
    %swap3A = arith.constant 0 : index
    %swap3A_15 = arith.constant 0 : index
    %swap3A_16 = vector.load %arg4[%swap3A, %swap3A_15] : memref<1024x128xf32, #tpu.memory_space<vmem>>, vector<1024x128xf32>
    tpu.vector_store %arg4[%swap3A, %swap3A_15], %dot_general3A_14 {strides = array<i32>} : memref<1024x128xf32, #tpu.memory_space<vmem>>, vector<1024x128xf32>,
    %broadcast_in_dim3A = vector.shape_cast %rsqrt3A : vector<1024xf32> to vector<1024x1xf32>
    %mul3A = vector.broadcast %broadcast_in_dim3A : vector<1024x1xf32> to vector<1024x128xf32>
    %mul3A_17 = arith.mulf %dot_general3A_14, %mul3A : vector<1024x128xf32>
    %swap3A_18 = arith.constant 0 : index
    %swap3A_19 = arith.constant 0 : index
    %swap3A_20 = vector.load %arg5[%swap3A_18, %swap3A_19] : memref<1024x128xf32, #tpu.memory_space<vmem>>, vector<1024x128xf32>
    tpu.vector_store %arg5[%swap3A_18, %swap3A_19], %mul3A_17 {strides = array<i32>} : memref<1024x128xf32, #tpu.memory_space<vmem>>, vector<1024x128xf32>,
    return
  }
  func.func @transform_0(%arg0: i32) -> (i32, i32) {
    %c0_i32 = arith.constant 0 : i32
    %c0_i32_0 = arith.constant 0 : i32
    return %arg0, %c0_i32 : i32, i32
  }
  func.func @transform_1(%arg0: i32) -> (i32, i32) {
    %c0_i32 = arith.constant 0 : i32
    %c0_i32_0 = arith.constant 0 : i32
    %c0_i32_1 = arith.constant 0 : i32
    return %c0_i32, %c0_i32_0 : i32, i32
  }
  func.func @transform_2(%arg0: i32) -> (i32, i32, i32) {
    %c0_i32 = arith.constant 0 : i32
    %c0_i32_0 = arith.constant 0 : i32
    %c0_i32_1 = arith.constant 0 : i32
    return %c0_i32, %arg0, %c0_i32_0 : i32, i32, i32
  }
  func.func @transform_3(%arg0: i32) -> (i32, i32) {
    %c0_i32 = arith.constant 0 : i32
    %c0_i32_0 = arith.constant 0 : i32
    return %arg0, %c0_i32 : i32, i32
  }
  func.func @transform_4(%arg0: i32) -> (i32, i32) {
    %c0_i32 = arith.constant 0 : i32
    %c0_i32_0 = arith.constant 0 : i32
    return %arg0, %c0_i32 : i32, i32
  }
}

module attributes {stable_mosaic.version = 14 : i64} {
  func.func @_mid_body(%arg0: i32, %arg1: memref<2x1024x128xf32, #tpu.memory_space<vmem>>, %arg2: memref<1024x128xf32, #tpu.memory_space<vmem>>, %arg3: memref<1x128xf32, #tpu.memory_space<vmem>>, %arg4: memref<2x1024x128xf32, #tpu.memory_space<vmem>>, %arg5: memref<128x128xf32, #tpu.memory_space<vmem>>, %arg6: memref<1024x128xf32, #tpu.memory_space<vmem>>, %arg7: memref<1024x128xf32, #tpu.memory_space<vmem>>) attributes {dimension_semantics = [#tpu.dimension_semantics<arbitrary>], iteration_bounds = array<i64: 10>, scalar_prefetch = 0 : i64, scratch_operands = 0 : i64, tpu.core_type = #tpu.core_type<tc>, window_params = [{transform_indices = @transform_0, window_bounds = array<i64: 2, 1024, 128>}, {transform_indices = @transform_1, window_bounds = array<i64: 1024, 128>}, {pipeline_mode = #tpu.pipeline_mode<synchronous>, transform_indices = @transform_2, window_bounds = array<i64: 1, 128>}, {transform_indices = @transform_3, window_bounds = array<i64: 2, 1024, 128>}, {pipeline_mode = #tpu.pipeline_mode<synchronous>, transform_indices = @transform_4, window_bounds = array<i64: 128, 128>}, {transform_indices = @transform_5, window_bounds = array<i64: 1024, 128>}, {transform_indices = @transform_6, window_bounds = array<i64: 1024, 128>}]} {
    %get3A = arith.constant 0 : index
    %get3A_0 = arith.constant 0 : index
    %get3A_1 = arith.constant 0 : index
    %get3A_2 = vector.load %arg4[%get3A, %get3A_0, %get3A_1] : memref<2x1024x128xf32, #tpu.memory_space<vmem>>, vector<2x1024x128xf32>
    %slice3A = vector.extract_strided_slice %get3A_2 {offsets = [0, 0, 0], sizes = [1, 1024, 1], strides = [1, 1, 1]} : vector<2x1024x128xf32> to vector<1x1024x1xf32>
    %squeeze3A = vector.shape_cast %slice3A : vector<1x1024x1xf32> to vector<1024xf32>
    %add3A = arith.constant 1.000000e+00 : f32
    %add3A_3 = vector.broadcast %add3A : f32 to vector<1024xf32>
    %add3A_4 = arith.addf %add3A_3, %squeeze3A : vector<1024xf32>
    %slice3A_5 = vector.extract_strided_slice %get3A_2 {offsets = [1, 0, 0], sizes = [1, 1024, 1], strides = [1, 1, 1]} : vector<2x1024x128xf32> to vector<1x1024x1xf32>
    %squeeze3A_6 = vector.shape_cast %slice3A_5 : vector<1x1024x1xf32> to vector<1024xf32>
    %add3A_7 = arith.addf %add3A_4, %squeeze3A_6 : vector<1024xf32>
    %rsqrt3A = math.rsqrt %add3A_7 : vector<1024xf32>
    %div3A = arith.constant 1.000000e+00 : f32
    %div3A_8 = vector.broadcast %div3A : f32 to vector<1024xf32>
    %div3A_9 = arith.divf %div3A_8, %add3A_7 : vector<1024xf32>
    %get3A_10 = arith.constant 0 : index
    %get3A_11 = arith.constant 0 : index
    %get3A_12 = arith.constant 0 : index
    %get3A_13 = vector.load %arg1[%get3A_10, %get3A_11, %get3A_12] : memref<2x1024x128xf32, #tpu.memory_space<vmem>>, vector<1x1024x128xf32>
    %get3A_14 = vector.shape_cast %get3A_13 : vector<1x1024x128xf32> to vector<1024x128xf32>
    %get3A_15 = arith.constant 1 : index
    %get3A_16 = arith.constant 0 : index
    %get3A_17 = arith.constant 0 : index
    %get3A_18 = vector.load %arg1[%get3A_15, %get3A_16, %get3A_17] : memref<2x1024x128xf32, #tpu.memory_space<vmem>>, vector<1x1024x128xf32>
    %get3A_19 = vector.shape_cast %get3A_18 : vector<1x1024x128xf32> to vector<1024x128xf32>
    %add3A_20 = arith.addf %get3A_14, %get3A_19 : vector<1024x128xf32>
    %broadcast_in_dim3A = vector.shape_cast %rsqrt3A : vector<1024xf32> to vector<1024x1xf32>
    %mul3A = vector.broadcast %broadcast_in_dim3A : vector<1024x1xf32> to vector<1024x128xf32>
    %mul3A_21 = arith.mulf %add3A_20, %mul3A : vector<1024x128xf32>
    %get3A_22 = arith.constant 0 : index
    %get3A_23 = arith.constant 0 : index
    %get3A_24 = vector.load %arg2[%get3A_22, %get3A_23] : memref<1024x128xf32, #tpu.memory_space<vmem>>, vector<1024x128xf32>
    %broadcast_in_dim3A_25 = vector.shape_cast %div3A_9 : vector<1024xf32> to vector<1024x1xf32>
    %mul3A_26 = vector.broadcast %broadcast_in_dim3A_25 : vector<1024x1xf32> to vector<1024x128xf32>
    %mul3A_27 = arith.mulf %get3A_24, %mul3A_26 : vector<1024x128xf32>
    %add3A_28 = arith.addf %mul3A_21, %mul3A_27 : vector<1024x128xf32>
    %get3A_29 = arith.constant 0 : index
    %get3A_30 = arith.constant 0 : index
    %get3A_31 = vector.load %arg3[%get3A_29, %get3A_30] : memref<1x128xf32, #tpu.memory_space<vmem>>, vector<1x128xf32>
    %add3A_32 = vector.broadcast %get3A_31 : vector<1x128xf32> to vector<1024x128xf32>
    %add3A_33 = arith.addf %add3A_28, %add3A_32 : vector<1024x128xf32>
    %logistic3A = arith.negf %add3A_33 : vector<1024x128xf32>
    %logistic3A_34 = math.exp %logistic3A : vector<1024x128xf32>
    %logistic3A_35 = arith.constant 1.000000e+00 : f32
    %logistic3A_36 = vector.broadcast %logistic3A_35 : f32 to vector<1024x128xf32>
    %logistic3A_37 = arith.addf %logistic3A_36, %logistic3A_34 : vector<1024x128xf32>
    %logistic3A_38 = arith.divf %logistic3A_36, %logistic3A_37 : vector<1024x128xf32>
    %get3A_39 = arith.constant 0 : index
    %get3A_40 = arith.constant 0 : index
    %get3A_41 = vector.load %arg5[%get3A_39, %get3A_40] : memref<128x128xf32, #tpu.memory_space<vmem>>, vector<128x128xf32>
    %dot_general3A = arith.constant dense<0.000000e+00> : vector<1024x128xf32>
    %dot_general3A_42 = tpu.matmul %logistic3A_38, %get3A_41, %dot_general3A {dimension_numbers = #tpu.dot_dimension_numbers<[1], [0], [0], [1], [0, 0, 1, 1], [], []>, transpose_lhs_hint = false} : vector<1024x128xf32>, vector<128x128xf32>, vector<1024x128xf32> -> vector<1024x128xf32>
    %swap3A = arith.constant 0 : index
    %swap3A_43 = arith.constant 0 : index
    %swap3A_44 = vector.load %arg6[%swap3A, %swap3A_43] : memref<1024x128xf32, #tpu.memory_space<vmem>>, vector<1024x128xf32>
    tpu.vector_store %arg6[%swap3A, %swap3A_43], %dot_general3A_42 {strides = array<i32>} : memref<1024x128xf32, #tpu.memory_space<vmem>>, vector<1024x128xf32>,
    %broadcast_in_dim3A_45 = vector.shape_cast %rsqrt3A : vector<1024xf32> to vector<1024x1xf32>
    %mul3A_46 = vector.broadcast %broadcast_in_dim3A_45 : vector<1024x1xf32> to vector<1024x128xf32>
    %mul3A_47 = arith.mulf %dot_general3A_42, %mul3A_46 : vector<1024x128xf32>
    %swap3A_48 = arith.constant 0 : index
    %swap3A_49 = arith.constant 0 : index
    %swap3A_50 = vector.load %arg7[%swap3A_48, %swap3A_49] : memref<1024x128xf32, #tpu.memory_space<vmem>>, vector<1024x128xf32>
    tpu.vector_store %arg7[%swap3A_48, %swap3A_49], %mul3A_47 {strides = array<i32>} : memref<1024x128xf32, #tpu.memory_space<vmem>>, vector<1024x128xf32>,
    return
  }
  func.func @transform_0(%arg0: i32) -> (i32, i32, i32) {
    %c0_i32 = arith.constant 0 : i32
    %c0_i32_0 = arith.constant 0 : i32
    %c0_i32_1 = arith.constant 0 : i32
    return %c0_i32, %arg0, %c0_i32_0 : i32, i32, i32
  }
  func.func @transform_1(%arg0: i32) -> (i32, i32) {
    %c0_i32 = arith.constant 0 : i32
    %c0_i32_0 = arith.constant 0 : i32
    return %arg0, %c0_i32 : i32, i32
  }
  func.func @transform_2(%arg0: i32) -> (i32, i32) {
    %c0_i32 = arith.constant 0 : i32
    %c0_i32_0 = arith.constant 0 : i32
    %c0_i32_1 = arith.constant 0 : i32
    return %c0_i32, %c0_i32_0 : i32, i32
  }
  func.func @transform_3(%arg0: i32) -> (i32, i32, i32) {
    %c0_i32 = arith.constant 0 : i32
    %c0_i32_0 = arith.constant 0 : i32
    %c0_i32_1 = arith.constant 0 : i32
    return %c0_i32, %arg0, %c0_i32_0 : i32, i32, i32
  }
  func.func @transform_4(%arg0: i32) -> (i32, i32) {
    %c0_i32 = arith.constant 0 : i32
    %c0_i32_0 = arith.constant 0 : i32
    %c0_i32_1 = arith.constant 0 : i32
    return %c0_i32, %c0_i32_0 : i32, i32
  }
  func.func @transform_5(%arg0: i32) -> (i32, i32) {
    %c0_i32 = arith.constant 0 : i32
    %c0_i32_0 = arith.constant 0 : i32
    return %arg0, %c0_i32 : i32, i32
  }
  func.func @transform_6(%arg0: i32) -> (i32, i32) {
    %c0_i32 = arith.constant 0 : i32
    %c0_i32_0 = arith.constant 0 : i32
    return %arg0, %c0_i32 : i32, i32
  }
}

module attributes {stable_mosaic.version = 14 : i64} {
  func.func @_fin_body(%arg0: i32, %arg1: memref<2x1024x128xf32, #tpu.memory_space<vmem>>, %arg2: memref<1024x128xf32, #tpu.memory_space<vmem>>, %arg3: memref<1x128xf32, #tpu.memory_space<vmem>>, %arg4: memref<2x1024x128xf32, #tpu.memory_space<vmem>>, %arg5: memref<1024x128xf32, #tpu.memory_space<vmem>>) attributes {dimension_semantics = [#tpu.dimension_semantics<arbitrary>], iteration_bounds = array<i64: 10>, scalar_prefetch = 0 : i64, scratch_operands = 0 : i64, tpu.core_type = #tpu.core_type<tc>, window_params = [{transform_indices = @transform_0, window_bounds = array<i64: 2, 1024, 128>}, {transform_indices = @transform_1, window_bounds = array<i64: 1024, 128>}, {pipeline_mode = #tpu.pipeline_mode<synchronous>, transform_indices = @transform_2, window_bounds = array<i64: 1, 128>}, {transform_indices = @transform_3, window_bounds = array<i64: 2, 1024, 128>}, {transform_indices = @transform_4, window_bounds = array<i64: 1024, 128>}]} {
    %get3A = arith.constant 0 : index
    %get3A_0 = arith.constant 0 : index
    %get3A_1 = arith.constant 0 : index
    %get3A_2 = vector.load %arg4[%get3A, %get3A_0, %get3A_1] : memref<2x1024x128xf32, #tpu.memory_space<vmem>>, vector<2x1024x128xf32>
    %slice3A = vector.extract_strided_slice %get3A_2 {offsets = [0, 0, 0], sizes = [1, 1024, 1], strides = [1, 1, 1]} : vector<2x1024x128xf32> to vector<1x1024x1xf32>
    %squeeze3A = vector.shape_cast %slice3A : vector<1x1024x1xf32> to vector<1024xf32>
    %add3A = arith.constant 1.000000e+00 : f32
    %add3A_3 = vector.broadcast %add3A : f32 to vector<1024xf32>
    %add3A_4 = arith.addf %add3A_3, %squeeze3A : vector<1024xf32>
    %slice3A_5 = vector.extract_strided_slice %get3A_2 {offsets = [1, 0, 0], sizes = [1, 1024, 1], strides = [1, 1, 1]} : vector<2x1024x128xf32> to vector<1x1024x1xf32>
    %squeeze3A_6 = vector.shape_cast %slice3A_5 : vector<1x1024x1xf32> to vector<1024xf32>
    %add3A_7 = arith.addf %add3A_4, %squeeze3A_6 : vector<1024xf32>
    %rsqrt3A = math.rsqrt %add3A_7 : vector<1024xf32>
    %div3A = arith.constant 1.000000e+00 : f32
    %div3A_8 = vector.broadcast %div3A : f32 to vector<1024xf32>
    %div3A_9 = arith.divf %div3A_8, %add3A_7 : vector<1024xf32>
    %get3A_10 = arith.constant 0 : index
    %get3A_11 = arith.constant 0 : index
    %get3A_12 = arith.constant 0 : index
    %get3A_13 = vector.load %arg1[%get3A_10, %get3A_11, %get3A_12] : memref<2x1024x128xf32, #tpu.memory_space<vmem>>, vector<1x1024x128xf32>
    %get3A_14 = vector.shape_cast %get3A_13 : vector<1x1024x128xf32> to vector<1024x128xf32>
    %get3A_15 = arith.constant 1 : index
    %get3A_16 = arith.constant 0 : index
    %get3A_17 = arith.constant 0 : index
    %get3A_18 = vector.load %arg1[%get3A_15, %get3A_16, %get3A_17] : memref<2x1024x128xf32, #tpu.memory_space<vmem>>, vector<1x1024x128xf32>
    %get3A_19 = vector.shape_cast %get3A_18 : vector<1x1024x128xf32> to vector<1024x128xf32>
    %add3A_20 = arith.addf %get3A_14, %get3A_19 : vector<1024x128xf32>
    %broadcast_in_dim3A = vector.shape_cast %rsqrt3A : vector<1024xf32> to vector<1024x1xf32>
    %mul3A = vector.broadcast %broadcast_in_dim3A : vector<1024x1xf32> to vector<1024x128xf32>
    %mul3A_21 = arith.mulf %add3A_20, %mul3A : vector<1024x128xf32>
    %get3A_22 = arith.constant 0 : index
    %get3A_23 = arith.constant 0 : index
    %get3A_24 = vector.load %arg2[%get3A_22, %get3A_23] : memref<1024x128xf32, #tpu.memory_space<vmem>>, vector<1024x128xf32>
    %broadcast_in_dim3A_25 = vector.shape_cast %div3A_9 : vector<1024xf32> to vector<1024x1xf32>
    %mul3A_26 = vector.broadcast %broadcast_in_dim3A_25 : vector<1024x1xf32> to vector<1024x128xf32>
    %mul3A_27 = arith.mulf %get3A_24, %mul3A_26 : vector<1024x128xf32>
    %add3A_28 = arith.addf %mul3A_21, %mul3A_27 : vector<1024x128xf32>
    %get3A_29 = arith.constant 0 : index
    %get3A_30 = arith.constant 0 : index
    %get3A_31 = vector.load %arg3[%get3A_29, %get3A_30] : memref<1x128xf32, #tpu.memory_space<vmem>>, vector<1x128xf32>
    %add3A_32 = vector.broadcast %get3A_31 : vector<1x128xf32> to vector<1024x128xf32>
    %add3A_33 = arith.addf %add3A_28, %add3A_32 : vector<1024x128xf32>
    %swap3A = arith.constant 0 : index
    %swap3A_34 = arith.constant 0 : index
    %swap3A_35 = vector.load %arg5[%swap3A, %swap3A_34] : memref<1024x128xf32, #tpu.memory_space<vmem>>, vector<1024x128xf32>
    tpu.vector_store %arg5[%swap3A, %swap3A_34], %add3A_33 {strides = array<i32>} : memref<1024x128xf32, #tpu.memory_space<vmem>>, vector<1024x128xf32>,
    return
  }
  func.func @transform_0(%arg0: i32) -> (i32, i32, i32) {
    %c0_i32 = arith.constant 0 : i32
    %c0_i32_0 = arith.constant 0 : i32
    %c0_i32_1 = arith.constant 0 : i32
    return %c0_i32, %arg0, %c0_i32_0 : i32, i32, i32
  }
  func.func @transform_1(%arg0: i32) -> (i32, i32) {
    %c0_i32 = arith.constant 0 : i32
    %c0_i32_0 = arith.constant 0 : i32
    return %arg0, %c0_i32 : i32, i32
  }
  func.func @transform_2(%arg0: i32) -> (i32, i32) {
    %c0_i32 = arith.constant 0 : i32
    %c0_i32_0 = arith.constant 0 : i32
    %c0_i32_1 = arith.constant 0 : i32
    return %c0_i32, %c0_i32_0 : i32, i32
  }
  func.func @transform_3(%arg0: i32) -> (i32, i32, i32) {
    %c0_i32 = arith.constant 0 : i32
    %c0_i32_0 = arith.constant 0 : i32
    %c0_i32_1 = arith.constant 0 : i32
    return %c0_i32, %arg0, %c0_i32_0 : i32, i32, i32
  }
  func.func @transform_4(%arg0: i32) -> (i32, i32) {
    %c0_i32 = arith.constant 0 : i32
    %c0_i32_0 = arith.constant 0 : i32
    return %arg0, %c0_i32 : i32, i32
  }
}

</mosaic_0001>

<sc_bundles>
// kernel: kernel.10.cloned.1.call-start
scs
__scs_entry_jumppad:
0x0: {  	(pc) =	sbr.rel $0x88, $3  }
0x1: {  	(tag) =	ssettag $0x0;
	lr =	simm.s32 $0x1  }
0x2: {  	[smem:$0x3F99] =	sst lr;
	_ =	strace $0xD0000000  }
0x3: {  	_ = 	snop  }
0x4: {  	_ = 	snop  }
0x5: {  	_ = 	snop  }
0x6: {  	_ = 	snop  }
0x7: {  	_ = 	snop  }
__scs_overlays_trampoline_lowered:
0x8: {  	[smem:$0x3FA8] =	sst s0  }
0x9: {  	[smem:$0x3FA9] =	sst s1  }
0xa: {  	[smem:$0x3FAA] =	sst s2  }
0xb: {  	[smem:$0x3FAB] =	sst s3  }
0xc: {  	[smem:$0x3FAC] =	sst s4  }
0xd: {  	[smem:$0x3FAD] =	sst s5  }
0xe: {  	[smem:$0x3FAE] =	sst s6  }
0xf: {  	[smem:$0x3FAF] =	sst s7  }
0x10: {  	[smem:$0x3FB0] =	sst s8  }
0x11: {  	[smem:$0x3FB1] =	sst s9;
	s0 =	simm.s32 @!p0 $0x0  }
0x12: {  	s1 =	sld [smem:$0x3F97];
	s0 =	simm.s32 @p0 $0x1  }
0x13: {  	[smem:$0x3FB2] =	sst s0;
	s0 =	simm.s32 @!p1 $0x0  }
0x14: {  	s2 =	sld [smem:$0x3F96];
	s0 =	simm.s32 @p1 $0x1  }
0x15: {  	[smem:$0x3FB3] =	sst s0;
	s0 =	simm.s32 @!p2 $0x0  }
0x16: {  	s3 =	sld [smem:$0x3FDB];
	s0 =	simm.s32 @p2 $0x1  }
0x17: {  	s4 =	simm.s32 $0x1BF5;
	[smem:$0x3FB5] =	sst s0  }
0x18: {  	s0 =	sld [smem:$0x3F98];
	_ =	swait.ge [sflag:s4], $0x0  }
0x19: {  	s7 =	sld [smem:$0x3F99]  }
0x1a: {  	s8 =	sadd.s32 $0xFFFFE003, lr  }
0x1b: {  	s9 =	sadd.s32 $0xFFFFFEF7, lr;
	s5 =	simm.s32 $0xFFFFFFFF;
	p2 =	slt.u32 s8, $0xFFFFF086  }
0x1c: {  	p1 =	slt.u32 s9, $0xF7A;
	s5 =	simm.s32 @!p2 $0x0  }
0x1d: {  	s5 =	simm.s32 @p1 $0x1;
	p0 =	seq.s32 s7, s2  }
0x1e: {  	s7 =	smul.u32 @!p0 $0xF7A, s2;
	p2 =	seq.s32 @!p0 s5, $0x0  }
0x1f: {  	s9 =	smul.u32 $0xF7A, s1;
	s8 =	simm.s32 @!p0 $0x1BF5;
	p2 =	por !p2, p0  }
0x20: {  	[sflag:s8] =	ssyncset.s32 @!p0 $0xFFFFF086;
	s6 =	sadd.s32 @!p0 s3, s7;
	s7 =	simm.s32 @!p0 $0x108  }
0x21: {  	s3 =	sadd.s32 s3, s9;
	s6 =	sadd.s32 @!p0 $0x88, s6;
	s7 =	simm.s32 @p2 $0x1082  }
0x22: {  	[simem:s7], [sflag:s8] =	dma.local @!p0 [hbm:s6], $0xF7A  }
0x23: {  	s9 =	sor.u32 $0xD0000000, s2;
	s6 =	simm.s32 $0x108;
	_ =	swait.ge @!p0 [sflag:s8], $0x0  }
0x24: {  	s3 =	sadd.s32 $0x88, s3;
	s6 =	simm.s32 @!p1 $0x1082;
	[sflag:s4] =	ssyncset.s32 $0xFFFFF086  }
0x25: {  	[simem:s6], [sflag:s4] =	dma.local [hbm:s3], $0xF7A  }
0x26: {  	[smem:$0x3F99] =	sst s1;
	(tag) =	ssettag s2;
	_ =	strace s9  }
0x27: {  	s1 =	sld [smem:$0x3FA9]  }
0x28: {  	s2 =	sld [smem:$0x3FAA]  }
0x29: {  	s4 =	sld [smem:$0x3FAC]  }
0x2a: {  	p0 =	seq.s32 s5, $0x0;
	s5 =	sld [smem:$0x3FAD]  }
0x2b: {  	s6 =	sld [smem:$0x3FAE]  }
0x2c: {  	s7 =	sld [smem:$0x3FAF]  }
0x2d: {  	s3 =	simm.s32 $0x108;
	s8 =	sld [smem:$0x3FB0]  }
0x2e: {  	s3 =	simm.s32 @!p0 $0x1082;
	s9 =	sld [smem:$0x3FB1]  }
0x2f: {  	lr =	sadd.s32 s0, s3;
	s0 =	sld [smem:$0x3FA8]  }
0x30: {  	s3 =	sld [smem:$0x3FAB]  }
0x31: {  	[smem:$0x3FB4] =	sst s10  }
0x32: {  	s10 =	sld [smem:$0x3FB2];
	_ =	sdelay $0x3  }
0x33: {  	p0 =	seq.s32 s10, $0x1;
	s10 =	sld [smem:$0x3FB4];
	_ =	sdelay $0x3  }
0x34: {  	[smem:$0x3FB4] =	sst s10  }
0x35: {  	s10 =	sld [smem:$0x3FB3];
	_ =	sdelay $0x3  }
0x36: {  	p1 =	seq.s32 s10, $0x1;
	s10 =	sld [smem:$0x3FB4];
	_ =	sdelay $0x3  }
0x37: {  	[smem:$0x3FB4] =	sst s10  }
0x38: {  	s10 =	sld [smem:$0x3FB5]  }
0x39: {  	_ = 	snop;
	(pc) =	sbr.ind lr, $3  }
0x3a: {  	_ = 	snop  }
0x3b: {  	_ = 	snop  }
0x3c: {  	p2 =	seq.s32 s10, $0x1;
	s10 =	sld [smem:$0x3FB4]  }
0x3d: {  	_ =	shalt  }
0x3e: {  	_ =	shalt  }
0x3f: {  	_ =	shalt  }
0x40: {  	_ =	shalt  }
0x41: {  	_ =	shalt  }
0x42: {  	_ =	shalt  }
0x43: {  	_ =	shalt  }
0x44: {  	_ =	shalt  }
0x45: {  	_ =	shalt  }
0x46: {  	_ =	shalt  }
0x47: {  	_ =	shalt  }
0x48: {  	_ =	shalt  }
0x49: {  	_ =	shalt  }
0x4a: {  	_ =	shalt  }
0x4b: {  	_ =	shalt  }
0x4c: {  	_ =	shalt  }
0x4d: {  	_ =	shalt  }
0x4e: {  	_ =	shalt  }
0x4f: {  	_ =	shalt  }
0x50: {  	_ =	shalt  }
0x51: {  	_ =	shalt  }
0x52: {  	_ =	shalt  }
0x53: {  	_ =	shalt  }
0x54: {  	_ =	shalt  }
0x55: {  	_ =	shalt  }
0x56: {  	_ =	shalt  }
0x57: {  	_ =	shalt  }
0x58: {  	_ =	shalt  }
0x59: {  	_ =	shalt  }
0x5a: {  	_ =	shalt  }
0x5b: {  	_ =	shalt  }
0x5c: {  	_ =	shalt  }
0x5d: {  	_ =	shalt  }
0x5e: {  	_ =	shalt  }
0x5f: {  	_ =	shalt  }
0x60: {  	_ =	shalt  }
0x61: {  	_ =	shalt  }
0x62: {  	_ =	shalt  }
0x63: {  	_ =	shalt  }
0x64: {  	_ =	shalt  }
0x65: {  	_ =	shalt  }
0x66: {  	_ =	shalt  }
0x67: {  	_ =	shalt  }
0x68: {  	_ =	shalt  }
0x69: {  	_ =	shalt  }
0x6a: {  	_ =	shalt  }
0x6b: {  	_ =	shalt  }
0x6c: {  	_ =	shalt  }
0x6d: {  	_ =	shalt  }
0x6e: {  	_ =	shalt  }
0x6f: {  	_ =	shalt  }
0x70: {  	_ =	shalt  }
0x71: {  	_ =	shalt  }
0x72: {  	_ =	shalt  }
0x73: {  	_ =	shalt  }
0x74: {  	_ =	shalt  }
0x75: {  	_ =	shalt  }
0x76: {  	_ =	shalt  }
0x77: {  	_ =	shalt  }
0x78: {  	_ =	shalt  }
0x79: {  	_ =	shalt  }
0x7a: {  	_ =	shalt  }
0x7b: {  	_ =	shalt  }
0x7c: {  	_ =	shalt  }
0x7d: {  	_ =	shalt  }
0x7e: {  	_ =	shalt  }
0x7f: {  	_ =	shalt  }
0x80: {  	_ =	shalt  }
0x81: {  	_ =	shalt  }
0x82: {  	_ =	shalt  }
0x83: {  	_ =	shalt  }
0x84: {  	_ =	shalt  }
0x85: {  	_ =	shalt  }
0x86: {  	_ =	shalt  }
0x87: {  	_ =	shalt  }
.Lfunc_end0:
.L_simem_size_0:
called_computation_lowered:
.L_overlay_start_0:
0x88: {  	s2 =	sld [smem:$0x3FD9]  }
0x89: {  	s3 =	sld [smem:$0x3FFE];
	_ =	sdelay $0x1  }
0x8a: {  	s1 =	srdreg.scid  }
0x8b: {  	s0 =	sand.u32 $0x1, s1  }
0x8c: {  	s17 =	sshll.u32 s0, $0xA;
	s2 =	sadd.s32 s3, s2  }
0x8d: {  	s2 =	sadd.s32 s2, s17  }
0x8e: {  	[smem:$0x3FC0] =	sst s2  }
0x8f: {  	_ = 	snop  }
0x90: {  	s2 =	sld [smem:$0x3FD0];
	(tm) =	ssettm $0x1  }
0x91: {  	s18 =	sld [smem:$0x3FFB];
	_ =	sdelay $0x3  }
0x92: {  	_ =	strace s18  }
0x93: {  	s3 =	sld [smem:$0x3FFC];
	_ =	sdelay $0x3  }
0x94: {  	_ =	strace s3  }
0x95: {  	s3 =	sld [smem:$0x3FFD];
	_ =	sdelay $0x3  }
0x96: {  	_ =	strace s3  }
0x97: {  	_ =	strace $0x8FFFFFFF  }
0x98: {  	s19 =	sld [smem:$0x3FDB];
	_ =	sdelay $0x1  }
0x99: {  	s4 =	simm.s32 $_scs_section_size  }
0x9a: {  	s5 =	simm.s32 $_size__tile_overlayer_lowered;
	s6 =	simm.s32 $_tile_overlayer_lowered  }
0x9b: {  	s22 =	simm.s32 $0x1BFF;
	s21 =	sshll.u32 s6, $0x1;
	s3 =	sadd.s32 s4, s19  }
0x9c: {  	s7 =	simm.s32 $0x0;
	s20 =	sshll.u32 s5, $0x1;
	s5 =	sadd.s32 s21, s3  }
0x9d: {  	[timem:s7], [sflag:s22] =	dma.local [hbm:s5], s20  }
0x9e: {  	_ =	swait.ge [sflag:s22], s20  }
0x9f: {  	s4 =	ssub.s32 $0x0, s20;
	[sflag:s22] =	ssyncset.done $0x0  }
0xa0: {  	[sflag:s22] =	ssyncadd.s32 s4;
	_ =	sdelay $0x1  }
0xa1: {  	s23 =	simm.s32 $0x1B8B  }
0xa2: {  	_ =	swait.ge [sflag:s23], $0x1  }
0xa3: {  	[sflag:s23] =	ssyncset.done $0x0  }
0xa4: {  	s25 =	simm.s32 $0x1B8E;
	s24 =	sld [smem:$0x3FFE];
	[sflag:s23] =	ssyncadd.s32 $0xFFFFFFFF  }
0xa5: {  	s26 =	simm.s32 $execute0_lowered;
	[smem:$0x3FD2] =	sst s25  }
0xa6: {  	s5 =	sshll.u32 s26, $0x1;
	_ =	strace $0x80000046;
	[dreg:$0x1] =	wrdreg $0xFFFFFFFF  }
0xa7: {  	s28 =	simm.s32 $_size_execute0_lowered;
	s3 =	sadd.s32 s3, s5;
	[dreg:$0x0] =	wrdreg $0x0  }
0xa8: {  	s5 =	sshll.u32 s28, $0x1;
	[dreg:$0x2] =	wrdreg s3  }
0xa9: {  	[dreg:$0x3] =	wrdreg s5  }
0xaa: {  	[dreg:$0x4] =	wrdreg $0xC0  }
0xab: {  	_ =	task [dreg:s7], $0x5FFFF  }
0xac: {  	[dreg:$0x1] =	wrdreg $0xFFFFFFFF  }
0xad: {  	[dreg:$0x0] =	wrdreg $0x60  }
0xae: {  	[dreg:$0x2] =	wrdreg s2  }
0xaf: {  	[dreg:$0x3] =	wrdreg s24  }
0xb0: {  	[dreg:$0x4] =	wrdreg $0x68000  }
0xb1: {  	[dreg:$0x5] =	wrdreg $0x9  }
0xb2: {  	_ =	task.clear_ibuf [dreg:s7], $0x6FFFF;
	_ =	strace $0x90000046  }
0xb3: {  	s29 =	simm.s32 $0x9;
	_ =	strace $0x80000048  }
0xb4: {  	_ =	swait.ge [sflag:s29], $0x1  }
0xb5: {  	[sflag:s29] =	ssyncadd.s32 $0xFFFFFFFF  }
0xb6: {  	_ =	strace $0x90000048  }
0xb7: {  	_ =	sfence  }
0xb8: {  	s30 =	sld [smem:$0x0];
	_ =	sdelay $0x2  }
0xb9: {  	s31 =	sshll.u32 s1, $0xD;
	s1 =	sshrl.u32 s1, $0x2  }
0xba: {  	s3 =	sand.u32 $0x4000, s31;
	s1 =	sadd.s32 s1, s30  }
0xbb: {  	s0 =	sor.u32 s3, s0;
	s1 =	sshll.u32 s1, $0x11  }
0xbc: {  	s0 =	sor.u32 s1, s0  }
0xbd: {  	s0 =	sadd.s32 $0x8F2B, s0  }
0xbe: {  	[sflag:s0] =	ssyncadd.remote.s32 $0x1  }
0xbf: {  	_ =	sfence.sel $0xFFFF  }
0xc0: {  	[dreg:$0x0] =	wrdreg $0xFFFFFFFF;
	(pc) =	sbr.abs _section_cstart, $3  }
0xc1: {  	[dreg:$0x1] =	wrdreg $0xFFFFFFFF  }
0xc2: {  	_ =	task.clear_ibuf [dreg:s7], $0x2FFFF;
	_ =	strace $0x9FFFFFFF  }
0xc3: {  	(tm) =	ssettm $0x7FFFFFFF  }
tec
execute0_lowered:
.L_overlay_start_1:
0x0: {  	(tag) =	ssettag $0x1  }
0x1: {  	s7 =	rddreg [dreg:$0x0]  }
0x2: {  	s6 =	rddreg [dreg:$0x1]  }
0x3: {  	s1 =	rddreg [dreg:$0x2]  }
0x4: {  	s2 =	srdreg.scid;
	s0 =	rddreg [dreg:$0x3];
	s3 =	simm.s32 $0x0  }
0x5: {  	s12 =	simm.s32 $0x2800;
	s13 =	simm.s32 $0x80;
	s8 =	sand.u32 $0x1, s2  }
0x6: {  	s14 =	simm.s32 $0x0;
	s2 =	stileid.u32;
	s9 =	smul.u32 $0x140000, s8  }
0x7: {  	[smem:$0x7FF] =	sst s3;
	s4 =	sadd.s32 $0xCC00, s6;
	s10 =	smul.u32 $0x14000, s2  }
0x8: {  	s5 =	sadd.s32 $0xD400, s6;
	_ =	strace $0x80000047;
	s26 =	smul.u32 $0x50000, s2  }
0x9: {  	s11 =	sshll.u32 s8, $0x4;
	s28 =	ssub.s32 $0x2, s8;
	s31 =	sshll.u32 s2, $0x6  }
0xa: {  	s29 =	sor.u32 s2, s11;
	s30 =	sshrl.u32 s28, $0x1;
	s9 =	sadd.s32 s10, s9  }
0xb: {  	s10 =	sshrl.u32 s26, $0x2;
	s8 =	smul.u32 $0x500, s29;
	s9 =	sshrl.u32 s9, $0x3  }
0xc: {  	s11 =	ssub.s32 s28, s30;
	s10 =	sadd.s32 s10, s1;
	s9 =	sadd.s32 s9, s6  }
0xd: {  	s6 =	sor.u32 $0x1C01, s31;
	s7 =	sadd.s32 s7, s8;
	s10 =	sshrl.u32 s10, $0x3  }
0xe: {  	s8 =	sadd.s32 $0xFC00, s9;
	s9 =	smax.u32 s11, $0x1;
	s11 =	simm.s32 $0x1  }
.LBB2_1:
0xf: {  	[spmem:s10], [sflag:s6] =	dma.local [hbm:s5], $0x2800  }
0x10: {  	_ =	swait.ge [sflag:s11], $0x2800  }
0x11: {  	[sflag:s11] =	ssyncset.done $0x0  }
0x12: {  	[sflag:s11] =	ssyncadd.s32 $0xFFFFD800  }
0x13: {  	[tilespmem:s12], [sflag:$0x1] =	stream.linear.gather [hbm4b:s4+s3], $0x4000, $0x38;
	[tilespmem:$0x1A800] =	vst v63  }
0x14: {  	_ =	swait.ge [sflag:s11], $0x4000  }
0x15: {  	[sflag:s11] =	ssyncset.done $0x0  }
0x16: {  	[sflag:s11] =	ssyncadd.s32 $0xFFFFC000  }
0x17: {  	[tilespmem:s3], [sflag:$0x1] =	stream.linear.gather [hbm4b:s7+s3], $0x2800, $0x38;
	[tilespmem:$0x1A800] =	vst v63  }
0x18: {  	_ =	swait.ge [sflag:s11], $0x2800  }
0x19: {  	[sflag:s11] =	ssyncset.done $0x0  }
0x1a: {  	[sflag:s11] =	ssyncadd.s32 $0xFFFFD800  }
0x1b: {  	s15 =	simm.s32 $0x0;
	[bflag:$0x0] =	sbarrier.arrive $0xFFFF  }
0x1c: {  	[spmem:s1] =	stream.indirect.scatter.add.f32 [tilespmem:s12], [sflag:$0x1], $0x80, s15, s13, $0xb8;
	[tilespmem:$0x1A800] =	vst v63  }
0x1d: {  	_ =	swait.ge [sflag:s11], $0x4000  }
0x1e: {  	s15 =	simm.s32 $0x200;
	[sflag:s11] =	ssyncset.done $0x0  }
.LBB2_2:
0x1f: {  	s16 =	sshra.s32 s15, $0x2;
	[sflag:s11] =	ssyncadd.s32 $0xFFFFC000;
	p0 =	sne.s32 s15, $0x9E00  }
0x20: {  	[spmem:s1] =	stream.indirect.scatter.add.f32 [tilespmem:s12], [sflag:$0x1], $0x80, s16, s13, $0xb8;
	[tilespmem:$0x1A800] =	vst v63  }
.Ltmp0:
0x21: {  	_ = 	snop;
	(pc) =	sbr.rel @p0 .LBB2_2-.Ltmp0, $4  }
0x22: {  	_ = 	snop  }
0x23: {  	s15 =	sadd.s32 $0x200, s15  }
0x24: {  	_ =	swait.ge [sflag:s11], $0x4000  }
0x25: {  	[sflag:s11] =	ssyncset.done $0x0  }
0x26: {  	s14 =	sadd.s32 $0x1, s14  }
0x27: {  	[sflag:s11] =	ssyncadd.s32 $0xFFFFC000;
	p0 =	sne.s32 s14, s9  }
.Ltmp1:
0x28: {  	[bflag:$0x0] =	sbarrier.arrive $0xFFFF;
	(pc) =	sbr.rel @p0 .LBB2_1-.Ltmp1, $4  }
0x29: {  	[hbm:s8], [sflag:s6] =	dma.local [spmem:s10], $0x2800  }
0x2a: {  	_ =	swait.ge [sflag:s11], $0x2800  }
0x2b: {  	[sflag:s11] =	ssyncset.done $0x0  }
0x2c: {  	[sflag:s11] =	ssyncadd.s32 $0xFFFFD800  }
0x2d: {  	_ =	sfence.sel $0x180000  }
0x2e: {  	[bflag:$0x0] =	sbarrier.arrive $0xFFFF  }
0x2f: {  	p0 =	sne.s32 s2, $0x0;
	_ =	strace $0x90000047  }
0x30: {  	s0 =	sadd.s32 @!p0 $0x100000, s0;
	[bflag:$0x2] =	sbarrier.arrive $0xFFFF  }
0x31: {  	[sflag:s0] =	ssyncadd.tile.s32 @!p0 $0x1;
	_ =	shalt  }
.Lfunc_end2:
_tile_overlayer_lowered:
.L_overlay_start_2:
0x32: {  	(tag) =	ssettag $0x2  }
0x33: {  	s0 =	rddreg [dreg:$0x0];
	s2 =	stileid.u32  }
0x34: {  	s1 =	rddreg [dreg:$0x1];
	p0 =	sne.s32 s2, $0x0  }
0x35: {  	s3 =	rddreg [dreg:$0x2];
	[bflag:$0x3] =	sbarrier.arrive $0xFFFF;
	s2 =	simm.s32 @!p0 $0x1C01  }
0x36: {  	[timem:s3], [sflag:s2] =	dma.local @!p0 [hbm:s0], s1  }
0x37: {  	s0 =	simm.s32 @!p0 $0x1  }
0x38: {  	_ =	swait.ge @!p0 [sflag:s0], s1  }
0x39: {  	s1 =	ssub.s32 @!p0 $0x0, s1;
	[sflag:s0] =	ssyncset.done @!p0 $0x0  }
0x3a: {  	[sflag:s0] =	ssyncadd.s32 @!p0 s1  }
0x3b: {  	[bflag:$0x3] =	sbarrier.arrive $0xFFFF  }
0x3c: {  	_ =	shalt  }

// kernel: kernel.13.cloned.1.call-start
scs
__scs_entry_jumppad:
0x0: {  	(pc) =	sbr.rel $0x88, $3  }
0x1: {  	(tag) =	ssettag $0x0;
	lr =	simm.s32 $0x1  }
0x2: {  	[smem:$0x3F99] =	sst lr;
	_ =	strace $0xD0000000  }
0x3: {  	_ = 	snop  }
0x4: {  	_ = 	snop  }
0x5: {  	_ = 	snop  }
0x6: {  	_ = 	snop  }
0x7: {  	_ = 	snop  }
__scs_overlays_trampoline_lowered:
0x8: {  	[smem:$0x3FA8] =	sst s0  }
0x9: {  	[smem:$0x3FA9] =	sst s1  }
0xa: {  	[smem:$0x3FAA] =	sst s2  }
0xb: {  	[smem:$0x3FAB] =	sst s3  }
0xc: {  	[smem:$0x3FAC] =	sst s4  }
0xd: {  	[smem:$0x3FAD] =	sst s5  }
0xe: {  	[smem:$0x3FAE] =	sst s6  }
0xf: {  	[smem:$0x3FAF] =	sst s7  }
0x10: {  	[smem:$0x3FB0] =	sst s8  }
0x11: {  	[smem:$0x3FB1] =	sst s9;
	s0 =	simm.s32 @!p0 $0x0  }
0x12: {  	s1 =	sld [smem:$0x3F97];
	s0 =	simm.s32 @p0 $0x1  }
0x13: {  	[smem:$0x3FB2] =	sst s0;
	s0 =	simm.s32 @!p1 $0x0  }
0x14: {  	s2 =	sld [smem:$0x3F96];
	s0 =	simm.s32 @p1 $0x1  }
0x15: {  	[smem:$0x3FB3] =	sst s0;
	s0 =	simm.s32 @!p2 $0x0  }
0x16: {  	s3 =	sld [smem:$0x3FDB];
	s0 =	simm.s32 @p2 $0x1  }
0x17: {  	s4 =	simm.s32 $0x1BF5;
	[smem:$0x3FB5] =	sst s0  }
0x18: {  	s0 =	sld [smem:$0x3F98];
	_ =	swait.ge [sflag:s4], $0x0  }
0x19: {  	s7 =	sld [smem:$0x3F99]  }
0x1a: {  	s8 =	sadd.s32 $0xFFFFE003, lr  }
0x1b: {  	s9 =	sadd.s32 $0xFFFFFEF7, lr;
	s5 =	simm.s32 $0xFFFFFFFF;
	p2 =	slt.u32 s8, $0xFFFFF086  }
0x1c: {  	p1 =	slt.u32 s9, $0xF7A;
	s5 =	simm.s32 @!p2 $0x0  }
0x1d: {  	s5 =	simm.s32 @p1 $0x1;
	p0 =	seq.s32 s7, s2  }
0x1e: {  	s7 =	smul.u32 @!p0 $0xF7A, s2;
	p2 =	seq.s32 @!p0 s5, $0x0  }
0x1f: {  	s9 =	smul.u32 $0xF7A, s1;
	s8 =	simm.s32 @!p0 $0x1BF5;
	p2 =	por !p2, p0  }
0x20: {  	[sflag:s8] =	ssyncset.s32 @!p0 $0xFFFFF086;
	s6 =	sadd.s32 @!p0 s3, s7;
	s7 =	simm.s32 @!p0 $0x108  }
0x21: {  	s3 =	sadd.s32 s3, s9;
	s6 =	sadd.s32 @!p0 $0x88, s6;
	s7 =	simm.s32 @p2 $0x1082  }
0x22: {  	[simem:s7], [sflag:s8] =	dma.local @!p0 [hbm:s6], $0xF7A  }
0x23: {  	s9 =	sor.u32 $0xD0000000, s2;
	s6 =	simm.s32 $0x108;
	_ =	swait.ge @!p0 [sflag:s8], $0x0  }
0x24: {  	s3 =	sadd.s32 $0x88, s3;
	s6 =	simm.s32 @!p1 $0x1082;
	[sflag:s4] =	ssyncset.s32 $0xFFFFF086  }
0x25: {  	[simem:s6], [sflag:s4] =	dma.local [hbm:s3], $0xF7A  }
0x26: {  	[smem:$0x3F99] =	sst s1;
	(tag) =	ssettag s2;
	_ =	strace s9  }
0x27: {  	s1 =	sld [smem:$0x3FA9]  }
0x28: {  	s2 =	sld [smem:$0x3FAA]  }
0x29: {  	s4 =	sld [smem:$0x3FAC]  }
0x2a: {  	p0 =	seq.s32 s5, $0x0;
	s5 =	sld [smem:$0x3FAD]  }
0x2b: {  	s6 =	sld [smem:$0x3FAE]  }
0x2c: {  	s7 =	sld [smem:$0x3FAF]  }
0x2d: {  	s3 =	simm.s32 $0x108;
	s8 =	sld [smem:$0x3FB0]  }
0x2e: {  	s3 =	simm.s32 @!p0 $0x1082;
	s9 =	sld [smem:$0x3FB1]  }
0x2f: {  	lr =	sadd.s32 s0, s3;
	s0 =	sld [smem:$0x3FA8]  }
0x30: {  	s3 =	sld [smem:$0x3FAB]  }
0x31: {  	[smem:$0x3FB4] =	sst s10  }
0x32: {  	s10 =	sld [smem:$0x3FB2];
	_ =	sdelay $0x3  }
0x33: {  	p0 =	seq.s32 s10, $0x1;
	s10 =	sld [smem:$0x3FB4];
	_ =	sdelay $0x3  }
0x34: {  	[smem:$0x3FB4] =	sst s10  }
0x35: {  	s10 =	sld [smem:$0x3FB3];
	_ =	sdelay $0x3  }
0x36: {  	p1 =	seq.s32 s10, $0x1;
	s10 =	sld [smem:$0x3FB4];
	_ =	sdelay $0x3  }
0x37: {  	[smem:$0x3FB4] =	sst s10  }
0x38: {  	s10 =	sld [smem:$0x3FB5]  }
0x39: {  	_ = 	snop;
	(pc) =	sbr.ind lr, $3  }
0x3a: {  	_ = 	snop  }
0x3b: {  	_ = 	snop  }
0x3c: {  	p2 =	seq.s32 s10, $0x1;
	s10 =	sld [smem:$0x3FB4]  }
0x3d: {  	_ =	shalt  }
0x3e: {  	_ =	shalt  }
0x3f: {  	_ =	shalt  }
0x40: {  	_ =	shalt  }
0x41: {  	_ =	shalt  }
0x42: {  	_ =	shalt  }
0x43: {  	_ =	shalt  }
0x44: {  	_ =	shalt  }
0x45: {  	_ =	shalt  }
0x46: {  	_ =	shalt  }
0x47: {  	_ =	shalt  }
0x48: {  	_ =	shalt  }
0x49: {  	_ =	shalt  }
0x4a: {  	_ =	shalt  }
0x4b: {  	_ =	shalt  }
0x4c: {  	_ =	shalt  }
0x4d: {  	_ =	shalt  }
0x4e: {  	_ =	shalt  }
0x4f: {  	_ =	shalt  }
0x50: {  	_ =	shalt  }
0x51: {  	_ =	shalt  }
0x52: {  	_ =	shalt  }
0x53: {  	_ =	shalt  }
0x54: {  	_ =	shalt  }
0x55: {  	_ =	shalt  }
0x56: {  	_ =	shalt  }
0x57: {  	_ =	shalt  }
0x58: {  	_ =	shalt  }
0x59: {  	_ =	shalt  }
0x5a: {  	_ =	shalt  }
0x5b: {  	_ =	shalt  }
0x5c: {  	_ =	shalt  }
0x5d: {  	_ =	shalt  }
0x5e: {  	_ =	shalt  }
0x5f: {  	_ =	shalt  }
0x60: {  	_ =	shalt  }
0x61: {  	_ =	shalt  }
0x62: {  	_ =	shalt  }
0x63: {  	_ =	shalt  }
0x64: {  	_ =	shalt  }
0x65: {  	_ =	shalt  }
0x66: {  	_ =	shalt  }
0x67: {  	_ =	shalt  }
0x68: {  	_ =	shalt  }
0x69: {  	_ =	shalt  }
0x6a: {  	_ =	shalt  }
0x6b: {  	_ =	shalt  }
0x6c: {  	_ =	shalt  }
0x6d: {  	_ =	shalt  }
0x6e: {  	_ =	shalt  }
0x6f: {  	_ =	shalt  }
0x70: {  	_ =	shalt  }
0x71: {  	_ =	shalt  }
0x72: {  	_ =	shalt  }
0x73: {  	_ =	shalt  }
0x74: {  	_ =	shalt  }
0x75: {  	_ =	shalt  }
0x76: {  	_ =	shalt  }
0x77: {  	_ =	shalt  }
0x78: {  	_ =	shalt  }
0x79: {  	_ =	shalt  }
0x7a: {  	_ =	shalt  }
0x7b: {  	_ =	shalt  }
0x7c: {  	_ =	shalt  }
0x7d: {  	_ =	shalt  }
0x7e: {  	_ =	shalt  }
0x7f: {  	_ =	shalt  }
0x80: {  	_ =	shalt  }
0x81: {  	_ =	shalt  }
0x82: {  	_ =	shalt  }
0x83: {  	_ =	shalt  }
0x84: {  	_ =	shalt  }
0x85: {  	_ =	shalt  }
0x86: {  	_ =	shalt  }
0x87: {  	_ =	shalt  }
.Lfunc_end0:
.L_simem_size_0:
called_computation.1_lowered:
.L_overlay_start_0:
0x88: {  	s2 =	sld [smem:$0x3FD9]  }
0x89: {  	s3 =	sld [smem:$0x3FFE];
	_ =	sdelay $0x1  }
0x8a: {  	s1 =	srdreg.scid  }
0x8b: {  	s0 =	sand.u32 $0x1, s1  }
0x8c: {  	s17 =	sshll.u32 s0, $0xA;
	s2 =	sadd.s32 s3, s2  }
0x8d: {  	s2 =	sadd.s32 s2, s17  }
0x8e: {  	[smem:$0x3FC0] =	sst s2  }
0x8f: {  	_ = 	snop  }
0x90: {  	s2 =	sld [smem:$0x3FD0];
	(tm) =	ssettm $0x1  }
0x91: {  	s18 =	sld [smem:$0x3FFB];
	_ =	sdelay $0x3  }
0x92: {  	_ =	strace s18  }
0x93: {  	s3 =	sld [smem:$0x3FFC];
	_ =	sdelay $0x3  }
0x94: {  	_ =	strace s3  }
0x95: {  	s3 =	sld [smem:$0x3FFD];
	_ =	sdelay $0x3  }
0x96: {  	_ =	strace s3  }
0x97: {  	_ =	strace $0x8FFFFFFF  }
0x98: {  	s19 =	sld [smem:$0x3FDB];
	_ =	sdelay $0x1  }
0x99: {  	s4 =	simm.s32 $_scs_section_size  }
0x9a: {  	s5 =	simm.s32 $_size__tile_overlayer_lowered;
	s6 =	simm.s32 $_tile_overlayer_lowered  }
0x9b: {  	s22 =	simm.s32 $0x1BFF;
	s21 =	sshll.u32 s6, $0x1;
	s3 =	sadd.s32 s4, s19  }
0x9c: {  	s7 =	simm.s32 $0x0;
	s20 =	sshll.u32 s5, $0x1;
	s5 =	sadd.s32 s21, s3  }
0x9d: {  	[timem:s7], [sflag:s22] =	dma.local [hbm:s5], s20  }
0x9e: {  	_ =	swait.ge [sflag:s22], s20  }
0x9f: {  	s4 =	ssub.s32 $0x0, s20;
	[sflag:s22] =	ssyncset.done $0x0  }
0xa0: {  	[sflag:s22] =	ssyncadd.s32 s4;
	_ =	sdelay $0x1  }
0xa1: {  	s23 =	simm.s32 $0x1B8B  }
0xa2: {  	_ =	swait.ge [sflag:s23], $0x1  }
0xa3: {  	[sflag:s23] =	ssyncset.done $0x0  }
0xa4: {  	s25 =	simm.s32 $0x1B8E;
	s24 =	sld [smem:$0x3FFE];
	[sflag:s23] =	ssyncadd.s32 $0xFFFFFFFF  }
0xa5: {  	s26 =	simm.s32 $execute0_lowered;
	[smem:$0x3FD2] =	sst s25  }
0xa6: {  	s5 =	sshll.u32 s26, $0x1;
	_ =	strace $0x80000049;
	[dreg:$0x1] =	wrdreg $0xFFFFFFFF  }
0xa7: {  	s28 =	simm.s32 $_size_execute0_lowered;
	s3 =	sadd.s32 s3, s5;
	[dreg:$0x0] =	wrdreg $0x0  }
0xa8: {  	s5 =	sshll.u32 s28, $0x1;
	[dreg:$0x2] =	wrdreg s3  }
0xa9: {  	[dreg:$0x3] =	wrdreg s5  }
0xaa: {  	[dreg:$0x4] =	wrdreg $0xC0  }
0xab: {  	_ =	task [dreg:s7], $0x5FFFF  }
0xac: {  	[dreg:$0x1] =	wrdreg $0xFFFFFFFF  }
0xad: {  	[dreg:$0x0] =	wrdreg $0x60  }
0xae: {  	[dreg:$0x2] =	wrdreg s24  }
0xaf: {  	[dreg:$0x3] =	wrdreg s2  }
0xb0: {  	[dreg:$0x4] =	wrdreg $0xA9000  }
0xb1: {  	[dreg:$0x5] =	wrdreg $0x9  }
0xb2: {  	_ =	task.clear_ibuf [dreg:s7], $0x6FFFF;
	_ =	strace $0x90000049  }
0xb3: {  	s29 =	simm.s32 $0x9;
	_ =	strace $0x8000004B  }
0xb4: {  	_ =	swait.ge [sflag:s29], $0x1  }
0xb5: {  	[sflag:s29] =	ssyncadd.s32 $0xFFFFFFFF  }
0xb6: {  	_ =	strace $0x9000004B  }
0xb7: {  	_ =	sfence  }
0xb8: {  	s30 =	sld [smem:$0x0];
	_ =	sdelay $0x2  }
0xb9: {  	s31 =	sshll.u32 s1, $0xD;
	s1 =	sshrl.u32 s1, $0x2  }
0xba: {  	s3 =	sand.u32 $0x4000, s31;
	s1 =	sadd.s32 s1, s30  }
0xbb: {  	s0 =	sor.u32 s3, s0;
	s1 =	sshll.u32 s1, $0x11  }
0xbc: {  	s0 =	sor.u32 s1, s0  }
0xbd: {  	s0 =	sadd.s32 $0x8F2B, s0  }
0xbe: {  	[sflag:s0] =	ssyncadd.remote.s32 $0x1  }
0xbf: {  	_ =	sfence.sel $0xFFFF  }
0xc0: {  	[dreg:$0x0] =	wrdreg $0xFFFFFFFF;
	(pc) =	sbr.abs _section_cstart, $3  }
0xc1: {  	[dreg:$0x1] =	wrdreg $0xFFFFFFFF  }
0xc2: {  	_ =	task.clear_ibuf [dreg:s7], $0x2FFFF;
	_ =	strace $0x9FFFFFFF  }
0xc3: {  	(tm) =	ssettm $0x7FFFFFFF  }
tec
execute0_lowered:
.L_overlay_start_1:
0x0: {  	(tag) =	ssettag $0x1  }
0x1: {  	s7 =	rddreg [dreg:$0x0]  }
0x2: {  	s9 =	rddreg [dreg:$0x1]  }
0x3: {  	s1 =	rddreg [dreg:$0x2];
	s2 =	simm.s32 $0x0  }
0x4: {  	s3 =	srdreg.scid;
	s0 =	stileid.u32;
	s18 =	simm.s32 $0x80  }
0x5: {  	s19 =	simm.s32 $0x2900;
	s20 =	simm.s32 $0x1;
	s21 =	simm.s32 $0x4  }
0x6: {  	s22 =	simm.s32 $0x6900;
	s23 =	simm.s32 $0x2;
	s24 =	simm.s32 $0x2800  }
0x7: {  	s25 =	simm.s32 $0x2880;
	s26 =	simm.s32 $0x0;
	[smem:$0x7FF] =	sst s2  }
0x8: {  	s8 =	sand.u32 $0x1, s3;
	s4 =	sadd.s32 $0x5FC00, s7;
	s11 =	smul.u32 $0x14000, s0  }
0x9: {  	s5 =	sadd.s32 $0x2C00, s7;
	s6 =	sadd.s32 $0xD400, s7;
	s14 =	smul.u32 $0x50000, s0  }
0xa: {  	s30 =	sshll.u32 s0, $0x6;
	s17 =	smul.u32 $0x500, s0;
	_ =	strace $0x8000004A  }
0xb: {  	s10 =	smul.u32 $0x140000, s8;
	s12 =	sshll.u32 s8, $0x4;
	s28 =	ssub.s32 $0x2, s8  }
0xc: {  	s31 =	smul.u32 $0x5000, s8;
	s8 =	sor.u32 $0x1C05, s30;
	s12 =	sor.u32 s0, s12  }
0xd: {  	s13 =	sshrl.u32 s28, $0x1;
	s29 =	sshrl.u32 s14, $0x2;
	s10 =	sadd.s32 s11, s10  }
0xe: {  	s12 =	smul.u32 $0x500, s12;
	s13 =	ssub.s32 s28, s13;
	s16 =	sadd.s32 s29, s1  }
0xf: {  	s10 =	sshrl.u32 s10, $0x3;
	s14 =	sshrl.u32 s16, $0x3;
	s16 =	simm.s32 $0x100  }
0x10: {  	s15 =	sadd.s32 s10, s7;
	s7 =	sadd.s32 s5, s12;
	s9 =	sadd.s32 s9, s12  }
0x11: {  	s12 =	smax.u32 s13, $0x1;
	s13 =	sadd.s32 s17, s31;
	s17 =	simm.s32 $0x3  }
0x12: {  	s10 =	sadd.s32 $0x10, s7;
	s11 =	sadd.s32 $0x87C00, s15;
	s15 =	simm.s32 $0x5  }
.LBB2_1:
0x13: {  	[tilespmem:s2], [sflag:$0x3] =	stream.linear.gather [hbm4b:s7+s2], $0x80, $0x38;
	[tilespmem:$0x1E900] =	vst v63  }
0x14: {  	[spmem:s14], [sflag:s8] =	dma.local [hbm:s6], $0x2800  }
0x15: {  	_ =	swait.ge [sflag:s15], $0x2800  }
0x16: {  	[sflag:s15] =	ssyncset.done $0x0  }
0x17: {  	[sflag:s15] =	ssyncadd.s32 $0xFFFFD800  }
0x18: {  	[tilespmem:s16], [sflag:$0x5] =	stream.linear.gather [hbm4b:s9+s2], $0x2800, $0x38;
	[tilespmem:$0x1E900] =	vst v63  }
0x19: {  	_ =	swait.ge [sflag:s15], $0x2800  }
0x1a: {  	[sflag:s15] =	ssyncset.done $0x0  }
0x1b: {  	[sflag:s15] =	ssyncadd.s32 $0xFFFFD800  }
0x1c: {  	[bflag:$0x0] =	sbarrier.arrive $0xFFFF  }
0x1d: {  	_ =	swait.ge [sflag:s17], $0x80  }
0x1e: {  	[sflag:s17] =	ssyncset.done $0x0  }
0x1f: {  	[sflag:s17] =	ssyncadd.s32 $0xFFFFFF80  }
0x20: {  	[tilespmem:s19], [sflag:$0x1] =	stream.indirect.gather [hbm4b:s4+s18], $0x80, s2, s18, $0xb8;
	[tilespmem:$0x1E900] =	vst v63  }
0x21: {  	_ = 	snop  }
0x22: {  	[tilespmem:s18], [sflag:$0x4] =	stream.linear.gather [hbm4b:s10+s2], $0x80, $0x38;
	[tilespmem:$0x1E900] =	vst v63  }
0x23: {  	_ =	swait.ge [sflag:s20], $0x4000  }
0x24: {  	[sflag:s20] =	ssyncset.done $0x0  }
0x25: {  	[sflag:s20] =	ssyncadd.s32 $0xFFFFC000  }
0x26: {  	_ =	swait.ge [sflag:s21], $0x80  }
0x27: {  	[sflag:s21] =	ssyncset.done $0x0  }
0x28: {  	[sflag:s21] =	ssyncadd.s32 $0xFFFFFF80  }
0x29: {  	[tilespmem:s22], [sflag:$0x2] =	stream.indirect.gather [hbm4b:s4+s18], $0x80, s18, s18, $0xb8;
	[tilespmem:$0x1E900] =	vst v63  }
0x2a: {  	s28 =	simm.s32 $0x100;
	s29 =	sadd.s32 $0x30, s13;
	s30 =	simm.s32 $0x20  }
0x2b: {  	[spmem:s1] =	stream.indirect.scatter.add.f32 [tilespmem:s19], [sflag:$0x5], $0x80, s28, s18, $0xb8;
	[tilespmem:$0x1E900] =	vst v63  }
0x2c: {  	s30 =	sand.u32 $0x60, s30;
	s28 =	sadd.s32 $0xFFFFFFF0, s29;
	_ =	swait.ge [sflag:s15], $0x4000  }
0x2d: {  	s30 =	sadd.s32 s5, s30;
	s28 =	sand.u32 $0xFFFFF80, s28;
	[sflag:s15] =	ssyncset.done $0x0  }
0x2e: {  	s28 =	sadd.s32 s28, s30;
	[sflag:s15] =	ssyncadd.s32 $0xFFFFC000  }
0x2f: {  	[tilespmem:s2], [sflag:$0x3] =	stream.linear.gather [hbm4b:s28+s2], $0x80, $0x38;
	[tilespmem:$0x1E900] =	vst v63  }
0x30: {  	_ =	swait.ge [sflag:s23], $0x4000  }
0x31: {  	[sflag:s23] =	ssyncset.done $0x0  }
0x32: {  	[sflag:s23] =	ssyncadd.s32 $0xFFFFC000  }
0x33: {  	_ =	swait.ge [sflag:s17], $0x80  }
0x34: {  	[sflag:s17] =	ssyncset.done $0x0  }
0x35: {  	s30 =	simm.s32 $0x30;
	[sflag:s17] =	ssyncadd.s32 $0xFFFFFF80  }
0x36: {  	[tilespmem:s19], [sflag:$0x1] =	stream.indirect.gather [hbm4b:s4+s18], $0x80, s2, s18, $0xb8;
	[tilespmem:$0x1E900] =	vst v63  }
0x37: {  	s30 =	sand.u32 $0x70, s30;
	s28 =	simm.s32 $0x180  }
0x38: {  	[spmem:s1] =	stream.indirect.scatter.add.f32 [tilespmem:s22], [sflag:$0x5], $0x80, s28, s18, $0xb8;
	[tilespmem:$0x1E900] =	vst v63  }
0x39: {  	s29 =	sand.u32 $0xFFFFF80, s29;
	s30 =	sadd.s32 s5, s30;
	_ =	swait.ge [sflag:s15], $0x4000  }
0x3a: {  	s30 =	sadd.s32 s29, s30;
	[sflag:s15] =	ssyncset.done $0x0  }
0x3b: {  	s29 =	simm.s32 $0x280;
	s28 =	simm.s32 $0x50;
	[sflag:s15] =	ssyncadd.s32 $0xFFFFC000  }
.LBB2_2:
0x3c: {  	[tilespmem:s18], [sflag:$0x4] =	stream.linear.gather [hbm4b:s30+s2], $0x80, $0x38;
	[tilespmem:$0x1E900] =	vst v63  }
0x3d: {  	s30 =	smov.u32 s28  }
0x3e: {  	p0 =	sne.s32 s28, $0x4F0;
	s28 =	sadd.s32 $0x20, s28;
	_ =	swait.ge [sflag:s20], $0x4000  }
0x3f: {  	[sflag:s20] =	ssyncset.done $0x0  }
0x40: {  	[sflag:s20] =	ssyncadd.s32 $0xFFFFC000  }
0x41: {  	_ =	swait.ge [sflag:s21], $0x80  }
0x42: {  	[sflag:s21] =	ssyncset.done $0x0  }
0x43: {  	[sflag:s21] =	ssyncadd.s32 $0xFFFFFF80  }
0x44: {  	[tilespmem:s22], [sflag:$0x2] =	stream.indirect.gather [hbm4b:s4+s18], $0x80, s18, s18, $0xb8;
	[tilespmem:$0x1E900] =	vst v63  }
0x45: {  	s31 =	sadd.s32 $0xFFFFFF80, s29;
	s0 =	sadd.s32 s30, s13;
	s3 =	sadd.s32 $0xFFFFFFF0, s30  }
0x46: {  	[spmem:s1] =	stream.indirect.scatter.add.f32 [tilespmem:s19], [sflag:$0x5], $0x80, s31, s18, $0xb8;
	[tilespmem:$0x1E900] =	vst v63  }
0x47: {  	s3 =	sand.u32 $0x60, s3;
	s31 =	sadd.s32 $0xFFFFFFF0, s0;
	_ =	swait.ge [sflag:s15], $0x4000  }
0x48: {  	s3 =	sadd.s32 s5, s3;
	s31 =	sand.u32 $0xFFFFF80, s31;
	[sflag:s15] =	ssyncset.done $0x0  }
0x49: {  	s0 =	sand.u32 $0xFFFFF80, s0;
	s3 =	sadd.s32 s31, s3;
	[sflag:s15] =	ssyncadd.s32 $0xFFFFC000  }
0x4a: {  	[tilespmem:s2], [sflag:$0x3] =	stream.linear.gather [hbm4b:s3+s2], $0x80, $0x38;
	[tilespmem:$0x1E900] =	vst v63  }
0x4b: {  	_ =	swait.ge [sflag:s23], $0x4000  }
0x4c: {  	[sflag:s23] =	ssyncset.done $0x0  }
0x4d: {  	[sflag:s23] =	ssyncadd.s32 $0xFFFFC000  }
0x4e: {  	_ =	swait.ge [sflag:s17], $0x80  }
0x4f: {  	[sflag:s17] =	ssyncset.done $0x0  }
0x50: {  	[sflag:s17] =	ssyncadd.s32 $0xFFFFFF80  }
0x51: {  	[tilespmem:s19], [sflag:$0x1] =	stream.indirect.gather [hbm4b:s4+s18], $0x80, s2, s18, $0xb8;
	[tilespmem:$0x1E900] =	vst v63  }
.Ltmp0:
0x52: {  	(pc) =	sbr.rel @p0 .LBB2_2-.Ltmp0, $4  }
0x53: {  	[spmem:s1] =	stream.indirect.scatter.add.f32 [tilespmem:s22], [sflag:$0x5], $0x80, s29, s18, $0xb8;
	[tilespmem:$0x1E900] =	vst v63  }
0x54: {  	s3 =	sand.u32 $0x70, s30;
	_ =	swait.ge [sflag:s15], $0x4000  }
0x55: {  	s3 =	sadd.s32 s5, s3;
	[sflag:s15] =	ssyncset.done $0x0  }
0x56: {  	s30 =	sadd.s32 s0, s3;
	s29 =	sadd.s32 $0x100, s29;
	[sflag:s15] =	ssyncadd.s32 $0xFFFFC000  }
0x57: {  	[tilespmem:s18], [sflag:$0x4] =	stream.linear.gather [hbm4b:s30+s2], $0x80, $0x38;
	[tilespmem:$0x1E900] =	vst v63  }
0x58: {  	_ =	swait.ge [sflag:s20], $0x4000  }
0x59: {  	[sflag:s20] =	ssyncset.done $0x0  }
0x5a: {  	[sflag:s20] =	ssyncadd.s32 $0xFFFFC000  }
0x5b: {  	_ =	swait.ge [sflag:s21], $0x80  }
0x5c: {  	[sflag:s21] =	ssyncset.done $0x0  }
0x5d: {  	[sflag:s21] =	ssyncadd.s32 $0xFFFFFF80  }
0x5e: {  	[tilespmem:s22], [sflag:$0x2] =	stream.indirect.gather [hbm4b:s4+s18], $0x80, s18, s18, $0xb8;
	[tilespmem:$0x1E900] =	vst v63  }
0x5f: {  	_ = 	snop  }
0x60: {  	[spmem:s1] =	stream.indirect.scatter.add.f32 [tilespmem:s19], [sflag:$0x5], $0x80, s24, s18, $0xb8;
	[tilespmem:$0x1E900] =	vst v63  }
0x61: {  	_ =	swait.ge [sflag:s15], $0x4000  }
0x62: {  	[sflag:s15] =	ssyncset.done $0x0  }
0x63: {  	[sflag:s15] =	ssyncadd.s32 $0xFFFFC000  }
0x64: {  	_ =	swait.ge [sflag:s23], $0x4000  }
0x65: {  	[sflag:s23] =	ssyncset.done $0x0  }
0x66: {  	[sflag:s23] =	ssyncadd.s32 $0xFFFFC000  }
0x67: {  	[spmem:s1] =	stream.indirect.scatter.add.f32 [tilespmem:s22], [sflag:$0x5], $0x80, s25, s18, $0xb8;
	[tilespmem:$0x1E900] =	vst v63  }
0x68: {  	_ =	swait.ge [sflag:s15], $0x4000  }
0x69: {  	s26 =	sadd.s32 $0x1, s26;
	[sflag:s15] =	ssyncset.done $0x0  }
0x6a: {  	p0 =	sne.s32 s26, s12;
	[sflag:s15] =	ssyncadd.s32 $0xFFFFC000  }
.Ltmp1:
0x6b: {  	[bflag:$0x0] =	sbarrier.arrive $0xFFFF;
	(pc) =	sbr.rel @p0 .LBB2_1-.Ltmp1, $4  }
0x6c: {  	[hbm:s11], [sflag:s8] =	dma.local [spmem:s14], $0x2800  }
0x6d: {  	_ =	swait.ge [sflag:s15], $0x2800  }
0x6e: {  	[sflag:s15] =	ssyncset.done $0x0  }
0x6f: {  	[sflag:s15] =	ssyncadd.s32 $0xFFFFD800  }
0x70: {  	_ =	sfence.sel $0x180000  }
0x71: {  	[bflag:$0x0] =	sbarrier.arrive $0xFFFF  }
0x72: {  	_ =	strace $0x9000004A  }
0x73: {  	s0 =	stileid.u32;
	[bflag:$0x2] =	sbarrier.arrive $0xFFFF  }
0x74: {  	p0 =	sne.s32 s0, $0x0;
	s0 =	rddreg [dreg:$0x3]  }
0x75: {  	s0 =	sadd.s32 @!p0 $0x100000, s0  }
0x76: {  	[sflag:s0] =	ssyncadd.tile.s32 @!p0 $0x1;
	_ =	shalt  }
.Lfunc_end2:
_tile_overlayer_lowered:
.L_overlay_start_2:
0x77: {  	(tag) =	ssettag $0x2  }
0x78: {  	s0 =	rddreg [dreg:$0x0];
	s2 =	stileid.u32  }
0x79: {  	s1 =	rddreg [dreg:$0x1];
	p0 =	sne.s32 s2, $0x0  }
0x7a: {  	s3 =	rddreg [dreg:$0x2];
	[bflag:$0x3] =	sbarrier.arrive $0xFFFF;
	s2 =	simm.s32 @!p0 $0x1C05  }
0x7b: {  	[timem:s3], [sflag:s2] =	dma.local @!p0 [hbm:s0], s1  }
0x7c: {  	s0 =	simm.s32 @!p0 $0x5  }
0x7d: {  	_ =	swait.ge @!p0 [sflag:s0], s1  }
0x7e: {  	s1 =	ssub.s32 @!p0 $0x0, s1;
	[sflag:s0] =	ssyncset.done @!p0 $0x0  }
0x7f: {  	[sflag:s0] =	ssyncadd.s32 @!p0 s1  }
0x80: {  	[bflag:$0x3] =	sbarrier.arrive $0xFFFF  }
0x81: {  	_ =	shalt  }

// kernel: kernel.16.cloned.1.call-start
scs
__scs_entry_jumppad:
0x0: {  	(pc) =	sbr.rel $0x88, $3  }
0x1: {  	(tag) =	ssettag $0x0;
	lr =	simm.s32 $0x1  }
0x2: {  	[smem:$0x3F99] =	sst lr;
	_ =	strace $0xD0000000  }
0x3: {  	_ = 	snop  }
0x4: {  	_ = 	snop  }
0x5: {  	_ = 	snop  }
0x6: {  	_ = 	snop  }
0x7: {  	_ = 	snop  }
__scs_overlays_trampoline_lowered:
0x8: {  	[smem:$0x3FA8] =	sst s0  }
0x9: {  	[smem:$0x3FA9] =	sst s1  }
0xa: {  	[smem:$0x3FAA] =	sst s2  }
0xb: {  	[smem:$0x3FAB] =	sst s3  }
0xc: {  	[smem:$0x3FAC] =	sst s4  }
0xd: {  	[smem:$0x3FAD] =	sst s5  }
0xe: {  	[smem:$0x3FAE] =	sst s6  }
0xf: {  	[smem:$0x3FAF] =	sst s7  }
0x10: {  	[smem:$0x3FB0] =	sst s8  }
0x11: {  	[smem:$0x3FB1] =	sst s9;
	s0 =	simm.s32 @!p0 $0x0  }
0x12: {  	s1 =	sld [smem:$0x3F97];
	s0 =	simm.s32 @p0 $0x1  }
0x13: {  	[smem:$0x3FB2] =	sst s0;
	s0 =	simm.s32 @!p1 $0x0  }
0x14: {  	s2 =	sld [smem:$0x3F96];
	s0 =	simm.s32 @p1 $0x1  }
0x15: {  	[smem:$0x3FB3] =	sst s0;
	s0 =	simm.s32 @!p2 $0x0  }
0x16: {  	s3 =	sld [smem:$0x3FDB];
	s0 =	simm.s32 @p2 $0x1  }
0x17: {  	s4 =	simm.s32 $0x1BF5;
	[smem:$0x3FB5] =	sst s0  }
0x18: {  	s0 =	sld [smem:$0x3F98];
	_ =	swait.ge [sflag:s4], $0x0  }
0x19: {  	s7 =	sld [smem:$0x3F99]  }
0x1a: {  	s8 =	sadd.s32 $0xFFFFE003, lr  }
0x1b: {  	s9 =	sadd.s32 $0xFFFFFEF7, lr;
	s5 =	simm.s32 $0xFFFFFFFF;
	p2 =	slt.u32 s8, $0xFFFFF086  }
0x1c: {  	p1 =	slt.u32 s9, $0xF7A;
	s5 =	simm.s32 @!p2 $0x0  }
0x1d: {  	s5 =	simm.s32 @p1 $0x1;
	p0 =	seq.s32 s7, s2  }
0x1e: {  	s7 =	smul.u32 @!p0 $0xF7A, s2;
	p2 =	seq.s32 @!p0 s5, $0x0  }
0x1f: {  	s9 =	smul.u32 $0xF7A, s1;
	s8 =	simm.s32 @!p0 $0x1BF5;
	p2 =	por !p2, p0  }
0x20: {  	[sflag:s8] =	ssyncset.s32 @!p0 $0xFFFFF086;
	s6 =	sadd.s32 @!p0 s3, s7;
	s7 =	simm.s32 @!p0 $0x108  }
0x21: {  	s3 =	sadd.s32 s3, s9;
	s6 =	sadd.s32 @!p0 $0x88, s6;
	s7 =	simm.s32 @p2 $0x1082  }
0x22: {  	[simem:s7], [sflag:s8] =	dma.local @!p0 [hbm:s6], $0xF7A  }
0x23: {  	s9 =	sor.u32 $0xD0000000, s2;
	s6 =	simm.s32 $0x108;
	_ =	swait.ge @!p0 [sflag:s8], $0x0  }
0x24: {  	s3 =	sadd.s32 $0x88, s3;
	s6 =	simm.s32 @!p1 $0x1082;
	[sflag:s4] =	ssyncset.s32 $0xFFFFF086  }
0x25: {  	[simem:s6], [sflag:s4] =	dma.local [hbm:s3], $0xF7A  }
0x26: {  	[smem:$0x3F99] =	sst s1;
	(tag) =	ssettag s2;
	_ =	strace s9  }
0x27: {  	s1 =	sld [smem:$0x3FA9]  }
0x28: {  	s2 =	sld [smem:$0x3FAA]  }
0x29: {  	s4 =	sld [smem:$0x3FAC]  }
0x2a: {  	p0 =	seq.s32 s5, $0x0;
	s5 =	sld [smem:$0x3FAD]  }
0x2b: {  	s6 =	sld [smem:$0x3FAE]  }
0x2c: {  	s7 =	sld [smem:$0x3FAF]  }
0x2d: {  	s3 =	simm.s32 $0x108;
	s8 =	sld [smem:$0x3FB0]  }
0x2e: {  	s3 =	simm.s32 @!p0 $0x1082;
	s9 =	sld [smem:$0x3FB1]  }
0x2f: {  	lr =	sadd.s32 s0, s3;
	s0 =	sld [smem:$0x3FA8]  }
0x30: {  	s3 =	sld [smem:$0x3FAB]  }
0x31: {  	[smem:$0x3FB4] =	sst s10  }
0x32: {  	s10 =	sld [smem:$0x3FB2];
	_ =	sdelay $0x3  }
0x33: {  	p0 =	seq.s32 s10, $0x1;
	s10 =	sld [smem:$0x3FB4];
	_ =	sdelay $0x3  }
0x34: {  	[smem:$0x3FB4] =	sst s10  }
0x35: {  	s10 =	sld [smem:$0x3FB3];
	_ =	sdelay $0x3  }
0x36: {  	p1 =	seq.s32 s10, $0x1;
	s10 =	sld [smem:$0x3FB4];
	_ =	sdelay $0x3  }
0x37: {  	[smem:$0x3FB4] =	sst s10  }
0x38: {  	s10 =	sld [smem:$0x3FB5]  }
0x39: {  	_ = 	snop;
	(pc) =	sbr.ind lr, $3  }
0x3a: {  	_ = 	snop  }
0x3b: {  	_ = 	snop  }
0x3c: {  	p2 =	seq.s32 s10, $0x1;
	s10 =	sld [smem:$0x3FB4]  }
0x3d: {  	_ =	shalt  }
0x3e: {  	_ =	shalt  }
0x3f: {  	_ =	shalt  }
0x40: {  	_ =	shalt  }
0x41: {  	_ =	shalt  }
0x42: {  	_ =	shalt  }
0x43: {  	_ =	shalt  }
0x44: {  	_ =	shalt  }
0x45: {  	_ =	shalt  }
0x46: {  	_ =	shalt  }
0x47: {  	_ =	shalt  }
0x48: {  	_ =	shalt  }
0x49: {  	_ =	shalt  }
0x4a: {  	_ =	shalt  }
0x4b: {  	_ =	shalt  }
0x4c: {  	_ =	shalt  }
0x4d: {  	_ =	shalt  }
0x4e: {  	_ =	shalt  }
0x4f: {  	_ =	shalt  }
0x50: {  	_ =	shalt  }
0x51: {  	_ =	shalt  }
0x52: {  	_ =	shalt  }
0x53: {  	_ =	shalt  }
0x54: {  	_ =	shalt  }
0x55: {  	_ =	shalt  }
0x56: {  	_ =	shalt  }
0x57: {  	_ =	shalt  }
0x58: {  	_ =	shalt  }
0x59: {  	_ =	shalt  }
0x5a: {  	_ =	shalt  }
0x5b: {  	_ =	shalt  }
0x5c: {  	_ =	shalt  }
0x5d: {  	_ =	shalt  }
0x5e: {  	_ =	shalt  }
0x5f: {  	_ =	shalt  }
0x60: {  	_ =	shalt  }
0x61: {  	_ =	shalt  }
0x62: {  	_ =	shalt  }
0x63: {  	_ =	shalt  }
0x64: {  	_ =	shalt  }
0x65: {  	_ =	shalt  }
0x66: {  	_ =	shalt  }
0x67: {  	_ =	shalt  }
0x68: {  	_ =	shalt  }
0x69: {  	_ =	shalt  }
0x6a: {  	_ =	shalt  }
0x6b: {  	_ =	shalt  }
0x6c: {  	_ =	shalt  }
0x6d: {  	_ =	shalt  }
0x6e: {  	_ =	shalt  }
0x6f: {  	_ =	shalt  }
0x70: {  	_ =	shalt  }
0x71: {  	_ =	shalt  }
0x72: {  	_ =	shalt  }
0x73: {  	_ =	shalt  }
0x74: {  	_ =	shalt  }
0x75: {  	_ =	shalt  }
0x76: {  	_ =	shalt  }
0x77: {  	_ =	shalt  }
0x78: {  	_ =	shalt  }
0x79: {  	_ =	shalt  }
0x7a: {  	_ =	shalt  }
0x7b: {  	_ =	shalt  }
0x7c: {  	_ =	shalt  }
0x7d: {  	_ =	shalt  }
0x7e: {  	_ =	shalt  }
0x7f: {  	_ =	shalt  }
0x80: {  	_ =	shalt  }
0x81: {  	_ =	shalt  }
0x82: {  	_ =	shalt  }
0x83: {  	_ =	shalt  }
0x84: {  	_ =	shalt  }
0x85: {  	_ =	shalt  }
0x86: {  	_ =	shalt  }
0x87: {  	_ =	shalt  }
.Lfunc_end0:
.L_simem_size_0:
called_computation.2_lowered:
.L_overlay_start_0:
0x88: {  	s2 =	sld [smem:$0x3FD9]  }
0x89: {  	s3 =	sld [smem:$0x3FFE];
	_ =	sdelay $0x1  }
0x8a: {  	s1 =	srdreg.scid  }
0x8b: {  	s0 =	sand.u32 $0x1, s1  }
0x8c: {  	s17 =	sshll.u32 s0, $0xA;
	s2 =	sadd.s32 s3, s2  }
0x8d: {  	s2 =	sadd.s32 s2, s17  }
0x8e: {  	[smem:$0x3FC0] =	sst s2  }
0x8f: {  	_ = 	snop  }
0x90: {  	s2 =	sld [smem:$0x3FD0];
	(tm) =	ssettm $0x1  }
0x91: {  	s18 =	sld [smem:$0x3FFB];
	_ =	sdelay $0x3  }
0x92: {  	_ =	strace s18  }
0x93: {  	s3 =	sld [smem:$0x3FFC];
	_ =	sdelay $0x3  }
0x94: {  	_ =	strace s3  }
0x95: {  	s3 =	sld [smem:$0x3FFD];
	_ =	sdelay $0x3  }
0x96: {  	_ =	strace s3  }
0x97: {  	_ =	strace $0x8FFFFFFF  }
0x98: {  	s19 =	sld [smem:$0x3FDB];
	_ =	sdelay $0x1  }
0x99: {  	s4 =	simm.s32 $_scs_section_size  }
0x9a: {  	s5 =	simm.s32 $_size__tile_overlayer_lowered;
	s6 =	simm.s32 $_tile_overlayer_lowered  }
0x9b: {  	s22 =	simm.s32 $0x1BFF;
	s21 =	sshll.u32 s6, $0x1;
	s3 =	sadd.s32 s4, s19  }
0x9c: {  	s7 =	simm.s32 $0x0;
	s20 =	sshll.u32 s5, $0x1;
	s5 =	sadd.s32 s21, s3  }
0x9d: {  	[timem:s7], [sflag:s22] =	dma.local [hbm:s5], s20  }
0x9e: {  	_ =	swait.ge [sflag:s22], s20  }
0x9f: {  	s4 =	ssub.s32 $0x0, s20;
	[sflag:s22] =	ssyncset.done $0x0  }
0xa0: {  	[sflag:s22] =	ssyncadd.s32 s4;
	_ =	sdelay $0x1  }
0xa1: {  	s23 =	simm.s32 $0x1B8B  }
0xa2: {  	_ =	swait.ge [sflag:s23], $0x1  }
0xa3: {  	[sflag:s23] =	ssyncset.done $0x0  }
0xa4: {  	s25 =	simm.s32 $0x1B8E;
	s24 =	sld [smem:$0x3FFE];
	[sflag:s23] =	ssyncadd.s32 $0xFFFFFFFF  }
0xa5: {  	s26 =	simm.s32 $execute0_lowered;
	[smem:$0x3FD2] =	sst s25  }
0xa6: {  	s5 =	sshll.u32 s26, $0x1;
	_ =	strace $0x8000004C;
	[dreg:$0x1] =	wrdreg $0xFFFFFFFF  }
0xa7: {  	s28 =	simm.s32 $_size_execute0_lowered;
	s3 =	sadd.s32 s3, s5;
	[dreg:$0x0] =	wrdreg $0x0  }
0xa8: {  	s5 =	sshll.u32 s28, $0x1;
	[dreg:$0x2] =	wrdreg s3  }
0xa9: {  	[dreg:$0x3] =	wrdreg s5  }
0xaa: {  	[dreg:$0x4] =	wrdreg $0xC0  }
0xab: {  	_ =	task [dreg:s7], $0x5FFFF  }
0xac: {  	[dreg:$0x1] =	wrdreg $0xFFFFFFFF  }
0xad: {  	[dreg:$0x0] =	wrdreg $0x60  }
0xae: {  	[dreg:$0x2] =	wrdreg s24  }
0xaf: {  	[dreg:$0x3] =	wrdreg s2  }
0xb0: {  	[dreg:$0x4] =	wrdreg $0xA9000  }
0xb1: {  	[dreg:$0x5] =	wrdreg $0x9  }
0xb2: {  	_ =	task.clear_ibuf [dreg:s7], $0x6FFFF;
	_ =	strace $0x9000004C  }
0xb3: {  	s29 =	simm.s32 $0x9;
	_ =	strace $0x8000004E  }
0xb4: {  	_ =	swait.ge [sflag:s29], $0x1  }
0xb5: {  	[sflag:s29] =	ssyncadd.s32 $0xFFFFFFFF  }
0xb6: {  	_ =	strace $0x9000004E  }
0xb7: {  	_ =	sfence  }
0xb8: {  	s30 =	sld [smem:$0x0];
	_ =	sdelay $0x2  }
0xb9: {  	s31 =	sshll.u32 s1, $0xD;
	s1 =	sshrl.u32 s1, $0x2  }
0xba: {  	s3 =	sand.u32 $0x4000, s31;
	s1 =	sadd.s32 s1, s30  }
0xbb: {  	s0 =	sor.u32 s3, s0;
	s1 =	sshll.u32 s1, $0x11  }
0xbc: {  	s0 =	sor.u32 s1, s0  }
0xbd: {  	s0 =	sadd.s32 $0x8F2B, s0  }
0xbe: {  	[sflag:s0] =	ssyncadd.remote.s32 $0x1  }
0xbf: {  	_ =	sfence.sel $0xFFFF  }
0xc0: {  	[dreg:$0x0] =	wrdreg $0xFFFFFFFF;
	(pc) =	sbr.abs _section_cstart, $3  }
0xc1: {  	[dreg:$0x1] =	wrdreg $0xFFFFFFFF  }
0xc2: {  	_ =	task.clear_ibuf [dreg:s7], $0x2FFFF;
	_ =	strace $0x9FFFFFFF  }
0xc3: {  	(tm) =	ssettm $0x7FFFFFFF  }
tec
execute0_lowered:
.L_overlay_start_1:
0x0: {  	(tag) =	ssettag $0x1  }
0x1: {  	s7 =	rddreg [dreg:$0x0]  }
0x2: {  	s9 =	rddreg [dreg:$0x1]  }
0x3: {  	s1 =	rddreg [dreg:$0x2];
	s2 =	simm.s32 $0x0  }
0x4: {  	s3 =	srdreg.scid;
	s0 =	stileid.u32;
	s18 =	simm.s32 $0x80  }
0x5: {  	s19 =	simm.s32 $0x2900;
	s20 =	simm.s32 $0x1;
	s21 =	simm.s32 $0x4  }
0x6: {  	s22 =	simm.s32 $0x6900;
	s23 =	simm.s32 $0x2;
	s24 =	simm.s32 $0x2800  }
0x7: {  	s25 =	simm.s32 $0x2880;
	s26 =	simm.s32 $0x0;
	[smem:$0x7FF] =	sst s2  }
0x8: {  	s8 =	sand.u32 $0x1, s3;
	s4 =	sadd.s32 $0x5FC00, s7;
	s11 =	smul.u32 $0x14000, s0  }
0x9: {  	s5 =	sadd.s32 $0x2C00, s7;
	s6 =	sadd.s32 $0xD400, s7;
	s14 =	smul.u32 $0x50000, s0  }
0xa: {  	s30 =	sshll.u32 s0, $0x6;
	s17 =	smul.u32 $0x500, s0;
	_ =	strace $0x8000004D  }
0xb: {  	s10 =	smul.u32 $0x140000, s8;
	s12 =	sshll.u32 s8, $0x4;
	s28 =	ssub.s32 $0x2, s8  }
0xc: {  	s31 =	smul.u32 $0x5000, s8;
	s8 =	sor.u32 $0x1C05, s30;
	s12 =	sor.u32 s0, s12  }
0xd: {  	s13 =	sshrl.u32 s28, $0x1;
	s29 =	sshrl.u32 s14, $0x2;
	s10 =	sadd.s32 s11, s10  }
0xe: {  	s12 =	smul.u32 $0x500, s12;
	s13 =	ssub.s32 s28, s13;
	s16 =	sadd.s32 s29, s1  }
0xf: {  	s10 =	sshrl.u32 s10, $0x3;
	s14 =	sshrl.u32 s16, $0x3;
	s16 =	simm.s32 $0x100  }
0x10: {  	s15 =	sadd.s32 s10, s7;
	s7 =	sadd.s32 s5, s12;
	s9 =	sadd.s32 s9, s12  }
0x11: {  	s12 =	smax.u32 s13, $0x1;
	s13 =	sadd.s32 s17, s31;
	s17 =	simm.s32 $0x3  }
0x12: {  	s10 =	sadd.s32 $0x10, s7;
	s11 =	sadd.s32 $0x87C00, s15;
	s15 =	simm.s32 $0x5  }
.LBB2_1:
0x13: {  	[tilespmem:s2], [sflag:$0x3] =	stream.linear.gather [hbm4b:s7+s2], $0x80, $0x38;
	[tilespmem:$0x1E900] =	vst v63  }
0x14: {  	[spmem:s14], [sflag:s8] =	dma.local [hbm:s6], $0x2800  }
0x15: {  	_ =	swait.ge [sflag:s15], $0x2800  }
0x16: {  	[sflag:s15] =	ssyncset.done $0x0  }
0x17: {  	[sflag:s15] =	ssyncadd.s32 $0xFFFFD800  }
0x18: {  	[tilespmem:s16], [sflag:$0x5] =	stream.linear.gather [hbm4b:s9+s2], $0x2800, $0x38;
	[tilespmem:$0x1E900] =	vst v63  }
0x19: {  	_ =	swait.ge [sflag:s15], $0x2800  }
0x1a: {  	[sflag:s15] =	ssyncset.done $0x0  }
0x1b: {  	[sflag:s15] =	ssyncadd.s32 $0xFFFFD800  }
0x1c: {  	[bflag:$0x0] =	sbarrier.arrive $0xFFFF  }
0x1d: {  	_ =	swait.ge [sflag:s17], $0x80  }
0x1e: {  	[sflag:s17] =	ssyncset.done $0x0  }
0x1f: {  	[sflag:s17] =	ssyncadd.s32 $0xFFFFFF80  }
0x20: {  	[tilespmem:s19], [sflag:$0x1] =	stream.indirect.gather [hbm4b:s4+s18], $0x80, s2, s18, $0xb8;
	[tilespmem:$0x1E900] =	vst v63  }
0x21: {  	_ = 	snop  }
0x22: {  	[tilespmem:s18], [sflag:$0x4] =	stream.linear.gather [hbm4b:s10+s2], $0x80, $0x38;
	[tilespmem:$0x1E900] =	vst v63  }
0x23: {  	_ =	swait.ge [sflag:s20], $0x4000  }
0x24: {  	[sflag:s20] =	ssyncset.done $0x0  }
0x25: {  	[sflag:s20] =	ssyncadd.s32 $0xFFFFC000  }
0x26: {  	_ =	swait.ge [sflag:s21], $0x80  }
0x27: {  	[sflag:s21] =	ssyncset.done $0x0  }
0x28: {  	[sflag:s21] =	ssyncadd.s32 $0xFFFFFF80  }
0x29: {  	[tilespmem:s22], [sflag:$0x2] =	stream.indirect.gather [hbm4b:s4+s18], $0x80, s18, s18, $0xb8;
	[tilespmem:$0x1E900] =	vst v63  }
0x2a: {  	s28 =	simm.s32 $0x100;
	s29 =	sadd.s32 $0x30, s13;
	s30 =	simm.s32 $0x20  }
0x2b: {  	[spmem:s1] =	stream.indirect.scatter.add.f32 [tilespmem:s19], [sflag:$0x5], $0x80, s28, s18, $0xb8;
	[tilespmem:$0x1E900] =	vst v63  }
0x2c: {  	s30 =	sand.u32 $0x60, s30;
	s28 =	sadd.s32 $0xFFFFFFF0, s29;
	_ =	swait.ge [sflag:s15], $0x4000  }
0x2d: {  	s30 =	sadd.s32 s5, s30;
	s28 =	sand.u32 $0xFFFFF80, s28;
	[sflag:s15] =	ssyncset.done $0x0  }
0x2e: {  	s28 =	sadd.s32 s28, s30;
	[sflag:s15] =	ssyncadd.s32 $0xFFFFC000  }
0x2f: {  	[tilespmem:s2], [sflag:$0x3] =	stream.linear.gather [hbm4b:s28+s2], $0x80, $0x38;
	[tilespmem:$0x1E900] =	vst v63  }
0x30: {  	_ =	swait.ge [sflag:s23], $0x4000  }
0x31: {  	[sflag:s23] =	ssyncset.done $0x0  }
0x32: {  	[sflag:s23] =	ssyncadd.s32 $0xFFFFC000  }
0x33: {  	_ =	swait.ge [sflag:s17], $0x80  }
0x34: {  	[sflag:s17] =	ssyncset.done $0x0  }
0x35: {  	s30 =	simm.s32 $0x30;
	[sflag:s17] =	ssyncadd.s32 $0xFFFFFF80  }
0x36: {  	[tilespmem:s19], [sflag:$0x1] =	stream.indirect.gather [hbm4b:s4+s18], $0x80, s2, s18, $0xb8;
	[tilespmem:$0x1E900] =	vst v63  }
0x37: {  	s30 =	sand.u32 $0x70, s30;
	s28 =	simm.s32 $0x180  }
0x38: {  	[spmem:s1] =	stream.indirect.scatter.add.f32 [tilespmem:s22], [sflag:$0x5], $0x80, s28, s18, $0xb8;
	[tilespmem:$0x1E900] =	vst v63  }
0x39: {  	s29 =	sand.u32 $0xFFFFF80, s29;
	s30 =	sadd.s32 s5, s30;
	_ =	swait.ge [sflag:s15], $0x4000  }
0x3a: {  	s30 =	sadd.s32 s29, s30;
	[sflag:s15] =	ssyncset.done $0x0  }
0x3b: {  	s29 =	simm.s32 $0x280;
	s28 =	simm.s32 $0x50;
	[sflag:s15] =	ssyncadd.s32 $0xFFFFC000  }
.LBB2_2:
0x3c: {  	[tilespmem:s18], [sflag:$0x4] =	stream.linear.gather [hbm4b:s30+s2], $0x80, $0x38;
	[tilespmem:$0x1E900] =	vst v63  }
0x3d: {  	s30 =	smov.u32 s28  }
0x3e: {  	p0 =	sne.s32 s28, $0x4F0;
	s28 =	sadd.s32 $0x20, s28;
	_ =	swait.ge [sflag:s20], $0x4000  }
0x3f: {  	[sflag:s20] =	ssyncset.done $0x0  }
0x40: {  	[sflag:s20] =	ssyncadd.s32 $0xFFFFC000  }
0x41: {  	_ =	swait.ge [sflag:s21], $0x80  }
0x42: {  	[sflag:s21] =	ssyncset.done $0x0  }
0x43: {  	[sflag:s21] =	ssyncadd.s32 $0xFFFFFF80  }
0x44: {  	[tilespmem:s22], [sflag:$0x2] =	stream.indirect.gather [hbm4b:s4+s18], $0x80, s18, s18, $0xb8;
	[tilespmem:$0x1E900] =	vst v63  }
0x45: {  	s31 =	sadd.s32 $0xFFFFFF80, s29;
	s0 =	sadd.s32 s30, s13;
	s3 =	sadd.s32 $0xFFFFFFF0, s30  }
0x46: {  	[spmem:s1] =	stream.indirect.scatter.add.f32 [tilespmem:s19], [sflag:$0x5], $0x80, s31, s18, $0xb8;
	[tilespmem:$0x1E900] =	vst v63  }
0x47: {  	s3 =	sand.u32 $0x60, s3;
	s31 =	sadd.s32 $0xFFFFFFF0, s0;
	_ =	swait.ge [sflag:s15], $0x4000  }
0x48: {  	s3 =	sadd.s32 s5, s3;
	s31 =	sand.u32 $0xFFFFF80, s31;
	[sflag:s15] =	ssyncset.done $0x0  }
0x49: {  	s0 =	sand.u32 $0xFFFFF80, s0;
	s3 =	sadd.s32 s31, s3;
	[sflag:s15] =	ssyncadd.s32 $0xFFFFC000  }
0x4a: {  	[tilespmem:s2], [sflag:$0x3] =	stream.linear.gather [hbm4b:s3+s2], $0x80, $0x38;
	[tilespmem:$0x1E900] =	vst v63  }
0x4b: {  	_ =	swait.ge [sflag:s23], $0x4000  }
0x4c: {  	[sflag:s23] =	ssyncset.done $0x0  }
0x4d: {  	[sflag:s23] =	ssyncadd.s32 $0xFFFFC000  }
0x4e: {  	_ =	swait.ge [sflag:s17], $0x80  }
0x4f: {  	[sflag:s17] =	ssyncset.done $0x0  }
0x50: {  	[sflag:s17] =	ssyncadd.s32 $0xFFFFFF80  }
0x51: {  	[tilespmem:s19], [sflag:$0x1] =	stream.indirect.gather [hbm4b:s4+s18], $0x80, s2, s18, $0xb8;
	[tilespmem:$0x1E900] =	vst v63  }
.Ltmp0:
0x52: {  	(pc) =	sbr.rel @p0 .LBB2_2-.Ltmp0, $4  }
0x53: {  	[spmem:s1] =	stream.indirect.scatter.add.f32 [tilespmem:s22], [sflag:$0x5], $0x80, s29, s18, $0xb8;
	[tilespmem:$0x1E900] =	vst v63  }
0x54: {  	s3 =	sand.u32 $0x70, s30;
	_ =	swait.ge [sflag:s15], $0x4000  }
0x55: {  	s3 =	sadd.s32 s5, s3;
	[sflag:s15] =	ssyncset.done $0x0  }
0x56: {  	s30 =	sadd.s32 s0, s3;
	s29 =	sadd.s32 $0x100, s29;
	[sflag:s15] =	ssyncadd.s32 $0xFFFFC000  }
0x57: {  	[tilespmem:s18], [sflag:$0x4] =	stream.linear.gather [hbm4b:s30+s2], $0x80, $0x38;
	[tilespmem:$0x1E900] =	vst v63  }
0x58: {  	_ =	swait.ge [sflag:s20], $0x4000  }
0x59: {  	[sflag:s20] =	ssyncset.done $0x0  }
0x5a: {  	[sflag:s20] =	ssyncadd.s32 $0xFFFFC000  }
0x5b: {  	_ =	swait.ge [sflag:s21], $0x80  }
0x5c: {  	[sflag:s21] =	ssyncset.done $0x0  }
0x5d: {  	[sflag:s21] =	ssyncadd.s32 $0xFFFFFF80  }
0x5e: {  	[tilespmem:s22], [sflag:$0x2] =	stream.indirect.gather [hbm4b:s4+s18], $0x80, s18, s18, $0xb8;
	[tilespmem:$0x1E900] =	vst v63  }
0x5f: {  	_ = 	snop  }
0x60: {  	[spmem:s1] =	stream.indirect.scatter.add.f32 [tilespmem:s19], [sflag:$0x5], $0x80, s24, s18, $0xb8;
	[tilespmem:$0x1E900] =	vst v63  }
0x61: {  	_ =	swait.ge [sflag:s15], $0x4000  }
0x62: {  	[sflag:s15] =	ssyncset.done $0x0  }
0x63: {  	[sflag:s15] =	ssyncadd.s32 $0xFFFFC000  }
0x64: {  	_ =	swait.ge [sflag:s23], $0x4000  }
0x65: {  	[sflag:s23] =	ssyncset.done $0x0  }
0x66: {  	[sflag:s23] =	ssyncadd.s32 $0xFFFFC000  }
0x67: {  	[spmem:s1] =	stream.indirect.scatter.add.f32 [tilespmem:s22], [sflag:$0x5], $0x80, s25, s18, $0xb8;
	[tilespmem:$0x1E900] =	vst v63  }
0x68: {  	_ =	swait.ge [sflag:s15], $0x4000  }
0x69: {  	s26 =	sadd.s32 $0x1, s26;
	[sflag:s15] =	ssyncset.done $0x0  }
0x6a: {  	p0 =	sne.s32 s26, s12;
	[sflag:s15] =	ssyncadd.s32 $0xFFFFC000  }
.Ltmp1:
0x6b: {  	[bflag:$0x0] =	sbarrier.arrive $0xFFFF;
	(pc) =	sbr.rel @p0 .LBB2_1-.Ltmp1, $4  }
0x6c: {  	[hbm:s11], [sflag:s8] =	dma.local [spmem:s14], $0x2800  }
0x6d: {  	_ =	swait.ge [sflag:s15], $0x2800  }
0x6e: {  	[sflag:s15] =	ssyncset.done $0x0  }
0x6f: {  	[sflag:s15] =	ssyncadd.s32 $0xFFFFD800  }
0x70: {  	_ =	sfence.sel $0x180000  }
0x71: {  	[bflag:$0x0] =	sbarrier.arrive $0xFFFF  }
0x72: {  	_ =	strace $0x9000004D  }
0x73: {  	s0 =	stileid.u32;
	[bflag:$0x2] =	sbarrier.arrive $0xFFFF  }
0x74: {  	p0 =	sne.s32 s0, $0x0;
	s0 =	rddreg [dreg:$0x3]  }
0x75: {  	s0 =	sadd.s32 @!p0 $0x100000, s0  }
0x76: {  	[sflag:s0] =	ssyncadd.tile.s32 @!p0 $0x1;
	_ =	shalt  }
.Lfunc_end2:
_tile_overlayer_lowered:
.L_overlay_start_2:
0x77: {  	(tag) =	ssettag $0x2  }
0x78: {  	s0 =	rddreg [dreg:$0x0];
	s2 =	stileid.u32  }
0x79: {  	s1 =	rddreg [dreg:$0x1];
	p0 =	sne.s32 s2, $0x0  }
0x7a: {  	s3 =	rddreg [dreg:$0x2];
	[bflag:$0x3] =	sbarrier.arrive $0xFFFF;
	s2 =	simm.s32 @!p0 $0x1C05  }
0x7b: {  	[timem:s3], [sflag:s2] =	dma.local @!p0 [hbm:s0], s1  }
0x7c: {  	s0 =	simm.s32 @!p0 $0x5  }
0x7d: {  	_ =	swait.ge @!p0 [sflag:s0], s1  }
0x7e: {  	s1 =	ssub.s32 @!p0 $0x0, s1;
	[sflag:s0] =	ssyncset.done @!p0 $0x0  }
0x7f: {  	[sflag:s0] =	ssyncadd.s32 @!p0 s1  }
0x80: {  	[bflag:$0x3] =	sbarrier.arrive $0xFFFF  }
0x81: {  	_ =	shalt  }

// kernel: kernel.19.cloned.1.call-start
scs
__scs_entry_jumppad:
0x0: {  	(pc) =	sbr.rel $0x88, $3  }
0x1: {  	(tag) =	ssettag $0x0;
	lr =	simm.s32 $0x1  }
0x2: {  	[smem:$0x3F99] =	sst lr;
	_ =	strace $0xD0000000  }
0x3: {  	_ = 	snop  }
0x4: {  	_ = 	snop  }
0x5: {  	_ = 	snop  }
0x6: {  	_ = 	snop  }
0x7: {  	_ = 	snop  }
__scs_overlays_trampoline_lowered:
0x8: {  	[smem:$0x3FA8] =	sst s0  }
0x9: {  	[smem:$0x3FA9] =	sst s1  }
0xa: {  	[smem:$0x3FAA] =	sst s2  }
0xb: {  	[smem:$0x3FAB] =	sst s3  }
0xc: {  	[smem:$0x3FAC] =	sst s4  }
0xd: {  	[smem:$0x3FAD] =	sst s5  }
0xe: {  	[smem:$0x3FAE] =	sst s6  }
0xf: {  	[smem:$0x3FAF] =	sst s7  }
0x10: {  	[smem:$0x3FB0] =	sst s8  }
0x11: {  	[smem:$0x3FB1] =	sst s9;
	s0 =	simm.s32 @!p0 $0x0  }
0x12: {  	s1 =	sld [smem:$0x3F97];
	s0 =	simm.s32 @p0 $0x1  }
0x13: {  	[smem:$0x3FB2] =	sst s0;
	s0 =	simm.s32 @!p1 $0x0  }
0x14: {  	s2 =	sld [smem:$0x3F96];
	s0 =	simm.s32 @p1 $0x1  }
0x15: {  	[smem:$0x3FB3] =	sst s0;
	s0 =	simm.s32 @!p2 $0x0  }
0x16: {  	s3 =	sld [smem:$0x3FDB];
	s0 =	simm.s32 @p2 $0x1  }
0x17: {  	s4 =	simm.s32 $0x1BF5;
	[smem:$0x3FB5] =	sst s0  }
0x18: {  	s0 =	sld [smem:$0x3F98];
	_ =	swait.ge [sflag:s4], $0x0  }
0x19: {  	s7 =	sld [smem:$0x3F99]  }
0x1a: {  	s8 =	sadd.s32 $0xFFFFE003, lr  }
0x1b: {  	s9 =	sadd.s32 $0xFFFFFEF7, lr;
	s5 =	simm.s32 $0xFFFFFFFF;
	p2 =	slt.u32 s8, $0xFFFFF086  }
0x1c: {  	p1 =	slt.u32 s9, $0xF7A;
	s5 =	simm.s32 @!p2 $0x0  }
0x1d: {  	s5 =	simm.s32 @p1 $0x1;
	p0 =	seq.s32 s7, s2  }
0x1e: {  	s7 =	smul.u32 @!p0 $0xF7A, s2;
	p2 =	seq.s32 @!p0 s5, $0x0  }
0x1f: {  	s9 =	smul.u32 $0xF7A, s1;
	s8 =	simm.s32 @!p0 $0x1BF5;
	p2 =	por !p2, p0  }
0x20: {  	[sflag:s8] =	ssyncset.s32 @!p0 $0xFFFFF086;
	s6 =	sadd.s32 @!p0 s3, s7;
	s7 =	simm.s32 @!p0 $0x108  }
0x21: {  	s3 =	sadd.s32 s3, s9;
	s6 =	sadd.s32 @!p0 $0x88, s6;
	s7 =	simm.s32 @p2 $0x1082  }
0x22: {  	[simem:s7], [sflag:s8] =	dma.local @!p0 [hbm:s6], $0xF7A  }
0x23: {  	s9 =	sor.u32 $0xD0000000, s2;
	s6 =	simm.s32 $0x108;
	_ =	swait.ge @!p0 [sflag:s8], $0x0  }
0x24: {  	s3 =	sadd.s32 $0x88, s3;
	s6 =	simm.s32 @!p1 $0x1082;
	[sflag:s4] =	ssyncset.s32 $0xFFFFF086  }
0x25: {  	[simem:s6], [sflag:s4] =	dma.local [hbm:s3], $0xF7A  }
0x26: {  	[smem:$0x3F99] =	sst s1;
	(tag) =	ssettag s2;
	_ =	strace s9  }
0x27: {  	s1 =	sld [smem:$0x3FA9]  }
0x28: {  	s2 =	sld [smem:$0x3FAA]  }
0x29: {  	s4 =	sld [smem:$0x3FAC]  }
0x2a: {  	p0 =	seq.s32 s5, $0x0;
	s5 =	sld [smem:$0x3FAD]  }
0x2b: {  	s6 =	sld [smem:$0x3FAE]  }
0x2c: {  	s7 =	sld [smem:$0x3FAF]  }
0x2d: {  	s3 =	simm.s32 $0x108;
	s8 =	sld [smem:$0x3FB0]  }
0x2e: {  	s3 =	simm.s32 @!p0 $0x1082;
	s9 =	sld [smem:$0x3FB1]  }
0x2f: {  	lr =	sadd.s32 s0, s3;
	s0 =	sld [smem:$0x3FA8]  }
0x30: {  	s3 =	sld [smem:$0x3FAB]  }
0x31: {  	[smem:$0x3FB4] =	sst s10  }
0x32: {  	s10 =	sld [smem:$0x3FB2];
	_ =	sdelay $0x3  }
0x33: {  	p0 =	seq.s32 s10, $0x1;
	s10 =	sld [smem:$0x3FB4];
	_ =	sdelay $0x3  }
0x34: {  	[smem:$0x3FB4] =	sst s10  }
0x35: {  	s10 =	sld [smem:$0x3FB3];
	_ =	sdelay $0x3  }
0x36: {  	p1 =	seq.s32 s10, $0x1;
	s10 =	sld [smem:$0x3FB4];
	_ =	sdelay $0x3  }
0x37: {  	[smem:$0x3FB4] =	sst s10  }
0x38: {  	s10 =	sld [smem:$0x3FB5]  }
0x39: {  	_ = 	snop;
	(pc) =	sbr.ind lr, $3  }
0x3a: {  	_ = 	snop  }
0x3b: {  	_ = 	snop  }
0x3c: {  	p2 =	seq.s32 s10, $0x1;
	s10 =	sld [smem:$0x3FB4]  }
0x3d: {  	_ =	shalt  }
0x3e: {  	_ =	shalt  }
0x3f: {  	_ =	shalt  }
0x40: {  	_ =	shalt  }
0x41: {  	_ =	shalt  }
0x42: {  	_ =	shalt  }
0x43: {  	_ =	shalt  }
0x44: {  	_ =	shalt  }
0x45: {  	_ =	shalt  }
0x46: {  	_ =	shalt  }
0x47: {  	_ =	shalt  }
0x48: {  	_ =	shalt  }
0x49: {  	_ =	shalt  }
0x4a: {  	_ =	shalt  }
0x4b: {  	_ =	shalt  }
0x4c: {  	_ =	shalt  }
0x4d: {  	_ =	shalt  }
0x4e: {  	_ =	shalt  }
0x4f: {  	_ =	shalt  }
0x50: {  	_ =	shalt  }
0x51: {  	_ =	shalt  }
0x52: {  	_ =	shalt  }
0x53: {  	_ =	shalt  }
0x54: {  	_ =	shalt  }
0x55: {  	_ =	shalt  }
0x56: {  	_ =	shalt  }
0x57: {  	_ =	shalt  }
0x58: {  	_ =	shalt  }
0x59: {  	_ =	shalt  }
0x5a: {  	_ =	shalt  }
0x5b: {  	_ =	shalt  }
0x5c: {  	_ =	shalt  }
0x5d: {  	_ =	shalt  }
0x5e: {  	_ =	shalt  }
0x5f: {  	_ =	shalt  }
0x60: {  	_ =	shalt  }
0x61: {  	_ =	shalt  }
0x62: {  	_ =	shalt  }
0x63: {  	_ =	shalt  }
0x64: {  	_ =	shalt  }
0x65: {  	_ =	shalt  }
0x66: {  	_ =	shalt  }
0x67: {  	_ =	shalt  }
0x68: {  	_ =	shalt  }
0x69: {  	_ =	shalt  }
0x6a: {  	_ =	shalt  }
0x6b: {  	_ =	shalt  }
0x6c: {  	_ =	shalt  }
0x6d: {  	_ =	shalt  }
0x6e: {  	_ =	shalt  }
0x6f: {  	_ =	shalt  }
0x70: {  	_ =	shalt  }
0x71: {  	_ =	shalt  }
0x72: {  	_ =	shalt  }
0x73: {  	_ =	shalt  }
0x74: {  	_ =	shalt  }
0x75: {  	_ =	shalt  }
0x76: {  	_ =	shalt  }
0x77: {  	_ =	shalt  }
0x78: {  	_ =	shalt  }
0x79: {  	_ =	shalt  }
0x7a: {  	_ =	shalt  }
0x7b: {  	_ =	shalt  }
0x7c: {  	_ =	shalt  }
0x7d: {  	_ =	shalt  }
0x7e: {  	_ =	shalt  }
0x7f: {  	_ =	shalt  }
0x80: {  	_ =	shalt  }
0x81: {  	_ =	shalt  }
0x82: {  	_ =	shalt  }
0x83: {  	_ =	shalt  }
0x84: {  	_ =	shalt  }
0x85: {  	_ =	shalt  }
0x86: {  	_ =	shalt  }
0x87: {  	_ =	shalt  }
.Lfunc_end0:
.L_simem_size_0:
called_computation.3_lowered:
.L_overlay_start_0:
0x88: {  	s2 =	sld [smem:$0x3FD9]  }
0x89: {  	s3 =	sld [smem:$0x3FFE];
	_ =	sdelay $0x1  }
0x8a: {  	s1 =	srdreg.scid  }
0x8b: {  	s0 =	sand.u32 $0x1, s1  }
0x8c: {  	s17 =	sshll.u32 s0, $0xA;
	s2 =	sadd.s32 s3, s2  }
0x8d: {  	s2 =	sadd.s32 s2, s17  }
0x8e: {  	[smem:$0x3FC0] =	sst s2  }
0x8f: {  	_ = 	snop  }
0x90: {  	s2 =	sld [smem:$0x3FD0];
	(tm) =	ssettm $0x1  }
0x91: {  	s18 =	sld [smem:$0x3FFB];
	_ =	sdelay $0x3  }
0x92: {  	_ =	strace s18  }
0x93: {  	s3 =	sld [smem:$0x3FFC];
	_ =	sdelay $0x3  }
0x94: {  	_ =	strace s3  }
0x95: {  	s3 =	sld [smem:$0x3FFD];
	_ =	sdelay $0x3  }
0x96: {  	_ =	strace s3  }
0x97: {  	_ =	strace $0x8FFFFFFF  }
0x98: {  	s19 =	sld [smem:$0x3FDB];
	_ =	sdelay $0x1  }
0x99: {  	s4 =	simm.s32 $_scs_section_size  }
0x9a: {  	s5 =	simm.s32 $_size__tile_overlayer_lowered;
	s6 =	simm.s32 $_tile_overlayer_lowered  }
0x9b: {  	s22 =	simm.s32 $0x1BFF;
	s21 =	sshll.u32 s6, $0x1;
	s3 =	sadd.s32 s4, s19  }
0x9c: {  	s7 =	simm.s32 $0x0;
	s20 =	sshll.u32 s5, $0x1;
	s5 =	sadd.s32 s21, s3  }
0x9d: {  	[timem:s7], [sflag:s22] =	dma.local [hbm:s5], s20  }
0x9e: {  	_ =	swait.ge [sflag:s22], s20  }
0x9f: {  	s4 =	ssub.s32 $0x0, s20;
	[sflag:s22] =	ssyncset.done $0x0  }
0xa0: {  	[sflag:s22] =	ssyncadd.s32 s4;
	_ =	sdelay $0x1  }
0xa1: {  	s23 =	simm.s32 $0x1B8B  }
0xa2: {  	_ =	swait.ge [sflag:s23], $0x1  }
0xa3: {  	[sflag:s23] =	ssyncset.done $0x0  }
0xa4: {  	s25 =	simm.s32 $0x1B8E;
	s24 =	sld [smem:$0x3FFE];
	[sflag:s23] =	ssyncadd.s32 $0xFFFFFFFF  }
0xa5: {  	s26 =	simm.s32 $execute0_lowered;
	[smem:$0x3FD2] =	sst s25  }
0xa6: {  	s5 =	sshll.u32 s26, $0x1;
	_ =	strace $0x8000004F;
	[dreg:$0x1] =	wrdreg $0xFFFFFFFF  }
0xa7: {  	s28 =	simm.s32 $_size_execute0_lowered;
	s3 =	sadd.s32 s3, s5;
	[dreg:$0x0] =	wrdreg $0x0  }
0xa8: {  	s5 =	sshll.u32 s28, $0x1;
	[dreg:$0x2] =	wrdreg s3  }
0xa9: {  	[dreg:$0x3] =	wrdreg s5  }
0xaa: {  	[dreg:$0x4] =	wrdreg $0xC0  }
0xab: {  	_ =	task [dreg:s7], $0x5FFFF  }
0xac: {  	[dreg:$0x1] =	wrdreg $0xFFFFFFFF  }
0xad: {  	[dreg:$0x0] =	wrdreg $0x60  }
0xae: {  	[dreg:$0x2] =	wrdreg s24  }
0xaf: {  	[dreg:$0x3] =	wrdreg s2  }
0xb0: {  	[dreg:$0x4] =	wrdreg $0xA9000  }
0xb1: {  	[dreg:$0x5] =	wrdreg $0x9  }
0xb2: {  	_ =	task.clear_ibuf [dreg:s7], $0x6FFFF;
	_ =	strace $0x9000004F  }
0xb3: {  	s29 =	simm.s32 $0x9;
	_ =	strace $0x80000051  }
0xb4: {  	_ =	swait.ge [sflag:s29], $0x1  }
0xb5: {  	[sflag:s29] =	ssyncadd.s32 $0xFFFFFFFF  }
0xb6: {  	_ =	strace $0x90000051  }
0xb7: {  	_ =	sfence  }
0xb8: {  	s30 =	sld [smem:$0x0];
	_ =	sdelay $0x2  }
0xb9: {  	s31 =	sshll.u32 s1, $0xD;
	s1 =	sshrl.u32 s1, $0x2  }
0xba: {  	s3 =	sand.u32 $0x4000, s31;
	s1 =	sadd.s32 s1, s30  }
0xbb: {  	s0 =	sor.u32 s3, s0;
	s1 =	sshll.u32 s1, $0x11  }
0xbc: {  	s0 =	sor.u32 s1, s0  }
0xbd: {  	s0 =	sadd.s32 $0x8F2B, s0  }
0xbe: {  	[sflag:s0] =	ssyncadd.remote.s32 $0x1  }
0xbf: {  	_ =	sfence.sel $0xFFFF  }
0xc0: {  	[dreg:$0x0] =	wrdreg $0xFFFFFFFF;
	(pc) =	sbr.abs _section_cstart, $3  }
0xc1: {  	[dreg:$0x1] =	wrdreg $0xFFFFFFFF  }
0xc2: {  	_ =	task.clear_ibuf [dreg:s7], $0x2FFFF;
	_ =	strace $0x9FFFFFFF  }
0xc3: {  	(tm) =	ssettm $0x7FFFFFFF  }
tec
execute0_lowered:
.L_overlay_start_1:
0x0: {  	(tag) =	ssettag $0x1  }
0x1: {  	s7 =	rddreg [dreg:$0x0]  }
0x2: {  	s9 =	rddreg [dreg:$0x1]  }
0x3: {  	s1 =	rddreg [dreg:$0x2];
	s2 =	simm.s32 $0x0  }
0x4: {  	s3 =	srdreg.scid;
	s0 =	stileid.u32;
	s18 =	simm.s32 $0x80  }
0x5: {  	s19 =	simm.s32 $0x2900;
	s20 =	simm.s32 $0x1;
	s21 =	simm.s32 $0x4  }
0x6: {  	s22 =	simm.s32 $0x6900;
	s23 =	simm.s32 $0x2;
	s24 =	simm.s32 $0x2800  }
0x7: {  	s25 =	simm.s32 $0x2880;
	s26 =	simm.s32 $0x0;
	[smem:$0x7FF] =	sst s2  }
0x8: {  	s8 =	sand.u32 $0x1, s3;
	s4 =	sadd.s32 $0x5FC00, s7;
	s11 =	smul.u32 $0x14000, s0  }
0x9: {  	s5 =	sadd.s32 $0x2C00, s7;
	s6 =	sadd.s32 $0xD400, s7;
	s14 =	smul.u32 $0x50000, s0  }
0xa: {  	s30 =	sshll.u32 s0, $0x6;
	s17 =	smul.u32 $0x500, s0;
	_ =	strace $0x80000050  }
0xb: {  	s10 =	smul.u32 $0x140000, s8;
	s12 =	sshll.u32 s8, $0x4;
	s28 =	ssub.s32 $0x2, s8  }
0xc: {  	s31 =	smul.u32 $0x5000, s8;
	s8 =	sor.u32 $0x1C05, s30;
	s12 =	sor.u32 s0, s12  }
0xd: {  	s13 =	sshrl.u32 s28, $0x1;
	s29 =	sshrl.u32 s14, $0x2;
	s10 =	sadd.s32 s11, s10  }
0xe: {  	s12 =	smul.u32 $0x500, s12;
	s13 =	ssub.s32 s28, s13;
	s16 =	sadd.s32 s29, s1  }
0xf: {  	s10 =	sshrl.u32 s10, $0x3;
	s14 =	sshrl.u32 s16, $0x3;
	s16 =	simm.s32 $0x100  }
0x10: {  	s15 =	sadd.s32 s10, s7;
	s7 =	sadd.s32 s5, s12;
	s9 =	sadd.s32 s9, s12  }
0x11: {  	s12 =	smax.u32 s13, $0x1;
	s13 =	sadd.s32 s17, s31;
	s17 =	simm.s32 $0x3  }
0x12: {  	s10 =	sadd.s32 $0x10, s7;
	s11 =	sadd.s32 $0x87C00, s15;
	s15 =	simm.s32 $0x5  }
.LBB2_1:
0x13: {  	[tilespmem:s2], [sflag:$0x3] =	stream.linear.gather [hbm4b:s7+s2], $0x80, $0x38;
	[tilespmem:$0x1E900] =	vst v63  }
0x14: {  	[spmem:s14], [sflag:s8] =	dma.local [hbm:s6], $0x2800  }
0x15: {  	_ =	swait.ge [sflag:s15], $0x2800  }
0x16: {  	[sflag:s15] =	ssyncset.done $0x0  }
0x17: {  	[sflag:s15] =	ssyncadd.s32 $0xFFFFD800  }
0x18: {  	[tilespmem:s16], [sflag:$0x5] =	stream.linear.gather [hbm4b:s9+s2], $0x2800, $0x38;
	[tilespmem:$0x1E900] =	vst v63  }
0x19: {  	_ =	swait.ge [sflag:s15], $0x2800  }
0x1a: {  	[sflag:s15] =	ssyncset.done $0x0  }
0x1b: {  	[sflag:s15] =	ssyncadd.s32 $0xFFFFD800  }
0x1c: {  	[bflag:$0x0] =	sbarrier.arrive $0xFFFF  }
0x1d: {  	_ =	swait.ge [sflag:s17], $0x80  }
0x1e: {  	[sflag:s17] =	ssyncset.done $0x0  }
0x1f: {  	[sflag:s17] =	ssyncadd.s32 $0xFFFFFF80  }
0x20: {  	[tilespmem:s19], [sflag:$0x1] =	stream.indirect.gather [hbm4b:s4+s18], $0x80, s2, s18, $0xb8;
	[tilespmem:$0x1E900] =	vst v63  }
0x21: {  	_ = 	snop  }
0x22: {  	[tilespmem:s18], [sflag:$0x4] =	stream.linear.gather [hbm4b:s10+s2], $0x80, $0x38;
	[tilespmem:$0x1E900] =	vst v63  }
0x23: {  	_ =	swait.ge [sflag:s20], $0x4000  }
0x24: {  	[sflag:s20] =	ssyncset.done $0x0  }
0x25: {  	[sflag:s20] =	ssyncadd.s32 $0xFFFFC000  }
0x26: {  	_ =	swait.ge [sflag:s21], $0x80  }
0x27: {  	[sflag:s21] =	ssyncset.done $0x0  }
0x28: {  	[sflag:s21] =	ssyncadd.s32 $0xFFFFFF80  }
0x29: {  	[tilespmem:s22], [sflag:$0x2] =	stream.indirect.gather [hbm4b:s4+s18], $0x80, s18, s18, $0xb8;
	[tilespmem:$0x1E900] =	vst v63  }
0x2a: {  	s28 =	simm.s32 $0x100;
	s29 =	sadd.s32 $0x30, s13;
	s30 =	simm.s32 $0x20  }
0x2b: {  	[spmem:s1] =	stream.indirect.scatter.add.f32 [tilespmem:s19], [sflag:$0x5], $0x80, s28, s18, $0xb8;
	[tilespmem:$0x1E900] =	vst v63  }
0x2c: {  	s30 =	sand.u32 $0x60, s30;
	s28 =	sadd.s32 $0xFFFFFFF0, s29;
	_ =	swait.ge [sflag:s15], $0x4000  }
0x2d: {  	s30 =	sadd.s32 s5, s30;
	s28 =	sand.u32 $0xFFFFF80, s28;
	[sflag:s15] =	ssyncset.done $0x0  }
0x2e: {  	s28 =	sadd.s32 s28, s30;
	[sflag:s15] =	ssyncadd.s32 $0xFFFFC000  }
0x2f: {  	[tilespmem:s2], [sflag:$0x3] =	stream.linear.gather [hbm4b:s28+s2], $0x80, $0x38;
	[tilespmem:$0x1E900] =	vst v63  }
0x30: {  	_ =	swait.ge [sflag:s23], $0x4000  }
0x31: {  	[sflag:s23] =	ssyncset.done $0x0  }
0x32: {  	[sflag:s23] =	ssyncadd.s32 $0xFFFFC000  }
0x33: {  	_ =	swait.ge [sflag:s17], $0x80  }
0x34: {  	[sflag:s17] =	ssyncset.done $0x0  }
0x35: {  	s30 =	simm.s32 $0x30;
	[sflag:s17] =	ssyncadd.s32 $0xFFFFFF80  }
0x36: {  	[tilespmem:s19], [sflag:$0x1] =	stream.indirect.gather [hbm4b:s4+s18], $0x80, s2, s18, $0xb8;
	[tilespmem:$0x1E900] =	vst v63  }
0x37: {  	s30 =	sand.u32 $0x70, s30;
	s28 =	simm.s32 $0x180  }
0x38: {  	[spmem:s1] =	stream.indirect.scatter.add.f32 [tilespmem:s22], [sflag:$0x5], $0x80, s28, s18, $0xb8;
	[tilespmem:$0x1E900] =	vst v63  }
0x39: {  	s29 =	sand.u32 $0xFFFFF80, s29;
	s30 =	sadd.s32 s5, s30;
	_ =	swait.ge [sflag:s15], $0x4000  }
0x3a: {  	s30 =	sadd.s32 s29, s30;
	[sflag:s15] =	ssyncset.done $0x0  }
0x3b: {  	s29 =	simm.s32 $0x280;
	s28 =	simm.s32 $0x50;
	[sflag:s15] =	ssyncadd.s32 $0xFFFFC000  }
.LBB2_2:
0x3c: {  	[tilespmem:s18], [sflag:$0x4] =	stream.linear.gather [hbm4b:s30+s2], $0x80, $0x38;
	[tilespmem:$0x1E900] =	vst v63  }
0x3d: {  	s30 =	smov.u32 s28  }
0x3e: {  	p0 =	sne.s32 s28, $0x4F0;
	s28 =	sadd.s32 $0x20, s28;
	_ =	swait.ge [sflag:s20], $0x4000  }
0x3f: {  	[sflag:s20] =	ssyncset.done $0x0  }
0x40: {  	[sflag:s20] =	ssyncadd.s32 $0xFFFFC000  }
0x41: {  	_ =	swait.ge [sflag:s21], $0x80  }
0x42: {  	[sflag:s21] =	ssyncset.done $0x0  }
0x43: {  	[sflag:s21] =	ssyncadd.s32 $0xFFFFFF80  }
0x44: {  	[tilespmem:s22], [sflag:$0x2] =	stream.indirect.gather [hbm4b:s4+s18], $0x80, s18, s18, $0xb8;
	[tilespmem:$0x1E900] =	vst v63  }
0x45: {  	s31 =	sadd.s32 $0xFFFFFF80, s29;
	s0 =	sadd.s32 s30, s13;
	s3 =	sadd.s32 $0xFFFFFFF0, s30  }
0x46: {  	[spmem:s1] =	stream.indirect.scatter.add.f32 [tilespmem:s19], [sflag:$0x5], $0x80, s31, s18, $0xb8;
	[tilespmem:$0x1E900] =	vst v63  }
0x47: {  	s3 =	sand.u32 $0x60, s3;
	s31 =	sadd.s32 $0xFFFFFFF0, s0;
	_ =	swait.ge [sflag:s15], $0x4000  }
0x48: {  	s3 =	sadd.s32 s5, s3;
	s31 =	sand.u32 $0xFFFFF80, s31;
	[sflag:s15] =	ssyncset.done $0x0  }
0x49: {  	s0 =	sand.u32 $0xFFFFF80, s0;
	s3 =	sadd.s32 s31, s3;
	[sflag:s15] =	ssyncadd.s32 $0xFFFFC000  }
0x4a: {  	[tilespmem:s2], [sflag:$0x3] =	stream.linear.gather [hbm4b:s3+s2], $0x80, $0x38;
	[tilespmem:$0x1E900] =	vst v63  }
0x4b: {  	_ =	swait.ge [sflag:s23], $0x4000  }
0x4c: {  	[sflag:s23] =	ssyncset.done $0x0  }
0x4d: {  	[sflag:s23] =	ssyncadd.s32 $0xFFFFC000  }
0x4e: {  	_ =	swait.ge [sflag:s17], $0x80  }
0x4f: {  	[sflag:s17] =	ssyncset.done $0x0  }
0x50: {  	[sflag:s17] =	ssyncadd.s32 $0xFFFFFF80  }
0x51: {  	[tilespmem:s19], [sflag:$0x1] =	stream.indirect.gather [hbm4b:s4+s18], $0x80, s2, s18, $0xb8;
	[tilespmem:$0x1E900] =	vst v63  }
.Ltmp0:
0x52: {  	(pc) =	sbr.rel @p0 .LBB2_2-.Ltmp0, $4  }
0x53: {  	[spmem:s1] =	stream.indirect.scatter.add.f32 [tilespmem:s22], [sflag:$0x5], $0x80, s29, s18, $0xb8;
	[tilespmem:$0x1E900] =	vst v63  }
0x54: {  	s3 =	sand.u32 $0x70, s30;
	_ =	swait.ge [sflag:s15], $0x4000  }
0x55: {  	s3 =	sadd.s32 s5, s3;
	[sflag:s15] =	ssyncset.done $0x0  }
0x56: {  	s30 =	sadd.s32 s0, s3;
	s29 =	sadd.s32 $0x100, s29;
	[sflag:s15] =	ssyncadd.s32 $0xFFFFC000  }
0x57: {  	[tilespmem:s18], [sflag:$0x4] =	stream.linear.gather [hbm4b:s30+s2], $0x80, $0x38;
	[tilespmem:$0x1E900] =	vst v63  }
0x58: {  	_ =	swait.ge [sflag:s20], $0x4000  }
0x59: {  	[sflag:s20] =	ssyncset.done $0x0  }
0x5a: {  	[sflag:s20] =	ssyncadd.s32 $0xFFFFC000  }
0x5b: {  	_ =	swait.ge [sflag:s21], $0x80  }
0x5c: {  	[sflag:s21] =	ssyncset.done $0x0  }
0x5d: {  	[sflag:s21] =	ssyncadd.s32 $0xFFFFFF80  }
0x5e: {  	[tilespmem:s22], [sflag:$0x2] =	stream.indirect.gather [hbm4b:s4+s18], $0x80, s18, s18, $0xb8;
	[tilespmem:$0x1E900] =	vst v63  }
0x5f: {  	_ = 	snop  }
0x60: {  	[spmem:s1] =	stream.indirect.scatter.add.f32 [tilespmem:s19], [sflag:$0x5], $0x80, s24, s18, $0xb8;
	[tilespmem:$0x1E900] =	vst v63  }
0x61: {  	_ =	swait.ge [sflag:s15], $0x4000  }
0x62: {  	[sflag:s15] =	ssyncset.done $0x0  }
0x63: {  	[sflag:s15] =	ssyncadd.s32 $0xFFFFC000  }
0x64: {  	_ =	swait.ge [sflag:s23], $0x4000  }
0x65: {  	[sflag:s23] =	ssyncset.done $0x0  }
0x66: {  	[sflag:s23] =	ssyncadd.s32 $0xFFFFC000  }
0x67: {  	[spmem:s1] =	stream.indirect.scatter.add.f32 [tilespmem:s22], [sflag:$0x5], $0x80, s25, s18, $0xb8;
	[tilespmem:$0x1E900] =	vst v63  }
0x68: {  	_ =	swait.ge [sflag:s15], $0x4000  }
0x69: {  	s26 =	sadd.s32 $0x1, s26;
	[sflag:s15] =	ssyncset.done $0x0  }
0x6a: {  	p0 =	sne.s32 s26, s12;
	[sflag:s15] =	ssyncadd.s32 $0xFFFFC000  }
.Ltmp1:
0x6b: {  	[bflag:$0x0] =	sbarrier.arrive $0xFFFF;
	(pc) =	sbr.rel @p0 .LBB2_1-.Ltmp1, $4  }
0x6c: {  	[hbm:s11], [sflag:s8] =	dma.local [spmem:s14], $0x2800  }
0x6d: {  	_ =	swait.ge [sflag:s15], $0x2800  }
0x6e: {  	[sflag:s15] =	ssyncset.done $0x0  }
0x6f: {  	[sflag:s15] =	ssyncadd.s32 $0xFFFFD800  }
0x70: {  	_ =	sfence.sel $0x180000  }
0x71: {  	[bflag:$0x0] =	sbarrier.arrive $0xFFFF  }
0x72: {  	_ =	strace $0x90000050  }
0x73: {  	s0 =	stileid.u32;
	[bflag:$0x2] =	sbarrier.arrive $0xFFFF  }
0x74: {  	p0 =	sne.s32 s0, $0x0;
	s0 =	rddreg [dreg:$0x3]  }
0x75: {  	s0 =	sadd.s32 @!p0 $0x100000, s0  }
0x76: {  	[sflag:s0] =	ssyncadd.tile.s32 @!p0 $0x1;
	_ =	shalt  }
.Lfunc_end2:
_tile_overlayer_lowered:
.L_overlay_start_2:
0x77: {  	(tag) =	ssettag $0x2  }
0x78: {  	s0 =	rddreg [dreg:$0x0];
	s2 =	stileid.u32  }
0x79: {  	s1 =	rddreg [dreg:$0x1];
	p0 =	sne.s32 s2, $0x0  }
0x7a: {  	s3 =	rddreg [dreg:$0x2];
	[bflag:$0x3] =	sbarrier.arrive $0xFFFF;
	s2 =	simm.s32 @!p0 $0x1C05  }
0x7b: {  	[timem:s3], [sflag:s2] =	dma.local @!p0 [hbm:s0], s1  }
0x7c: {  	s0 =	simm.s32 @!p0 $0x5  }
0x7d: {  	_ =	swait.ge @!p0 [sflag:s0], s1  }
0x7e: {  	s1 =	ssub.s32 @!p0 $0x0, s1;
	[sflag:s0] =	ssyncset.done @!p0 $0x0  }
0x7f: {  	[sflag:s0] =	ssyncadd.s32 @!p0 s1  }
0x80: {  	[bflag:$0x3] =	sbarrier.arrive $0xFFFF  }
0x81: {  	_ =	shalt  }

</sc_bundles>
